<compile_context>
chip_gen: v7x
topology: tpu7x:2x2x1
jax: 0.10.2.dev20260603
libtpu: 0.0.44.dev20260713+nightly
codegen_flags: <defaults>
</compile_context>

<pallas_src>
import functools

import jax
import jax.numpy as jnp
from jax import lax
from jax.experimental import pallas as pl
from jax.experimental.pallas import tpu as pltpu
from jax.experimental.pallas import tpu_sc as plsc

N_BINS = 15
N = 4_000_000
NC, NS = 2, 16
NW = NC * NS
L = 16

MAIN_PER_W = 124_992
CHUNK_V = 651
UNROLL = 7
CHUNK = CHUNK_V * L
N_CHUNKS = 12
TAIL_BASE = NW * MAIN_PER_W
TAIL_VECS = (N - TAIL_BASE) // L




def _make_sc_call():
    mesh = plsc.VectorSubcoreMesh(
        core_axis_name="c", subcore_axis_name="s", num_cores=NC, num_subcores=NS
    )

    @functools.partial(
        pl.kernel,
        out_type=jax.ShapeDtypeStruct((NW, 3, L), jnp.float32),
        mesh=mesh,
        compiler_params=pltpu.CompilerParams(needs_layout_passes=False),
        scratch_types=[
            pltpu.VMEM((CHUNK,), jnp.float32),
            pltpu.VMEM((CHUNK,), jnp.float32),
            pltpu.VMEM((CHUNK,), jnp.int32),
            pltpu.VMEM((CHUNK,), jnp.int32),
            pltpu.VMEM((CHUNK,), jnp.int32),
            pltpu.VMEM((CHUNK,), jnp.int32),
            pltpu.VMEM((L,), jnp.float32),
            pltpu.VMEM((L * L,), jnp.float32),
            pltpu.VMEM((L * L,), jnp.float32),
            pltpu.VMEM((L * L,), jnp.float32),
            pltpu.VMEM((L,), jnp.float32),
            pltpu.VMEM((L,), jnp.int32),
            pltpu.VMEM((L,), jnp.int32),
            pltpu.VMEM((3, L), jnp.float32),
            pltpu.SemaphoreType.DMA,
            pltpu.SemaphoreType.DMA,
        ],
    )
    def ece_kernel(conf_hbm, pred_hbm, lab_hbm, bnd_hbm, out_hbm,
                   conf_b0, conf_b1, pred_b0, pred_b1, lab_b0, lab_b1,
                   bnd_v, tbl_cnt, tbl_conf, tbl_acc,
                   tconf, tpred, tlab, obuf, sem0, sem1):
        wid = lax.axis_index("s") * NC + lax.axis_index("c")
        base = wid * MAIN_PER_W
        sems = (sem0, sem1)
        conf_bufs = (conf_b0, conf_b1)
        pred_bufs = (pred_b0, pred_b1)
        lab_bufs = (lab_b0, lab_b1)

        pltpu.sync_copy(bnd_hbm, bnd_v)

        zeros = jnp.zeros((L,), jnp.float32)

        def zero_body(i, _):
            tbl_cnt[pl.ds(i * L, L)] = zeros
            tbl_conf[pl.ds(i * L, L)] = zeros
            tbl_acc[pl.ds(i * L, L)] = zeros
            return 0

        lax.fori_loop(0, L, zero_body, 0)

        lane = lax.iota(jnp.int32, L)
        lane_row = lane * L
        ones = jnp.ones((L,), jnp.float32)

        def process_vec(cb, pb, lb, i):
            s = pl.ds(i * L, L)
            c = cb[s]
            p = pb[s]
            lbl = lb[s]
            b = jnp.minimum((c * jnp.float32(N_BINS)).astype(jnp.int32),
                            N_BINS - 1)
            valid = c > jnp.float32(0.0)
            idx = lane_row + b
            plsc.addupdate_scatter(tbl_cnt, [idx], ones, mask=valid)
            plsc.addupdate_scatter(tbl_conf, [idx], c, mask=valid)
            plsc.addupdate_scatter(tbl_acc, [idx], ones,
                                   mask=valid & (p == lbl))

        def start_chunk(c_idx, buf):
            off = base + c_idx * CHUNK
            sl = pl.ds(off, CHUNK)
            sem = sems[buf]
            return (
                pltpu.async_copy(conf_hbm.at[sl], conf_bufs[buf], sem),
                pltpu.async_copy(pred_hbm.at[sl], pred_bufs[buf], sem),
                pltpu.async_copy(lab_hbm.at[sl], lab_bufs[buf], sem),
            )

        inflight = {0: start_chunk(0, 0)}
        for c_idx in range(N_CHUNKS):
            buf = c_idx % 2
            if c_idx + 1 < N_CHUNKS:
                inflight[c_idx + 1] = start_chunk(c_idx + 1, 1 - buf)
            for cp in inflight.pop(c_idx):
                cp.wait()
            cb = conf_bufs[buf]
            pb = pred_bufs[buf]
            lb = lab_bufs[buf]

            @plsc.parallel_loop(0, CHUNK_V, 1, unroll=UNROLL)
            def _(i, cb=cb, pb=pb, lb=lb):
                process_vec(cb, pb, lb, i)

        @pl.when(wid < TAIL_VECS)
        def _():
            off = TAIL_BASE + wid * L
            cp1 = pltpu.async_copy(conf_hbm.at[pl.ds(off, L)], tconf, sem0)
            cp2 = pltpu.async_copy(pred_hbm.at[pl.ds(off, L)], tpred, sem0)
            cp3 = pltpu.async_copy(lab_hbm.at[pl.ds(off, L)], tlab, sem0)
            cp1.wait()
            cp2.wait()
            cp3.wait()
            process_vec(tconf, tpred, tlab, 0)

        cnt = jnp.zeros((L,), jnp.float32)
        csm = jnp.zeros((L,), jnp.float32)
        asm = jnp.zeros((L,), jnp.float32)
        for row in range(L):
            cnt = cnt + tbl_cnt[pl.ds(row * L, L)]
            csm = csm + tbl_conf[pl.ds(row * L, L)]
            asm = asm + tbl_acc[pl.ds(row * L, L)]
        obuf[0] = cnt
        obuf[1] = csm
        obuf[2] = asm
        pltpu.sync_copy(obuf, out_hbm.at[wid])

    return ece_kernel


_ece_kernel = _make_sc_call()


def kernel(confidences, predictions, labels):
    bnd = jnp.linspace(0.0, 1.0, N_BINS + 1).astype(jnp.float32)
    parts = _ece_kernel(
        confidences,
        predictions.astype(jnp.int32),
        labels.astype(jnp.int32),
        bnd,
    )
    tot = parts.sum(axis=0)
    count = tot[0, :N_BINS]
    conf_sum = tot[1, :N_BINS]
    acc_sum = tot[2, :N_BINS]
    prop_in_bin = count / N
    safe_count = jnp.maximum(count, 1.0)
    accuracy_in_bin = acc_sum / safe_count
    avg_confidence_in_bin = conf_sum / safe_count
    contrib = jnp.where(
        count > 0,
        jnp.abs(avg_confidence_in_bin - accuracy_in_bin) * prop_in_bin,
        0.0,
    )
    return jnp.reshape(contrib.sum(), (1,))

# --- scband reference (transcript-rebuilt; emitter-appended) ---
"""Pipeline reference for scband-eceloss-6442450944476 (READ-ONLY COPY).

The authoritative reference and input builder live on the scoring server;
editing this copy changes nothing except your own understanding.
"""

import jax, jax.numpy as jnp
import numpy as np

N_BINS = 15

def setup_inputs(seed: int = 0) -> dict:
    key = jax.random.key(seed)
    k1, k2, k3 = jax.random.split(key, 3)
    N = 4000000
    confidences = jax.random.uniform(k1, (N,), dtype=jnp.float32)
    predictions = jax.random.randint(k2, (N,), 0, 1000, dtype=jnp.int64)
    labels = jax.random.randint(k3, (N,), 0, 1000, dtype=jnp.int64)
    return {"confidences": confidences, "predictions": predictions, "labels": labels}


def reference(confidences, predictions, labels):
    accuracies = (predictions == labels).astype(jnp.float32)
    bin_boundaries = jnp.linspace(0.0, 1.0, N_BINS + 1)
    bin_lowers = bin_boundaries[:-1]
    bin_uppers = bin_boundaries[1:]
    N = confidences.shape[0]
    # mask per bin: conf > lower AND conf <= upper  -> [n_bins, N]
    in_bin = (confidences[None, :] > bin_lowers[:, None]) & (
        confidences[None, :] <= bin_uppers[:, None]
    )
    in_bin_f = in_bin.astype(jnp.float32)
    count = in_bin_f.sum(axis=1)
    prop_in_bin = count / N
    acc_sum = (in_bin_f * accuracies[None, :]).sum(axis=1)
    conf_sum = (in_bin_f * confidences[None, :]).sum(axis=1)
    safe_count = jnp.maximum(count, 1.0)
    accuracy_in_bin = acc_sum / safe_count
    avg_confidence_in_bin = conf_sum / safe_count
    contrib = jnp.where(
        count > 0,
        jnp.abs(avg_confidence_in_bin - accuracy_in_bin) * prop_in_bin,
        0.0,
    )
    ece = contrib.sum()
    return jnp.reshape(ece, (1,))

if __name__ == "__main__":
    import jax
    _d = setup_inputs()
    print(jax.jit(kernel)(*tuple(_d.values())))

</pallas_src>

<mosaic_0001>
#map = affine_map<(d0, d1) -> (0)>
#map1 = affine_map<(d0, d1) -> (0, 0, 0)>
module attributes {stable_mosaic.version = 14 : i64} {
  func.func @ece_kernel(%arg0: i32, %arg1: i32, %arg2: memref<4000000xf32, #tpu.memory_space<hbm>>, %arg3: memref<4000000xi32, #tpu.memory_space<hbm>>, %arg4: memref<4000000xi32, #tpu.memory_space<hbm>>, %arg5: memref<16xf32, #tpu.memory_space<hbm>>, %arg6: memref<32x3x16xf32, #tpu.memory_space<hbm>>, %arg7: memref<10416xf32, #tpu.memory_space<vmem>>, %arg8: memref<10416xf32, #tpu.memory_space<vmem>>, %arg9: memref<10416xi32, #tpu.memory_space<vmem>>, %arg10: memref<10416xi32, #tpu.memory_space<vmem>>, %arg11: memref<10416xi32, #tpu.memory_space<vmem>>, %arg12: memref<10416xi32, #tpu.memory_space<vmem>>, %arg13: memref<16xf32, #tpu.memory_space<vmem>>, %arg14: memref<256xf32, #tpu.memory_space<vmem>>, %arg15: memref<256xf32, #tpu.memory_space<vmem>>, %arg16: memref<256xf32, #tpu.memory_space<vmem>>, %arg17: memref<16xf32, #tpu.memory_space<vmem>>, %arg18: memref<16xi32, #tpu.memory_space<vmem>>, %arg19: memref<16xi32, #tpu.memory_space<vmem>>, %arg20: memref<3x16xf32, #tpu.memory_space<vmem>>, %arg21: memref<!tpu.dma_semaphore, #tpu.memory_space<semaphore_mem>>, %arg22: memref<!tpu.dma_semaphore, #tpu.memory_space<semaphore_mem>>) attributes {dimension_semantics = [#tpu.dimension_semantics<core_parallel>, #tpu.dimension_semantics<subcore_parallel>], iteration_bounds = array<i64: 2, 16>, scalar_prefetch = 0 : i64, scratch_operands = 16 : i64, tpu.core_type = #tpu.core_type<sc_vector_subcore>, window_params = [{transform_indices = #map}, {transform_indices = #map}, {transform_indices = #map}, {transform_indices = #map}, {transform_indices = #map1}]} {
    %mul3A = arith.constant 2 : i32
    %mul3A_0 = arith.muli %arg1, %mul3A : i32
    %add3A = arith.addi %mul3A_0, %arg0 : i32
    %mul3A_1 = arith.constant 124992 : i32
    %mul3A_2 = arith.muli %add3A, %mul3A_1 : i32
    "tpu.region"() ({
      %run_scoped3A = tpu.sem_alloc : memref<!tpu.dma_semaphore, #tpu.memory_space<semaphore_mem>>
      tpu.enqueue_dma source(%arg5 : memref<16xf32, #tpu.memory_space<hbm>>) target(%arg13 : memref<16xf32, #tpu.memory_space<vmem>>) target_semaphore(%run_scoped3A : memref<!tpu.dma_semaphore, #tpu.memory_space<semaphore_mem>>)
      tpu.wait_dma2 semaphore(%run_scoped3A : memref<!tpu.dma_semaphore, #tpu.memory_space<semaphore_mem>>) src(%arg5 : memref<16xf32, #tpu.memory_space<hbm>>) dst(%arg13 : memref<16xf32, #tpu.memory_space<vmem>>)
      tpu.yield
    }) : () -> ()
    %broadcast_in_dim3A = arith.constant 0.000000e+00 : f32
    %broadcast_in_dim3A_3 = vector.broadcast %broadcast_in_dim3A : f32 to vector<16xf32>
    %scan3A = arith.constant 0 : i32
    %scan3A_4 = arith.constant 0 : i32
    %scan3A_5 = arith.constant 16 : i32
    %scan3A_6 = arith.addi %scan3A_4, %scan3A_5 : i32
    %scan3A_7 = arith.constant 1 : i32
    %scan3A_8 = scf.for %scan3A_378 = %scan3A_4 to %scan3A_6 step %scan3A_7 iter_args(%scan3A_379 = %scan3A) -> (i32)  : i32 {
      %mul3A_380 = arith.constant 16 : i32
      %mul3A_381 = arith.muli %scan3A_378, %mul3A_380 : i32
      %swap3A_382 = arith.index_cast %mul3A_381 : i32 to index
      %swap3A_383 = tpu.vector_load %arg14[%swap3A_382] {strides = array<i32>} : memref<256xf32, #tpu.memory_space<vmem>>, vector<16xf32>,
      tpu.vector_store %arg14[%swap3A_382], %broadcast_in_dim3A_3 {strides = array<i32>} : memref<256xf32, #tpu.memory_space<vmem>>, vector<16xf32>,
      %mul3A_384 = arith.constant 16 : i32
      %mul3A_385 = arith.muli %scan3A_378, %mul3A_384 : i32
      %swap3A_386 = arith.index_cast %mul3A_385 : i32 to index
      %swap3A_387 = tpu.vector_load %arg15[%swap3A_386] {strides = array<i32>} : memref<256xf32, #tpu.memory_space<vmem>>, vector<16xf32>,
      tpu.vector_store %arg15[%swap3A_386], %broadcast_in_dim3A_3 {strides = array<i32>} : memref<256xf32, #tpu.memory_space<vmem>>, vector<16xf32>,
      %mul3A_388 = arith.constant 16 : i32
      %mul3A_389 = arith.muli %scan3A_378, %mul3A_388 : i32
      %swap3A_390 = arith.index_cast %mul3A_389 : i32 to index
      %swap3A_391 = tpu.vector_load %arg16[%swap3A_390] {strides = array<i32>} : memref<256xf32, #tpu.memory_space<vmem>>, vector<16xf32>,
      tpu.vector_store %arg16[%swap3A_390], %broadcast_in_dim3A_3 {strides = array<i32>} : memref<256xf32, #tpu.memory_space<vmem>>, vector<16xf32>,
      %scan3A_392 = arith.constant 0 : i32
      scf.yield %scan3A_392 : i32
    }
    %scan3A_9 = arith.constant 16 : i32
    %iota3A = tpu.iota {dimensions = array<i32: 0>} : vector<16xi32>
    %mul3A_10 = arith.constant 16 : i32
    %mul3A_11 = vector.broadcast %mul3A_10 : i32 to vector<16xi32>
    %mul3A_12 = arith.muli %iota3A, %mul3A_11 : vector<16xi32>
    %broadcast_in_dim3A_13 = arith.constant 1.000000e+00 : f32
    %broadcast_in_dim3A_14 = vector.broadcast %broadcast_in_dim3A_13 : f32 to vector<16xf32>
    %add3A_15 = arith.constant 0 : i32
    %add3A_16 = arith.addi %mul3A_2, %add3A_15 : i32
    %dma_start3A = tpu.memref_slice %arg2[%add3A_16] : memref<4000000xf32, #tpu.memory_space<hbm>> -> memref<10416xf32, #tpu.memory_space<hbm>>
    %dma_start3A_17 = tpu.memref_slice %arg2[%add3A_16] : memref<4000000xf32, #tpu.memory_space<hbm>> -> memref<10416xf32, #tpu.memory_space<hbm>>
    tpu.enqueue_dma source(%dma_start3A_17 : memref<10416xf32, #tpu.memory_space<hbm>>) target(%arg7 : memref<10416xf32, #tpu.memory_space<vmem>>) target_semaphore(%arg21 : memref<!tpu.dma_semaphore, #tpu.memory_space<semaphore_mem>>)
    %dma_start3A_18 = tpu.memref_slice %arg3[%add3A_16] : memref<4000000xi32, #tpu.memory_space<hbm>> -> memref<10416xi32, #tpu.memory_space<hbm>>
    %dma_start3A_19 = tpu.memref_slice %arg3[%add3A_16] : memref<4000000xi32, #tpu.memory_space<hbm>> -> memref<10416xi32, #tpu.memory_space<hbm>>
    tpu.enqueue_dma source(%dma_start3A_19 : memref<10416xi32, #tpu.memory_space<hbm>>) target(%arg9 : memref<10416xi32, #tpu.memory_space<vmem>>) target_semaphore(%arg21 : memref<!tpu.dma_semaphore, #tpu.memory_space<semaphore_mem>>)
    %dma_start3A_20 = tpu.memref_slice %arg4[%add3A_16] : memref<4000000xi32, #tpu.memory_space<hbm>> -> memref<10416xi32, #tpu.memory_space<hbm>>
    %dma_start3A_21 = tpu.memref_slice %arg4[%add3A_16] : memref<4000000xi32, #tpu.memory_space<hbm>> -> memref<10416xi32, #tpu.memory_space<hbm>>
    tpu.enqueue_dma source(%dma_start3A_21 : memref<10416xi32, #tpu.memory_space<hbm>>) target(%arg11 : memref<10416xi32, #tpu.memory_space<vmem>>) target_semaphore(%arg21 : memref<!tpu.dma_semaphore, #tpu.memory_space<semaphore_mem>>)
    %add3A_22 = arith.constant 10416 : i32
    %add3A_23 = arith.addi %mul3A_2, %add3A_22 : i32
    %dma_start3A_24 = tpu.memref_slice %arg2[%add3A_23] : memref<4000000xf32, #tpu.memory_space<hbm>> -> memref<10416xf32, #tpu.memory_space<hbm>>
    %dma_start3A_25 = tpu.memref_slice %arg2[%add3A_23] : memref<4000000xf32, #tpu.memory_space<hbm>> -> memref<10416xf32, #tpu.memory_space<hbm>>
    tpu.enqueue_dma source(%dma_start3A_25 : memref<10416xf32, #tpu.memory_space<hbm>>) target(%arg8 : memref<10416xf32, #tpu.memory_space<vmem>>) target_semaphore(%arg22 : memref<!tpu.dma_semaphore, #tpu.memory_space<semaphore_mem>>)
    %dma_start3A_26 = tpu.memref_slice %arg3[%add3A_23] : memref<4000000xi32, #tpu.memory_space<hbm>> -> memref<10416xi32, #tpu.memory_space<hbm>>
    %dma_start3A_27 = tpu.memref_slice %arg3[%add3A_23] : memref<4000000xi32, #tpu.memory_space<hbm>> -> memref<10416xi32, #tpu.memory_space<hbm>>
    tpu.enqueue_dma source(%dma_start3A_27 : memref<10416xi32, #tpu.memory_space<hbm>>) target(%arg10 : memref<10416xi32, #tpu.memory_space<vmem>>) target_semaphore(%arg22 : memref<!tpu.dma_semaphore, #tpu.memory_space<semaphore_mem>>)
    %dma_start3A_28 = tpu.memref_slice %arg4[%add3A_23] : memref<4000000xi32, #tpu.memory_space<hbm>> -> memref<10416xi32, #tpu.memory_space<hbm>>
    %dma_start3A_29 = tpu.memref_slice %arg4[%add3A_23] : memref<4000000xi32, #tpu.memory_space<hbm>> -> memref<10416xi32, #tpu.memory_space<hbm>>
    tpu.enqueue_dma source(%dma_start3A_29 : memref<10416xi32, #tpu.memory_space<hbm>>) target(%arg12 : memref<10416xi32, #tpu.memory_space<vmem>>) target_semaphore(%arg22 : memref<!tpu.dma_semaphore, #tpu.memory_space<semaphore_mem>>)
    %dma_wait3A = tpu.memref_slice %arg2[%add3A_16] : memref<4000000xf32, #tpu.memory_space<hbm>> -> memref<10416xf32, #tpu.memory_space<hbm>>
    %dma_wait3A_30 = tpu.memref_slice %arg2[%add3A_16] : memref<4000000xf32, #tpu.memory_space<hbm>> -> memref<10416xf32, #tpu.memory_space<hbm>>
    tpu.wait_dma2 semaphore(%arg21 : memref<!tpu.dma_semaphore, #tpu.memory_space<semaphore_mem>>) src(%dma_wait3A_30 : memref<10416xf32, #tpu.memory_space<hbm>>) dst(%arg7 : memref<10416xf32, #tpu.memory_space<vmem>>)
    %dma_wait3A_31 = tpu.memref_slice %arg3[%add3A_16] : memref<4000000xi32, #tpu.memory_space<hbm>> -> memref<10416xi32, #tpu.memory_space<hbm>>
    %dma_wait3A_32 = tpu.memref_slice %arg3[%add3A_16] : memref<4000000xi32, #tpu.memory_space<hbm>> -> memref<10416xi32, #tpu.memory_space<hbm>>
    tpu.wait_dma2 semaphore(%arg21 : memref<!tpu.dma_semaphore, #tpu.memory_space<semaphore_mem>>) src(%dma_wait3A_32 : memref<10416xi32, #tpu.memory_space<hbm>>) dst(%arg9 : memref<10416xi32, #tpu.memory_space<vmem>>)
    %dma_wait3A_33 = tpu.memref_slice %arg4[%add3A_16] : memref<4000000xi32, #tpu.memory_space<hbm>> -> memref<10416xi32, #tpu.memory_space<hbm>>
    %dma_wait3A_34 = tpu.memref_slice %arg4[%add3A_16] : memref<4000000xi32, #tpu.memory_space<hbm>> -> memref<10416xi32, #tpu.memory_space<hbm>>
    tpu.wait_dma2 semaphore(%arg21 : memref<!tpu.dma_semaphore, #tpu.memory_space<semaphore_mem>>) src(%dma_wait3A_34 : memref<10416xi32, #tpu.memory_space<hbm>>) dst(%arg11 : memref<10416xi32, #tpu.memory_space<vmem>>)
    %parallel_loop3A = arith.constant 0 : i32
    %parallel_loop3A_35 = arith.constant 651 : i32
    %parallel_loop3A_36 = arith.constant 1 : i32
    scf.for %parallel_loop3A_378 = %parallel_loop3A to %parallel_loop3A_35 step %parallel_loop3A_36  : i32 {
      %parallel_loop3A_379 = arith.constant 16 : i32
      %parallel_loop3A_380 = arith.muli %parallel_loop3A_378, %parallel_loop3A_379 : i32
      %parallel_loop3A_381 = arith.index_cast %parallel_loop3A_380 : i32 to index
      %parallel_loop3A_382 = tpu.vector_load %arg7[%parallel_loop3A_381] {strides = array<i32>} : memref<10416xf32, #tpu.memory_space<vmem>>, vector<16xf32>,
      %parallel_loop3A_383 = arith.index_cast %parallel_loop3A_380 : i32 to index
      %parallel_loop3A_384 = tpu.vector_load %arg9[%parallel_loop3A_383] {strides = array<i32>} : memref<10416xi32, #tpu.memory_space<vmem>>, vector<16xi32>,
      %parallel_loop3A_385 = arith.index_cast %parallel_loop3A_380 : i32 to index
      %parallel_loop3A_386 = tpu.vector_load %arg11[%parallel_loop3A_385] {strides = array<i32>} : memref<10416xi32, #tpu.memory_space<vmem>>, vector<16xi32>,
      %parallel_loop3A_387 = arith.constant 1.500000e+01 : f32
      %parallel_loop3A_388 = vector.broadcast %parallel_loop3A_387 : f32 to vector<16xf32>
      %parallel_loop3A_389 = arith.mulf %parallel_loop3A_382, %parallel_loop3A_388 : vector<16xf32>
      %parallel_loop3A_390 = arith.fptosi %parallel_loop3A_389 : vector<16xf32> to vector<16xi32>
      %parallel_loop3A_391 = arith.constant 14 : i32
      %parallel_loop3A_392 = vector.broadcast %parallel_loop3A_391 : i32 to vector<16xi32>
      %parallel_loop3A_393 = arith.minsi %parallel_loop3A_390, %parallel_loop3A_392 : vector<16xi32>
      %parallel_loop3A_394 = arith.constant 0.000000e+00 : f32
      %parallel_loop3A_395 = vector.broadcast %parallel_loop3A_394 : f32 to vector<16xf32>
      %parallel_loop3A_396 = arith.cmpf ogt, %parallel_loop3A_382, %parallel_loop3A_395 : vector<16xf32>
      %parallel_loop3A_397 = arith.addi %mul3A_12, %parallel_loop3A_393 : vector<16xi32>
      tpu.vector_store_idx %arg14[%parallel_loop3A_397], %broadcast_in_dim3A_14 masked %parallel_loop3A_396 {add = true} : memref<256xf32, #tpu.memory_space<vmem>>[vector<16xi32>], vector<16xf32>, vector<16xi1>
      tpu.vector_store_idx %arg15[%parallel_loop3A_397], %parallel_loop3A_382 masked %parallel_loop3A_396 {add = true} : memref<256xf32, #tpu.memory_space<vmem>>[vector<16xi32>], vector<16xf32>, vector<16xi1>
      %parallel_loop3A_398 = arith.cmpi eq, %parallel_loop3A_384, %parallel_loop3A_386 : vector<16xi32>
      %parallel_loop3A_399 = arith.andi %parallel_loop3A_396, %parallel_loop3A_398 : vector<16xi1>
      tpu.vector_store_idx %arg16[%parallel_loop3A_397], %broadcast_in_dim3A_14 masked %parallel_loop3A_399 {add = true} : memref<256xf32, #tpu.memory_space<vmem>>[vector<16xi32>], vector<16xf32>, vector<16xi1>
    } {sc.loop_unroll_factor = 7 : i64, sc.parallel_access}
    %add3A_37 = arith.constant 20832 : i32
    %add3A_38 = arith.addi %mul3A_2, %add3A_37 : i32
    %dma_start3A_39 = tpu.memref_slice %arg2[%add3A_38] : memref<4000000xf32, #tpu.memory_space<hbm>> -> memref<10416xf32, #tpu.memory_space<hbm>>
    %dma_start3A_40 = tpu.memref_slice %arg2[%add3A_38] : memref<4000000xf32, #tpu.memory_space<hbm>> -> memref<10416xf32, #tpu.memory_space<hbm>>
    tpu.enqueue_dma source(%dma_start3A_40 : memref<10416xf32, #tpu.memory_space<hbm>>) target(%arg7 : memref<10416xf32, #tpu.memory_space<vmem>>) target_semaphore(%arg21 : memref<!tpu.dma_semaphore, #tpu.memory_space<semaphore_mem>>)
    %dma_start3A_41 = tpu.memref_slice %arg3[%add3A_38] : memref<4000000xi32, #tpu.memory_space<hbm>> -> memref<10416xi32, #tpu.memory_space<hbm>>
    %dma_start3A_42 = tpu.memref_slice %arg3[%add3A_38] : memref<4000000xi32, #tpu.memory_space<hbm>> -> memref<10416xi32, #tpu.memory_space<hbm>>
    tpu.enqueue_dma source(%dma_start3A_42 : memref<10416xi32, #tpu.memory_space<hbm>>) target(%arg9 : memref<10416xi32, #tpu.memory_space<vmem>>) target_semaphore(%arg21 : memref<!tpu.dma_semaphore, #tpu.memory_space<semaphore_mem>>)
    %dma_start3A_43 = tpu.memref_slice %arg4[%add3A_38] : memref<4000000xi32, #tpu.memory_space<hbm>> -> memref<10416xi32, #tpu.memory_space<hbm>>
    %dma_start3A_44 = tpu.memref_slice %arg4[%add3A_38] : memref<4000000xi32, #tpu.memory_space<hbm>> -> memref<10416xi32, #tpu.memory_space<hbm>>
    tpu.enqueue_dma source(%dma_start3A_44 : memref<10416xi32, #tpu.memory_space<hbm>>) target(%arg11 : memref<10416xi32, #tpu.memory_space<vmem>>) target_semaphore(%arg21 : memref<!tpu.dma_semaphore, #tpu.memory_space<semaphore_mem>>)
    %dma_wait3A_45 = tpu.memref_slice %arg2[%add3A_23] : memref<4000000xf32, #tpu.memory_space<hbm>> -> memref<10416xf32, #tpu.memory_space<hbm>>
    %dma_wait3A_46 = tpu.memref_slice %arg2[%add3A_23] : memref<4000000xf32, #tpu.memory_space<hbm>> -> memref<10416xf32, #tpu.memory_space<hbm>>
    tpu.wait_dma2 semaphore(%arg22 : memref<!tpu.dma_semaphore, #tpu.memory_space<semaphore_mem>>) src(%dma_wait3A_46 : memref<10416xf32, #tpu.memory_space<hbm>>) dst(%arg8 : memref<10416xf32, #tpu.memory_space<vmem>>)
    %dma_wait3A_47 = tpu.memref_slice %arg3[%add3A_23] : memref<4000000xi32, #tpu.memory_space<hbm>> -> memref<10416xi32, #tpu.memory_space<hbm>>
    %dma_wait3A_48 = tpu.memref_slice %arg3[%add3A_23] : memref<4000000xi32, #tpu.memory_space<hbm>> -> memref<10416xi32, #tpu.memory_space<hbm>>
    tpu.wait_dma2 semaphore(%arg22 : memref<!tpu.dma_semaphore, #tpu.memory_space<semaphore_mem>>) src(%dma_wait3A_48 : memref<10416xi32, #tpu.memory_space<hbm>>) dst(%arg10 : memref<10416xi32, #tpu.memory_space<vmem>>)
    %dma_wait3A_49 = tpu.memref_slice %arg4[%add3A_23] : memref<4000000xi32, #tpu.memory_space<hbm>> -> memref<10416xi32, #tpu.memory_space<hbm>>
    %dma_wait3A_50 = tpu.memref_slice %arg4[%add3A_23] : memref<4000000xi32, #tpu.memory_space<hbm>> -> memref<10416xi32, #tpu.memory_space<hbm>>
    tpu.wait_dma2 semaphore(%arg22 : memref<!tpu.dma_semaphore, #tpu.memory_space<semaphore_mem>>) src(%dma_wait3A_50 : memref<10416xi32, #tpu.memory_space<hbm>>) dst(%arg12 : memref<10416xi32, #tpu.memory_space<vmem>>)
    %parallel_loop3A_51 = arith.constant 0 : i32
    %parallel_loop3A_52 = arith.constant 651 : i32
    %parallel_loop3A_53 = arith.constant 1 : i32
    scf.for %parallel_loop3A_378 = %parallel_loop3A_51 to %parallel_loop3A_52 step %parallel_loop3A_53  : i32 {
      %parallel_loop3A_379 = arith.constant 16 : i32
      %parallel_loop3A_380 = arith.muli %parallel_loop3A_378, %parallel_loop3A_379 : i32
      %parallel_loop3A_381 = arith.index_cast %parallel_loop3A_380 : i32 to index
      %parallel_loop3A_382 = tpu.vector_load %arg8[%parallel_loop3A_381] {strides = array<i32>} : memref<10416xf32, #tpu.memory_space<vmem>>, vector<16xf32>,
      %parallel_loop3A_383 = arith.index_cast %parallel_loop3A_380 : i32 to index
      %parallel_loop3A_384 = tpu.vector_load %arg10[%parallel_loop3A_383] {strides = array<i32>} : memref<10416xi32, #tpu.memory_space<vmem>>, vector<16xi32>,
      %parallel_loop3A_385 = arith.index_cast %parallel_loop3A_380 : i32 to index
      %parallel_loop3A_386 = tpu.vector_load %arg12[%parallel_loop3A_385] {strides = array<i32>} : memref<10416xi32, #tpu.memory_space<vmem>>, vector<16xi32>,
      %parallel_loop3A_387 = arith.constant 1.500000e+01 : f32
      %parallel_loop3A_388 = vector.broadcast %parallel_loop3A_387 : f32 to vector<16xf32>
      %parallel_loop3A_389 = arith.mulf %parallel_loop3A_382, %parallel_loop3A_388 : vector<16xf32>
      %parallel_loop3A_390 = arith.fptosi %parallel_loop3A_389 : vector<16xf32> to vector<16xi32>
      %parallel_loop3A_391 = arith.constant 14 : i32
      %parallel_loop3A_392 = vector.broadcast %parallel_loop3A_391 : i32 to vector<16xi32>
      %parallel_loop3A_393 = arith.minsi %parallel_loop3A_390, %parallel_loop3A_392 : vector<16xi32>
      %parallel_loop3A_394 = arith.constant 0.000000e+00 : f32
      %parallel_loop3A_395 = vector.broadcast %parallel_loop3A_394 : f32 to vector<16xf32>
      %parallel_loop3A_396 = arith.cmpf ogt, %parallel_loop3A_382, %parallel_loop3A_395 : vector<16xf32>
      %parallel_loop3A_397 = arith.addi %mul3A_12, %parallel_loop3A_393 : vector<16xi32>
      tpu.vector_store_idx %arg14[%parallel_loop3A_397], %broadcast_in_dim3A_14 masked %parallel_loop3A_396 {add = true} : memref<256xf32, #tpu.memory_space<vmem>>[vector<16xi32>], vector<16xf32>, vector<16xi1>
      tpu.vector_store_idx %arg15[%parallel_loop3A_397], %parallel_loop3A_382 masked %parallel_loop3A_396 {add = true} : memref<256xf32, #tpu.memory_space<vmem>>[vector<16xi32>], vector<16xf32>, vector<16xi1>
      %parallel_loop3A_398 = arith.cmpi eq, %parallel_loop3A_384, %parallel_loop3A_386 : vector<16xi32>
      %parallel_loop3A_399 = arith.andi %parallel_loop3A_396, %parallel_loop3A_398 : vector<16xi1>
      tpu.vector_store_idx %arg16[%parallel_loop3A_397], %broadcast_in_dim3A_14 masked %parallel_loop3A_399 {add = true} : memref<256xf32, #tpu.memory_space<vmem>>[vector<16xi32>], vector<16xf32>, vector<16xi1>
    } {sc.loop_unroll_factor = 7 : i64, sc.parallel_access}
    %add3A_54 = arith.constant 31248 : i32
    %add3A_55 = arith.addi %mul3A_2, %add3A_54 : i32
    %dma_start3A_56 = tpu.memref_slice %arg2[%add3A_55] : memref<4000000xf32, #tpu.memory_space<hbm>> -> memref<10416xf32, #tpu.memory_space<hbm>>
    %dma_start3A_57 = tpu.memref_slice %arg2[%add3A_55] : memref<4000000xf32, #tpu.memory_space<hbm>> -> memref<10416xf32, #tpu.memory_space<hbm>>
    tpu.enqueue_dma source(%dma_start3A_57 : memref<10416xf32, #tpu.memory_space<hbm>>) target(%arg8 : memref<10416xf32, #tpu.memory_space<vmem>>) target_semaphore(%arg22 : memref<!tpu.dma_semaphore, #tpu.memory_space<semaphore_mem>>)
    %dma_start3A_58 = tpu.memref_slice %arg3[%add3A_55] : memref<4000000xi32, #tpu.memory_space<hbm>> -> memref<10416xi32, #tpu.memory_space<hbm>>
    %dma_start3A_59 = tpu.memref_slice %arg3[%add3A_55] : memref<4000000xi32, #tpu.memory_space<hbm>> -> memref<10416xi32, #tpu.memory_space<hbm>>
    tpu.enqueue_dma source(%dma_start3A_59 : memref<10416xi32, #tpu.memory_space<hbm>>) target(%arg10 : memref<10416xi32, #tpu.memory_space<vmem>>) target_semaphore(%arg22 : memref<!tpu.dma_semaphore, #tpu.memory_space<semaphore_mem>>)
    %dma_start3A_60 = tpu.memref_slice %arg4[%add3A_55] : memref<4000000xi32, #tpu.memory_space<hbm>> -> memref<10416xi32, #tpu.memory_space<hbm>>
    %dma_start3A_61 = tpu.memref_slice %arg4[%add3A_55] : memref<4000000xi32, #tpu.memory_space<hbm>> -> memref<10416xi32, #tpu.memory_space<hbm>>
    tpu.enqueue_dma source(%dma_start3A_61 : memref<10416xi32, #tpu.memory_space<hbm>>) target(%arg12 : memref<10416xi32, #tpu.memory_space<vmem>>) target_semaphore(%arg22 : memref<!tpu.dma_semaphore, #tpu.memory_space<semaphore_mem>>)
    %dma_wait3A_62 = tpu.memref_slice %arg2[%add3A_38] : memref<4000000xf32, #tpu.memory_space<hbm>> -> memref<10416xf32, #tpu.memory_space<hbm>>
    %dma_wait3A_63 = tpu.memref_slice %arg2[%add3A_38] : memref<4000000xf32, #tpu.memory_space<hbm>> -> memref<10416xf32, #tpu.memory_space<hbm>>
    tpu.wait_dma2 semaphore(%arg21 : memref<!tpu.dma_semaphore, #tpu.memory_space<semaphore_mem>>) src(%dma_wait3A_63 : memref<10416xf32, #tpu.memory_space<hbm>>) dst(%arg7 : memref<10416xf32, #tpu.memory_space<vmem>>)
    %dma_wait3A_64 = tpu.memref_slice %arg3[%add3A_38] : memref<4000000xi32, #tpu.memory_space<hbm>> -> memref<10416xi32, #tpu.memory_space<hbm>>
    %dma_wait3A_65 = tpu.memref_slice %arg3[%add3A_38] : memref<4000000xi32, #tpu.memory_space<hbm>> -> memref<10416xi32, #tpu.memory_space<hbm>>
    tpu.wait_dma2 semaphore(%arg21 : memref<!tpu.dma_semaphore, #tpu.memory_space<semaphore_mem>>) src(%dma_wait3A_65 : memref<10416xi32, #tpu.memory_space<hbm>>) dst(%arg9 : memref<10416xi32, #tpu.memory_space<vmem>>)
    %dma_wait3A_66 = tpu.memref_slice %arg4[%add3A_38] : memref<4000000xi32, #tpu.memory_space<hbm>> -> memref<10416xi32, #tpu.memory_space<hbm>>
    %dma_wait3A_67 = tpu.memref_slice %arg4[%add3A_38] : memref<4000000xi32, #tpu.memory_space<hbm>> -> memref<10416xi32, #tpu.memory_space<hbm>>
    tpu.wait_dma2 semaphore(%arg21 : memref<!tpu.dma_semaphore, #tpu.memory_space<semaphore_mem>>) src(%dma_wait3A_67 : memref<10416xi32, #tpu.memory_space<hbm>>) dst(%arg11 : memref<10416xi32, #tpu.memory_space<vmem>>)
    %parallel_loop3A_68 = arith.constant 0 : i32
    %parallel_loop3A_69 = arith.constant 651 : i32
    %parallel_loop3A_70 = arith.constant 1 : i32
    scf.for %parallel_loop3A_378 = %parallel_loop3A_68 to %parallel_loop3A_69 step %parallel_loop3A_70  : i32 {
      %parallel_loop3A_379 = arith.constant 16 : i32
      %parallel_loop3A_380 = arith.muli %parallel_loop3A_378, %parallel_loop3A_379 : i32
      %parallel_loop3A_381 = arith.index_cast %parallel_loop3A_380 : i32 to index
      %parallel_loop3A_382 = tpu.vector_load %arg7[%parallel_loop3A_381] {strides = array<i32>} : memref<10416xf32, #tpu.memory_space<vmem>>, vector<16xf32>,
      %parallel_loop3A_383 = arith.index_cast %parallel_loop3A_380 : i32 to index
      %parallel_loop3A_384 = tpu.vector_load %arg9[%parallel_loop3A_383] {strides = array<i32>} : memref<10416xi32, #tpu.memory_space<vmem>>, vector<16xi32>,
      %parallel_loop3A_385 = arith.index_cast %parallel_loop3A_380 : i32 to index
      %parallel_loop3A_386 = tpu.vector_load %arg11[%parallel_loop3A_385] {strides = array<i32>} : memref<10416xi32, #tpu.memory_space<vmem>>, vector<16xi32>,
      %parallel_loop3A_387 = arith.constant 1.500000e+01 : f32
      %parallel_loop3A_388 = vector.broadcast %parallel_loop3A_387 : f32 to vector<16xf32>
      %parallel_loop3A_389 = arith.mulf %parallel_loop3A_382, %parallel_loop3A_388 : vector<16xf32>
      %parallel_loop3A_390 = arith.fptosi %parallel_loop3A_389 : vector<16xf32> to vector<16xi32>
      %parallel_loop3A_391 = arith.constant 14 : i32
      %parallel_loop3A_392 = vector.broadcast %parallel_loop3A_391 : i32 to vector<16xi32>
      %parallel_loop3A_393 = arith.minsi %parallel_loop3A_390, %parallel_loop3A_392 : vector<16xi32>
      %parallel_loop3A_394 = arith.constant 0.000000e+00 : f32
      %parallel_loop3A_395 = vector.broadcast %parallel_loop3A_394 : f32 to vector<16xf32>
      %parallel_loop3A_396 = arith.cmpf ogt, %parallel_loop3A_382, %parallel_loop3A_395 : vector<16xf32>
      %parallel_loop3A_397 = arith.addi %mul3A_12, %parallel_loop3A_393 : vector<16xi32>
      tpu.vector_store_idx %arg14[%parallel_loop3A_397], %broadcast_in_dim3A_14 masked %parallel_loop3A_396 {add = true} : memref<256xf32, #tpu.memory_space<vmem>>[vector<16xi32>], vector<16xf32>, vector<16xi1>
      tpu.vector_store_idx %arg15[%parallel_loop3A_397], %parallel_loop3A_382 masked %parallel_loop3A_396 {add = true} : memref<256xf32, #tpu.memory_space<vmem>>[vector<16xi32>], vector<16xf32>, vector<16xi1>
      %parallel_loop3A_398 = arith.cmpi eq, %parallel_loop3A_384, %parallel_loop3A_386 : vector<16xi32>
      %parallel_loop3A_399 = arith.andi %parallel_loop3A_396, %parallel_loop3A_398 : vector<16xi1>
      tpu.vector_store_idx %arg16[%parallel_loop3A_397], %broadcast_in_dim3A_14 masked %parallel_loop3A_399 {add = true} : memref<256xf32, #tpu.memory_space<vmem>>[vector<16xi32>], vector<16xf32>, vector<16xi1>
    } {sc.loop_unroll_factor = 7 : i64, sc.parallel_access}
    %add3A_71 = arith.constant 41664 : i32
    %add3A_72 = arith.addi %mul3A_2, %add3A_71 : i32
    %dma_start3A_73 = tpu.memref_slice %arg2[%add3A_72] : memref<4000000xf32, #tpu.memory_space<hbm>> -> memref<10416xf32, #tpu.memory_space<hbm>>
    %dma_start3A_74 = tpu.memref_slice %arg2[%add3A_72] : memref<4000000xf32, #tpu.memory_space<hbm>> -> memref<10416xf32, #tpu.memory_space<hbm>>
    tpu.enqueue_dma source(%dma_start3A_74 : memref<10416xf32, #tpu.memory_space<hbm>>) target(%arg7 : memref<10416xf32, #tpu.memory_space<vmem>>) target_semaphore(%arg21 : memref<!tpu.dma_semaphore, #tpu.memory_space<semaphore_mem>>)
    %dma_start3A_75 = tpu.memref_slice %arg3[%add3A_72] : memref<4000000xi32, #tpu.memory_space<hbm>> -> memref<10416xi32, #tpu.memory_space<hbm>>
    %dma_start3A_76 = tpu.memref_slice %arg3[%add3A_72] : memref<4000000xi32, #tpu.memory_space<hbm>> -> memref<10416xi32, #tpu.memory_space<hbm>>
    tpu.enqueue_dma source(%dma_start3A_76 : memref<10416xi32, #tpu.memory_space<hbm>>) target(%arg9 : memref<10416xi32, #tpu.memory_space<vmem>>) target_semaphore(%arg21 : memref<!tpu.dma_semaphore, #tpu.memory_space<semaphore_mem>>)
    %dma_start3A_77 = tpu.memref_slice %arg4[%add3A_72] : memref<4000000xi32, #tpu.memory_space<hbm>> -> memref<10416xi32, #tpu.memory_space<hbm>>
    %dma_start3A_78 = tpu.memref_slice %arg4[%add3A_72] : memref<4000000xi32, #tpu.memory_space<hbm>> -> memref<10416xi32, #tpu.memory_space<hbm>>
    tpu.enqueue_dma source(%dma_start3A_78 : memref<10416xi32, #tpu.memory_space<hbm>>) target(%arg11 : memref<10416xi32, #tpu.memory_space<vmem>>) target_semaphore(%arg21 : memref<!tpu.dma_semaphore, #tpu.memory_space<semaphore_mem>>)
    %dma_wait3A_79 = tpu.memref_slice %arg2[%add3A_55] : memref<4000000xf32, #tpu.memory_space<hbm>> -> memref<10416xf32, #tpu.memory_space<hbm>>
    %dma_wait3A_80 = tpu.memref_slice %arg2[%add3A_55] : memref<4000000xf32, #tpu.memory_space<hbm>> -> memref<10416xf32, #tpu.memory_space<hbm>>
    tpu.wait_dma2 semaphore(%arg22 : memref<!tpu.dma_semaphore, #tpu.memory_space<semaphore_mem>>) src(%dma_wait3A_80 : memref<10416xf32, #tpu.memory_space<hbm>>) dst(%arg8 : memref<10416xf32, #tpu.memory_space<vmem>>)
    %dma_wait3A_81 = tpu.memref_slice %arg3[%add3A_55] : memref<4000000xi32, #tpu.memory_space<hbm>> -> memref<10416xi32, #tpu.memory_space<hbm>>
    %dma_wait3A_82 = tpu.memref_slice %arg3[%add3A_55] : memref<4000000xi32, #tpu.memory_space<hbm>> -> memref<10416xi32, #tpu.memory_space<hbm>>
    tpu.wait_dma2 semaphore(%arg22 : memref<!tpu.dma_semaphore, #tpu.memory_space<semaphore_mem>>) src(%dma_wait3A_82 : memref<10416xi32, #tpu.memory_space<hbm>>) dst(%arg10 : memref<10416xi32, #tpu.memory_space<vmem>>)
    %dma_wait3A_83 = tpu.memref_slice %arg4[%add3A_55] : memref<4000000xi32, #tpu.memory_space<hbm>> -> memref<10416xi32, #tpu.memory_space<hbm>>
    %dma_wait3A_84 = tpu.memref_slice %arg4[%add3A_55] : memref<4000000xi32, #tpu.memory_space<hbm>> -> memref<10416xi32, #tpu.memory_space<hbm>>
    tpu.wait_dma2 semaphore(%arg22 : memref<!tpu.dma_semaphore, #tpu.memory_space<semaphore_mem>>) src(%dma_wait3A_84 : memref<10416xi32, #tpu.memory_space<hbm>>) dst(%arg12 : memref<10416xi32, #tpu.memory_space<vmem>>)
    %parallel_loop3A_85 = arith.constant 0 : i32
    %parallel_loop3A_86 = arith.constant 651 : i32
    %parallel_loop3A_87 = arith.constant 1 : i32
    scf.for %parallel_loop3A_378 = %parallel_loop3A_85 to %parallel_loop3A_86 step %parallel_loop3A_87  : i32 {
      %parallel_loop3A_379 = arith.constant 16 : i32
      %parallel_loop3A_380 = arith.muli %parallel_loop3A_378, %parallel_loop3A_379 : i32
      %parallel_loop3A_381 = arith.index_cast %parallel_loop3A_380 : i32 to index
      %parallel_loop3A_382 = tpu.vector_load %arg8[%parallel_loop3A_381] {strides = array<i32>} : memref<10416xf32, #tpu.memory_space<vmem>>, vector<16xf32>,
      %parallel_loop3A_383 = arith.index_cast %parallel_loop3A_380 : i32 to index
      %parallel_loop3A_384 = tpu.vector_load %arg10[%parallel_loop3A_383] {strides = array<i32>} : memref<10416xi32, #tpu.memory_space<vmem>>, vector<16xi32>,
      %parallel_loop3A_385 = arith.index_cast %parallel_loop3A_380 : i32 to index
      %parallel_loop3A_386 = tpu.vector_load %arg12[%parallel_loop3A_385] {strides = array<i32>} : memref<10416xi32, #tpu.memory_space<vmem>>, vector<16xi32>,
      %parallel_loop3A_387 = arith.constant 1.500000e+01 : f32
      %parallel_loop3A_388 = vector.broadcast %parallel_loop3A_387 : f32 to vector<16xf32>
      %parallel_loop3A_389 = arith.mulf %parallel_loop3A_382, %parallel_loop3A_388 : vector<16xf32>
      %parallel_loop3A_390 = arith.fptosi %parallel_loop3A_389 : vector<16xf32> to vector<16xi32>
      %parallel_loop3A_391 = arith.constant 14 : i32
      %parallel_loop3A_392 = vector.broadcast %parallel_loop3A_391 : i32 to vector<16xi32>
      %parallel_loop3A_393 = arith.minsi %parallel_loop3A_390, %parallel_loop3A_392 : vector<16xi32>
      %parallel_loop3A_394 = arith.constant 0.000000e+00 : f32
      %parallel_loop3A_395 = vector.broadcast %parallel_loop3A_394 : f32 to vector<16xf32>
      %parallel_loop3A_396 = arith.cmpf ogt, %parallel_loop3A_382, %parallel_loop3A_395 : vector<16xf32>
      %parallel_loop3A_397 = arith.addi %mul3A_12, %parallel_loop3A_393 : vector<16xi32>
      tpu.vector_store_idx %arg14[%parallel_loop3A_397], %broadcast_in_dim3A_14 masked %parallel_loop3A_396 {add = true} : memref<256xf32, #tpu.memory_space<vmem>>[vector<16xi32>], vector<16xf32>, vector<16xi1>
      tpu.vector_store_idx %arg15[%parallel_loop3A_397], %parallel_loop3A_382 masked %parallel_loop3A_396 {add = true} : memref<256xf32, #tpu.memory_space<vmem>>[vector<16xi32>], vector<16xf32>, vector<16xi1>
      %parallel_loop3A_398 = arith.cmpi eq, %parallel_loop3A_384, %parallel_loop3A_386 : vector<16xi32>
      %parallel_loop3A_399 = arith.andi %parallel_loop3A_396, %parallel_loop3A_398 : vector<16xi1>
      tpu.vector_store_idx %arg16[%parallel_loop3A_397], %broadcast_in_dim3A_14 masked %parallel_loop3A_399 {add = true} : memref<256xf32, #tpu.memory_space<vmem>>[vector<16xi32>], vector<16xf32>, vector<16xi1>
    } {sc.loop_unroll_factor = 7 : i64, sc.parallel_access}
    %add3A_88 = arith.constant 52080 : i32
    %add3A_89 = arith.addi %mul3A_2, %add3A_88 : i32
    %dma_start3A_90 = tpu.memref_slice %arg2[%add3A_89] : memref<4000000xf32, #tpu.memory_space<hbm>> -> memref<10416xf32, #tpu.memory_space<hbm>>
    %dma_start3A_91 = tpu.memref_slice %arg2[%add3A_89] : memref<4000000xf32, #tpu.memory_space<hbm>> -> memref<10416xf32, #tpu.memory_space<hbm>>
    tpu.enqueue_dma source(%dma_start3A_91 : memref<10416xf32, #tpu.memory_space<hbm>>) target(%arg8 : memref<10416xf32, #tpu.memory_space<vmem>>) target_semaphore(%arg22 : memref<!tpu.dma_semaphore, #tpu.memory_space<semaphore_mem>>)
    %dma_start3A_92 = tpu.memref_slice %arg3[%add3A_89] : memref<4000000xi32, #tpu.memory_space<hbm>> -> memref<10416xi32, #tpu.memory_space<hbm>>
    %dma_start3A_93 = tpu.memref_slice %arg3[%add3A_89] : memref<4000000xi32, #tpu.memory_space<hbm>> -> memref<10416xi32, #tpu.memory_space<hbm>>
    tpu.enqueue_dma source(%dma_start3A_93 : memref<10416xi32, #tpu.memory_space<hbm>>) target(%arg10 : memref<10416xi32, #tpu.memory_space<vmem>>) target_semaphore(%arg22 : memref<!tpu.dma_semaphore, #tpu.memory_space<semaphore_mem>>)
    %dma_start3A_94 = tpu.memref_slice %arg4[%add3A_89] : memref<4000000xi32, #tpu.memory_space<hbm>> -> memref<10416xi32, #tpu.memory_space<hbm>>
    %dma_start3A_95 = tpu.memref_slice %arg4[%add3A_89] : memref<4000000xi32, #tpu.memory_space<hbm>> -> memref<10416xi32, #tpu.memory_space<hbm>>
    tpu.enqueue_dma source(%dma_start3A_95 : memref<10416xi32, #tpu.memory_space<hbm>>) target(%arg12 : memref<10416xi32, #tpu.memory_space<vmem>>) target_semaphore(%arg22 : memref<!tpu.dma_semaphore, #tpu.memory_space<semaphore_mem>>)
    %dma_wait3A_96 = tpu.memref_slice %arg2[%add3A_72] : memref<4000000xf32, #tpu.memory_space<hbm>> -> memref<10416xf32, #tpu.memory_space<hbm>>
    %dma_wait3A_97 = tpu.memref_slice %arg2[%add3A_72] : memref<4000000xf32, #tpu.memory_space<hbm>> -> memref<10416xf32, #tpu.memory_space<hbm>>
    tpu.wait_dma2 semaphore(%arg21 : memref<!tpu.dma_semaphore, #tpu.memory_space<semaphore_mem>>) src(%dma_wait3A_97 : memref<10416xf32, #tpu.memory_space<hbm>>) dst(%arg7 : memref<10416xf32, #tpu.memory_space<vmem>>)
    %dma_wait3A_98 = tpu.memref_slice %arg3[%add3A_72] : memref<4000000xi32, #tpu.memory_space<hbm>> -> memref<10416xi32, #tpu.memory_space<hbm>>
    %dma_wait3A_99 = tpu.memref_slice %arg3[%add3A_72] : memref<4000000xi32, #tpu.memory_space<hbm>> -> memref<10416xi32, #tpu.memory_space<hbm>>
    tpu.wait_dma2 semaphore(%arg21 : memref<!tpu.dma_semaphore, #tpu.memory_space<semaphore_mem>>) src(%dma_wait3A_99 : memref<10416xi32, #tpu.memory_space<hbm>>) dst(%arg9 : memref<10416xi32, #tpu.memory_space<vmem>>)
    %dma_wait3A_100 = tpu.memref_slice %arg4[%add3A_72] : memref<4000000xi32, #tpu.memory_space<hbm>> -> memref<10416xi32, #tpu.memory_space<hbm>>
    %dma_wait3A_101 = tpu.memref_slice %arg4[%add3A_72] : memref<4000000xi32, #tpu.memory_space<hbm>> -> memref<10416xi32, #tpu.memory_space<hbm>>
    tpu.wait_dma2 semaphore(%arg21 : memref<!tpu.dma_semaphore, #tpu.memory_space<semaphore_mem>>) src(%dma_wait3A_101 : memref<10416xi32, #tpu.memory_space<hbm>>) dst(%arg11 : memref<10416xi32, #tpu.memory_space<vmem>>)
    %parallel_loop3A_102 = arith.constant 0 : i32
    %parallel_loop3A_103 = arith.constant 651 : i32
    %parallel_loop3A_104 = arith.constant 1 : i32
    scf.for %parallel_loop3A_378 = %parallel_loop3A_102 to %parallel_loop3A_103 step %parallel_loop3A_104  : i32 {
      %parallel_loop3A_379 = arith.constant 16 : i32
      %parallel_loop3A_380 = arith.muli %parallel_loop3A_378, %parallel_loop3A_379 : i32
      %parallel_loop3A_381 = arith.index_cast %parallel_loop3A_380 : i32 to index
      %parallel_loop3A_382 = tpu.vector_load %arg7[%parallel_loop3A_381] {strides = array<i32>} : memref<10416xf32, #tpu.memory_space<vmem>>, vector<16xf32>,
      %parallel_loop3A_383 = arith.index_cast %parallel_loop3A_380 : i32 to index
      %parallel_loop3A_384 = tpu.vector_load %arg9[%parallel_loop3A_383] {strides = array<i32>} : memref<10416xi32, #tpu.memory_space<vmem>>, vector<16xi32>,
      %parallel_loop3A_385 = arith.index_cast %parallel_loop3A_380 : i32 to index
      %parallel_loop3A_386 = tpu.vector_load %arg11[%parallel_loop3A_385] {strides = array<i32>} : memref<10416xi32, #tpu.memory_space<vmem>>, vector<16xi32>,
      %parallel_loop3A_387 = arith.constant 1.500000e+01 : f32
      %parallel_loop3A_388 = vector.broadcast %parallel_loop3A_387 : f32 to vector<16xf32>
      %parallel_loop3A_389 = arith.mulf %parallel_loop3A_382, %parallel_loop3A_388 : vector<16xf32>
      %parallel_loop3A_390 = arith.fptosi %parallel_loop3A_389 : vector<16xf32> to vector<16xi32>
      %parallel_loop3A_391 = arith.constant 14 : i32
      %parallel_loop3A_392 = vector.broadcast %parallel_loop3A_391 : i32 to vector<16xi32>
      %parallel_loop3A_393 = arith.minsi %parallel_loop3A_390, %parallel_loop3A_392 : vector<16xi32>
      %parallel_loop3A_394 = arith.constant 0.000000e+00 : f32
      %parallel_loop3A_395 = vector.broadcast %parallel_loop3A_394 : f32 to vector<16xf32>
      %parallel_loop3A_396 = arith.cmpf ogt, %parallel_loop3A_382, %parallel_loop3A_395 : vector<16xf32>
      %parallel_loop3A_397 = arith.addi %mul3A_12, %parallel_loop3A_393 : vector<16xi32>
      tpu.vector_store_idx %arg14[%parallel_loop3A_397], %broadcast_in_dim3A_14 masked %parallel_loop3A_396 {add = true} : memref<256xf32, #tpu.memory_space<vmem>>[vector<16xi32>], vector<16xf32>, vector<16xi1>
      tpu.vector_store_idx %arg15[%parallel_loop3A_397], %parallel_loop3A_382 masked %parallel_loop3A_396 {add = true} : memref<256xf32, #tpu.memory_space<vmem>>[vector<16xi32>], vector<16xf32>, vector<16xi1>
      %parallel_loop3A_398 = arith.cmpi eq, %parallel_loop3A_384, %parallel_loop3A_386 : vector<16xi32>
      %parallel_loop3A_399 = arith.andi %parallel_loop3A_396, %parallel_loop3A_398 : vector<16xi1>
      tpu.vector_store_idx %arg16[%parallel_loop3A_397], %broadcast_in_dim3A_14 masked %parallel_loop3A_399 {add = true} : memref<256xf32, #tpu.memory_space<vmem>>[vector<16xi32>], vector<16xf32>, vector<16xi1>
    } {sc.loop_unroll_factor = 7 : i64, sc.parallel_access}
    %add3A_105 = arith.constant 62496 : i32
    %add3A_106 = arith.addi %mul3A_2, %add3A_105 : i32
    %dma_start3A_107 = tpu.memref_slice %arg2[%add3A_106] : memref<4000000xf32, #tpu.memory_space<hbm>> -> memref<10416xf32, #tpu.memory_space<hbm>>
    %dma_start3A_108 = tpu.memref_slice %arg2[%add3A_106] : memref<4000000xf32, #tpu.memory_space<hbm>> -> memref<10416xf32, #tpu.memory_space<hbm>>
    tpu.enqueue_dma source(%dma_start3A_108 : memref<10416xf32, #tpu.memory_space<hbm>>) target(%arg7 : memref<10416xf32, #tpu.memory_space<vmem>>) target_semaphore(%arg21 : memref<!tpu.dma_semaphore, #tpu.memory_space<semaphore_mem>>)
    %dma_start3A_109 = tpu.memref_slice %arg3[%add3A_106] : memref<4000000xi32, #tpu.memory_space<hbm>> -> memref<10416xi32, #tpu.memory_space<hbm>>
    %dma_start3A_110 = tpu.memref_slice %arg3[%add3A_106] : memref<4000000xi32, #tpu.memory_space<hbm>> -> memref<10416xi32, #tpu.memory_space<hbm>>
    tpu.enqueue_dma source(%dma_start3A_110 : memref<10416xi32, #tpu.memory_space<hbm>>) target(%arg9 : memref<10416xi32, #tpu.memory_space<vmem>>) target_semaphore(%arg21 : memref<!tpu.dma_semaphore, #tpu.memory_space<semaphore_mem>>)
    %dma_start3A_111 = tpu.memref_slice %arg4[%add3A_106] : memref<4000000xi32, #tpu.memory_space<hbm>> -> memref<10416xi32, #tpu.memory_space<hbm>>
    %dma_start3A_112 = tpu.memref_slice %arg4[%add3A_106] : memref<4000000xi32, #tpu.memory_space<hbm>> -> memref<10416xi32, #tpu.memory_space<hbm>>
    tpu.enqueue_dma source(%dma_start3A_112 : memref<10416xi32, #tpu.memory_space<hbm>>) target(%arg11 : memref<10416xi32, #tpu.memory_space<vmem>>) target_semaphore(%arg21 : memref<!tpu.dma_semaphore, #tpu.memory_space<semaphore_mem>>)
    %dma_wait3A_113 = tpu.memref_slice %arg2[%add3A_89] : memref<4000000xf32, #tpu.memory_space<hbm>> -> memref<10416xf32, #tpu.memory_space<hbm>>
    %dma_wait3A_114 = tpu.memref_slice %arg2[%add3A_89] : memref<4000000xf32, #tpu.memory_space<hbm>> -> memref<10416xf32, #tpu.memory_space<hbm>>
    tpu.wait_dma2 semaphore(%arg22 : memref<!tpu.dma_semaphore, #tpu.memory_space<semaphore_mem>>) src(%dma_wait3A_114 : memref<10416xf32, #tpu.memory_space<hbm>>) dst(%arg8 : memref<10416xf32, #tpu.memory_space<vmem>>)
    %dma_wait3A_115 = tpu.memref_slice %arg3[%add3A_89] : memref<4000000xi32, #tpu.memory_space<hbm>> -> memref<10416xi32, #tpu.memory_space<hbm>>
    %dma_wait3A_116 = tpu.memref_slice %arg3[%add3A_89] : memref<4000000xi32, #tpu.memory_space<hbm>> -> memref<10416xi32, #tpu.memory_space<hbm>>
    tpu.wait_dma2 semaphore(%arg22 : memref<!tpu.dma_semaphore, #tpu.memory_space<semaphore_mem>>) src(%dma_wait3A_116 : memref<10416xi32, #tpu.memory_space<hbm>>) dst(%arg10 : memref<10416xi32, #tpu.memory_space<vmem>>)
    %dma_wait3A_117 = tpu.memref_slice %arg4[%add3A_89] : memref<4000000xi32, #tpu.memory_space<hbm>> -> memref<10416xi32, #tpu.memory_space<hbm>>
    %dma_wait3A_118 = tpu.memref_slice %arg4[%add3A_89] : memref<4000000xi32, #tpu.memory_space<hbm>> -> memref<10416xi32, #tpu.memory_space<hbm>>
    tpu.wait_dma2 semaphore(%arg22 : memref<!tpu.dma_semaphore, #tpu.memory_space<semaphore_mem>>) src(%dma_wait3A_118 : memref<10416xi32, #tpu.memory_space<hbm>>) dst(%arg12 : memref<10416xi32, #tpu.memory_space<vmem>>)
    %parallel_loop3A_119 = arith.constant 0 : i32
    %parallel_loop3A_120 = arith.constant 651 : i32
    %parallel_loop3A_121 = arith.constant 1 : i32
    scf.for %parallel_loop3A_378 = %parallel_loop3A_119 to %parallel_loop3A_120 step %parallel_loop3A_121  : i32 {
      %parallel_loop3A_379 = arith.constant 16 : i32
      %parallel_loop3A_380 = arith.muli %parallel_loop3A_378, %parallel_loop3A_379 : i32
      %parallel_loop3A_381 = arith.index_cast %parallel_loop3A_380 : i32 to index
      %parallel_loop3A_382 = tpu.vector_load %arg8[%parallel_loop3A_381] {strides = array<i32>} : memref<10416xf32, #tpu.memory_space<vmem>>, vector<16xf32>,
      %parallel_loop3A_383 = arith.index_cast %parallel_loop3A_380 : i32 to index
      %parallel_loop3A_384 = tpu.vector_load %arg10[%parallel_loop3A_383] {strides = array<i32>} : memref<10416xi32, #tpu.memory_space<vmem>>, vector<16xi32>,
      %parallel_loop3A_385 = arith.index_cast %parallel_loop3A_380 : i32 to index
      %parallel_loop3A_386 = tpu.vector_load %arg12[%parallel_loop3A_385] {strides = array<i32>} : memref<10416xi32, #tpu.memory_space<vmem>>, vector<16xi32>,
      %parallel_loop3A_387 = arith.constant 1.500000e+01 : f32
      %parallel_loop3A_388 = vector.broadcast %parallel_loop3A_387 : f32 to vector<16xf32>
      %parallel_loop3A_389 = arith.mulf %parallel_loop3A_382, %parallel_loop3A_388 : vector<16xf32>
      %parallel_loop3A_390 = arith.fptosi %parallel_loop3A_389 : vector<16xf32> to vector<16xi32>
      %parallel_loop3A_391 = arith.constant 14 : i32
      %parallel_loop3A_392 = vector.broadcast %parallel_loop3A_391 : i32 to vector<16xi32>
      %parallel_loop3A_393 = arith.minsi %parallel_loop3A_390, %parallel_loop3A_392 : vector<16xi32>
      %parallel_loop3A_394 = arith.constant 0.000000e+00 : f32
      %parallel_loop3A_395 = vector.broadcast %parallel_loop3A_394 : f32 to vector<16xf32>
      %parallel_loop3A_396 = arith.cmpf ogt, %parallel_loop3A_382, %parallel_loop3A_395 : vector<16xf32>
      %parallel_loop3A_397 = arith.addi %mul3A_12, %parallel_loop3A_393 : vector<16xi32>
      tpu.vector_store_idx %arg14[%parallel_loop3A_397], %broadcast_in_dim3A_14 masked %parallel_loop3A_396 {add = true} : memref<256xf32, #tpu.memory_space<vmem>>[vector<16xi32>], vector<16xf32>, vector<16xi1>
      tpu.vector_store_idx %arg15[%parallel_loop3A_397], %parallel_loop3A_382 masked %parallel_loop3A_396 {add = true} : memref<256xf32, #tpu.memory_space<vmem>>[vector<16xi32>], vector<16xf32>, vector<16xi1>
      %parallel_loop3A_398 = arith.cmpi eq, %parallel_loop3A_384, %parallel_loop3A_386 : vector<16xi32>
      %parallel_loop3A_399 = arith.andi %parallel_loop3A_396, %parallel_loop3A_398 : vector<16xi1>
      tpu.vector_store_idx %arg16[%parallel_loop3A_397], %broadcast_in_dim3A_14 masked %parallel_loop3A_399 {add = true} : memref<256xf32, #tpu.memory_space<vmem>>[vector<16xi32>], vector<16xf32>, vector<16xi1>
    } {sc.loop_unroll_factor = 7 : i64, sc.parallel_access}
    %add3A_122 = arith.constant 72912 : i32
    %add3A_123 = arith.addi %mul3A_2, %add3A_122 : i32
    %dma_start3A_124 = tpu.memref_slice %arg2[%add3A_123] : memref<4000000xf32, #tpu.memory_space<hbm>> -> memref<10416xf32, #tpu.memory_space<hbm>>
    %dma_start3A_125 = tpu.memref_slice %arg2[%add3A_123] : memref<4000000xf32, #tpu.memory_space<hbm>> -> memref<10416xf32, #tpu.memory_space<hbm>>
    tpu.enqueue_dma source(%dma_start3A_125 : memref<10416xf32, #tpu.memory_space<hbm>>) target(%arg8 : memref<10416xf32, #tpu.memory_space<vmem>>) target_semaphore(%arg22 : memref<!tpu.dma_semaphore, #tpu.memory_space<semaphore_mem>>)
    %dma_start3A_126 = tpu.memref_slice %arg3[%add3A_123] : memref<4000000xi32, #tpu.memory_space<hbm>> -> memref<10416xi32, #tpu.memory_space<hbm>>
    %dma_start3A_127 = tpu.memref_slice %arg3[%add3A_123] : memref<4000000xi32, #tpu.memory_space<hbm>> -> memref<10416xi32, #tpu.memory_space<hbm>>
    tpu.enqueue_dma source(%dma_start3A_127 : memref<10416xi32, #tpu.memory_space<hbm>>) target(%arg10 : memref<10416xi32, #tpu.memory_space<vmem>>) target_semaphore(%arg22 : memref<!tpu.dma_semaphore, #tpu.memory_space<semaphore_mem>>)
    %dma_start3A_128 = tpu.memref_slice %arg4[%add3A_123] : memref<4000000xi32, #tpu.memory_space<hbm>> -> memref<10416xi32, #tpu.memory_space<hbm>>
    %dma_start3A_129 = tpu.memref_slice %arg4[%add3A_123] : memref<4000000xi32, #tpu.memory_space<hbm>> -> memref<10416xi32, #tpu.memory_space<hbm>>
    tpu.enqueue_dma source(%dma_start3A_129 : memref<10416xi32, #tpu.memory_space<hbm>>) target(%arg12 : memref<10416xi32, #tpu.memory_space<vmem>>) target_semaphore(%arg22 : memref<!tpu.dma_semaphore, #tpu.memory_space<semaphore_mem>>)
    %dma_wait3A_130 = tpu.memref_slice %arg2[%add3A_106] : memref<4000000xf32, #tpu.memory_space<hbm>> -> memref<10416xf32, #tpu.memory_space<hbm>>
    %dma_wait3A_131 = tpu.memref_slice %arg2[%add3A_106] : memref<4000000xf32, #tpu.memory_space<hbm>> -> memref<10416xf32, #tpu.memory_space<hbm>>
    tpu.wait_dma2 semaphore(%arg21 : memref<!tpu.dma_semaphore, #tpu.memory_space<semaphore_mem>>) src(%dma_wait3A_131 : memref<10416xf32, #tpu.memory_space<hbm>>) dst(%arg7 : memref<10416xf32, #tpu.memory_space<vmem>>)
    %dma_wait3A_132 = tpu.memref_slice %arg3[%add3A_106] : memref<4000000xi32, #tpu.memory_space<hbm>> -> memref<10416xi32, #tpu.memory_space<hbm>>
    %dma_wait3A_133 = tpu.memref_slice %arg3[%add3A_106] : memref<4000000xi32, #tpu.memory_space<hbm>> -> memref<10416xi32, #tpu.memory_space<hbm>>
    tpu.wait_dma2 semaphore(%arg21 : memref<!tpu.dma_semaphore, #tpu.memory_space<semaphore_mem>>) src(%dma_wait3A_133 : memref<10416xi32, #tpu.memory_space<hbm>>) dst(%arg9 : memref<10416xi32, #tpu.memory_space<vmem>>)
    %dma_wait3A_134 = tpu.memref_slice %arg4[%add3A_106] : memref<4000000xi32, #tpu.memory_space<hbm>> -> memref<10416xi32, #tpu.memory_space<hbm>>
    %dma_wait3A_135 = tpu.memref_slice %arg4[%add3A_106] : memref<4000000xi32, #tpu.memory_space<hbm>> -> memref<10416xi32, #tpu.memory_space<hbm>>
    tpu.wait_dma2 semaphore(%arg21 : memref<!tpu.dma_semaphore, #tpu.memory_space<semaphore_mem>>) src(%dma_wait3A_135 : memref<10416xi32, #tpu.memory_space<hbm>>) dst(%arg11 : memref<10416xi32, #tpu.memory_space<vmem>>)
    %parallel_loop3A_136 = arith.constant 0 : i32
    %parallel_loop3A_137 = arith.constant 651 : i32
    %parallel_loop3A_138 = arith.constant 1 : i32
    scf.for %parallel_loop3A_378 = %parallel_loop3A_136 to %parallel_loop3A_137 step %parallel_loop3A_138  : i32 {
      %parallel_loop3A_379 = arith.constant 16 : i32
      %parallel_loop3A_380 = arith.muli %parallel_loop3A_378, %parallel_loop3A_379 : i32
      %parallel_loop3A_381 = arith.index_cast %parallel_loop3A_380 : i32 to index
      %parallel_loop3A_382 = tpu.vector_load %arg7[%parallel_loop3A_381] {strides = array<i32>} : memref<10416xf32, #tpu.memory_space<vmem>>, vector<16xf32>,
      %parallel_loop3A_383 = arith.index_cast %parallel_loop3A_380 : i32 to index
      %parallel_loop3A_384 = tpu.vector_load %arg9[%parallel_loop3A_383] {strides = array<i32>} : memref<10416xi32, #tpu.memory_space<vmem>>, vector<16xi32>,
      %parallel_loop3A_385 = arith.index_cast %parallel_loop3A_380 : i32 to index
      %parallel_loop3A_386 = tpu.vector_load %arg11[%parallel_loop3A_385] {strides = array<i32>} : memref<10416xi32, #tpu.memory_space<vmem>>, vector<16xi32>,
      %parallel_loop3A_387 = arith.constant 1.500000e+01 : f32
      %parallel_loop3A_388 = vector.broadcast %parallel_loop3A_387 : f32 to vector<16xf32>
      %parallel_loop3A_389 = arith.mulf %parallel_loop3A_382, %parallel_loop3A_388 : vector<16xf32>
      %parallel_loop3A_390 = arith.fptosi %parallel_loop3A_389 : vector<16xf32> to vector<16xi32>
      %parallel_loop3A_391 = arith.constant 14 : i32
      %parallel_loop3A_392 = vector.broadcast %parallel_loop3A_391 : i32 to vector<16xi32>
      %parallel_loop3A_393 = arith.minsi %parallel_loop3A_390, %parallel_loop3A_392 : vector<16xi32>
      %parallel_loop3A_394 = arith.constant 0.000000e+00 : f32
      %parallel_loop3A_395 = vector.broadcast %parallel_loop3A_394 : f32 to vector<16xf32>
      %parallel_loop3A_396 = arith.cmpf ogt, %parallel_loop3A_382, %parallel_loop3A_395 : vector<16xf32>
      %parallel_loop3A_397 = arith.addi %mul3A_12, %parallel_loop3A_393 : vector<16xi32>
      tpu.vector_store_idx %arg14[%parallel_loop3A_397], %broadcast_in_dim3A_14 masked %parallel_loop3A_396 {add = true} : memref<256xf32, #tpu.memory_space<vmem>>[vector<16xi32>], vector<16xf32>, vector<16xi1>
      tpu.vector_store_idx %arg15[%parallel_loop3A_397], %parallel_loop3A_382 masked %parallel_loop3A_396 {add = true} : memref<256xf32, #tpu.memory_space<vmem>>[vector<16xi32>], vector<16xf32>, vector<16xi1>
      %parallel_loop3A_398 = arith.cmpi eq, %parallel_loop3A_384, %parallel_loop3A_386 : vector<16xi32>
      %parallel_loop3A_399 = arith.andi %parallel_loop3A_396, %parallel_loop3A_398 : vector<16xi1>
      tpu.vector_store_idx %arg16[%parallel_loop3A_397], %broadcast_in_dim3A_14 masked %parallel_loop3A_399 {add = true} : memref<256xf32, #tpu.memory_space<vmem>>[vector<16xi32>], vector<16xf32>, vector<16xi1>
    } {sc.loop_unroll_factor = 7 : i64, sc.parallel_access}
    %add3A_139 = arith.constant 83328 : i32
    %add3A_140 = arith.addi %mul3A_2, %add3A_139 : i32
    %dma_start3A_141 = tpu.memref_slice %arg2[%add3A_140] : memref<4000000xf32, #tpu.memory_space<hbm>> -> memref<10416xf32, #tpu.memory_space<hbm>>
    %dma_start3A_142 = tpu.memref_slice %arg2[%add3A_140] : memref<4000000xf32, #tpu.memory_space<hbm>> -> memref<10416xf32, #tpu.memory_space<hbm>>
    tpu.enqueue_dma source(%dma_start3A_142 : memref<10416xf32, #tpu.memory_space<hbm>>) target(%arg7 : memref<10416xf32, #tpu.memory_space<vmem>>) target_semaphore(%arg21 : memref<!tpu.dma_semaphore, #tpu.memory_space<semaphore_mem>>)
    %dma_start3A_143 = tpu.memref_slice %arg3[%add3A_140] : memref<4000000xi32, #tpu.memory_space<hbm>> -> memref<10416xi32, #tpu.memory_space<hbm>>
    %dma_start3A_144 = tpu.memref_slice %arg3[%add3A_140] : memref<4000000xi32, #tpu.memory_space<hbm>> -> memref<10416xi32, #tpu.memory_space<hbm>>
    tpu.enqueue_dma source(%dma_start3A_144 : memref<10416xi32, #tpu.memory_space<hbm>>) target(%arg9 : memref<10416xi32, #tpu.memory_space<vmem>>) target_semaphore(%arg21 : memref<!tpu.dma_semaphore, #tpu.memory_space<semaphore_mem>>)
    %dma_start3A_145 = tpu.memref_slice %arg4[%add3A_140] : memref<4000000xi32, #tpu.memory_space<hbm>> -> memref<10416xi32, #tpu.memory_space<hbm>>
    %dma_start3A_146 = tpu.memref_slice %arg4[%add3A_140] : memref<4000000xi32, #tpu.memory_space<hbm>> -> memref<10416xi32, #tpu.memory_space<hbm>>
    tpu.enqueue_dma source(%dma_start3A_146 : memref<10416xi32, #tpu.memory_space<hbm>>) target(%arg11 : memref<10416xi32, #tpu.memory_space<vmem>>) target_semaphore(%arg21 : memref<!tpu.dma_semaphore, #tpu.memory_space<semaphore_mem>>)
    %dma_wait3A_147 = tpu.memref_slice %arg2[%add3A_123] : memref<4000000xf32, #tpu.memory_space<hbm>> -> memref<10416xf32, #tpu.memory_space<hbm>>
    %dma_wait3A_148 = tpu.memref_slice %arg2[%add3A_123] : memref<4000000xf32, #tpu.memory_space<hbm>> -> memref<10416xf32, #tpu.memory_space<hbm>>
    tpu.wait_dma2 semaphore(%arg22 : memref<!tpu.dma_semaphore, #tpu.memory_space<semaphore_mem>>) src(%dma_wait3A_148 : memref<10416xf32, #tpu.memory_space<hbm>>) dst(%arg8 : memref<10416xf32, #tpu.memory_space<vmem>>)
    %dma_wait3A_149 = tpu.memref_slice %arg3[%add3A_123] : memref<4000000xi32, #tpu.memory_space<hbm>> -> memref<10416xi32, #tpu.memory_space<hbm>>
    %dma_wait3A_150 = tpu.memref_slice %arg3[%add3A_123] : memref<4000000xi32, #tpu.memory_space<hbm>> -> memref<10416xi32, #tpu.memory_space<hbm>>
    tpu.wait_dma2 semaphore(%arg22 : memref<!tpu.dma_semaphore, #tpu.memory_space<semaphore_mem>>) src(%dma_wait3A_150 : memref<10416xi32, #tpu.memory_space<hbm>>) dst(%arg10 : memref<10416xi32, #tpu.memory_space<vmem>>)
    %dma_wait3A_151 = tpu.memref_slice %arg4[%add3A_123] : memref<4000000xi32, #tpu.memory_space<hbm>> -> memref<10416xi32, #tpu.memory_space<hbm>>
    %dma_wait3A_152 = tpu.memref_slice %arg4[%add3A_123] : memref<4000000xi32, #tpu.memory_space<hbm>> -> memref<10416xi32, #tpu.memory_space<hbm>>
    tpu.wait_dma2 semaphore(%arg22 : memref<!tpu.dma_semaphore, #tpu.memory_space<semaphore_mem>>) src(%dma_wait3A_152 : memref<10416xi32, #tpu.memory_space<hbm>>) dst(%arg12 : memref<10416xi32, #tpu.memory_space<vmem>>)
    %parallel_loop3A_153 = arith.constant 0 : i32
    %parallel_loop3A_154 = arith.constant 651 : i32
    %parallel_loop3A_155 = arith.constant 1 : i32
    scf.for %parallel_loop3A_378 = %parallel_loop3A_153 to %parallel_loop3A_154 step %parallel_loop3A_155  : i32 {
      %parallel_loop3A_379 = arith.constant 16 : i32
      %parallel_loop3A_380 = arith.muli %parallel_loop3A_378, %parallel_loop3A_379 : i32
      %parallel_loop3A_381 = arith.index_cast %parallel_loop3A_380 : i32 to index
      %parallel_loop3A_382 = tpu.vector_load %arg8[%parallel_loop3A_381] {strides = array<i32>} : memref<10416xf32, #tpu.memory_space<vmem>>, vector<16xf32>,
      %parallel_loop3A_383 = arith.index_cast %parallel_loop3A_380 : i32 to index
      %parallel_loop3A_384 = tpu.vector_load %arg10[%parallel_loop3A_383] {strides = array<i32>} : memref<10416xi32, #tpu.memory_space<vmem>>, vector<16xi32>,
      %parallel_loop3A_385 = arith.index_cast %parallel_loop3A_380 : i32 to index
      %parallel_loop3A_386 = tpu.vector_load %arg12[%parallel_loop3A_385] {strides = array<i32>} : memref<10416xi32, #tpu.memory_space<vmem>>, vector<16xi32>,
      %parallel_loop3A_387 = arith.constant 1.500000e+01 : f32
      %parallel_loop3A_388 = vector.broadcast %parallel_loop3A_387 : f32 to vector<16xf32>
      %parallel_loop3A_389 = arith.mulf %parallel_loop3A_382, %parallel_loop3A_388 : vector<16xf32>
      %parallel_loop3A_390 = arith.fptosi %parallel_loop3A_389 : vector<16xf32> to vector<16xi32>
      %parallel_loop3A_391 = arith.constant 14 : i32
      %parallel_loop3A_392 = vector.broadcast %parallel_loop3A_391 : i32 to vector<16xi32>
      %parallel_loop3A_393 = arith.minsi %parallel_loop3A_390, %parallel_loop3A_392 : vector<16xi32>
      %parallel_loop3A_394 = arith.constant 0.000000e+00 : f32
      %parallel_loop3A_395 = vector.broadcast %parallel_loop3A_394 : f32 to vector<16xf32>
      %parallel_loop3A_396 = arith.cmpf ogt, %parallel_loop3A_382, %parallel_loop3A_395 : vector<16xf32>
      %parallel_loop3A_397 = arith.addi %mul3A_12, %parallel_loop3A_393 : vector<16xi32>
      tpu.vector_store_idx %arg14[%parallel_loop3A_397], %broadcast_in_dim3A_14 masked %parallel_loop3A_396 {add = true} : memref<256xf32, #tpu.memory_space<vmem>>[vector<16xi32>], vector<16xf32>, vector<16xi1>
      tpu.vector_store_idx %arg15[%parallel_loop3A_397], %parallel_loop3A_382 masked %parallel_loop3A_396 {add = true} : memref<256xf32, #tpu.memory_space<vmem>>[vector<16xi32>], vector<16xf32>, vector<16xi1>
      %parallel_loop3A_398 = arith.cmpi eq, %parallel_loop3A_384, %parallel_loop3A_386 : vector<16xi32>
      %parallel_loop3A_399 = arith.andi %parallel_loop3A_396, %parallel_loop3A_398 : vector<16xi1>
      tpu.vector_store_idx %arg16[%parallel_loop3A_397], %broadcast_in_dim3A_14 masked %parallel_loop3A_399 {add = true} : memref<256xf32, #tpu.memory_space<vmem>>[vector<16xi32>], vector<16xf32>, vector<16xi1>
    } {sc.loop_unroll_factor = 7 : i64, sc.parallel_access}
    %add3A_156 = arith.constant 93744 : i32
    %add3A_157 = arith.addi %mul3A_2, %add3A_156 : i32
    %dma_start3A_158 = tpu.memref_slice %arg2[%add3A_157] : memref<4000000xf32, #tpu.memory_space<hbm>> -> memref<10416xf32, #tpu.memory_space<hbm>>
    %dma_start3A_159 = tpu.memref_slice %arg2[%add3A_157] : memref<4000000xf32, #tpu.memory_space<hbm>> -> memref<10416xf32, #tpu.memory_space<hbm>>
    tpu.enqueue_dma source(%dma_start3A_159 : memref<10416xf32, #tpu.memory_space<hbm>>) target(%arg8 : memref<10416xf32, #tpu.memory_space<vmem>>) target_semaphore(%arg22 : memref<!tpu.dma_semaphore, #tpu.memory_space<semaphore_mem>>)
    %dma_start3A_160 = tpu.memref_slice %arg3[%add3A_157] : memref<4000000xi32, #tpu.memory_space<hbm>> -> memref<10416xi32, #tpu.memory_space<hbm>>
    %dma_start3A_161 = tpu.memref_slice %arg3[%add3A_157] : memref<4000000xi32, #tpu.memory_space<hbm>> -> memref<10416xi32, #tpu.memory_space<hbm>>
    tpu.enqueue_dma source(%dma_start3A_161 : memref<10416xi32, #tpu.memory_space<hbm>>) target(%arg10 : memref<10416xi32, #tpu.memory_space<vmem>>) target_semaphore(%arg22 : memref<!tpu.dma_semaphore, #tpu.memory_space<semaphore_mem>>)
    %dma_start3A_162 = tpu.memref_slice %arg4[%add3A_157] : memref<4000000xi32, #tpu.memory_space<hbm>> -> memref<10416xi32, #tpu.memory_space<hbm>>
    %dma_start3A_163 = tpu.memref_slice %arg4[%add3A_157] : memref<4000000xi32, #tpu.memory_space<hbm>> -> memref<10416xi32, #tpu.memory_space<hbm>>
    tpu.enqueue_dma source(%dma_start3A_163 : memref<10416xi32, #tpu.memory_space<hbm>>) target(%arg12 : memref<10416xi32, #tpu.memory_space<vmem>>) target_semaphore(%arg22 : memref<!tpu.dma_semaphore, #tpu.memory_space<semaphore_mem>>)
    %dma_wait3A_164 = tpu.memref_slice %arg2[%add3A_140] : memref<4000000xf32, #tpu.memory_space<hbm>> -> memref<10416xf32, #tpu.memory_space<hbm>>
    %dma_wait3A_165 = tpu.memref_slice %arg2[%add3A_140] : memref<4000000xf32, #tpu.memory_space<hbm>> -> memref<10416xf32, #tpu.memory_space<hbm>>
    tpu.wait_dma2 semaphore(%arg21 : memref<!tpu.dma_semaphore, #tpu.memory_space<semaphore_mem>>) src(%dma_wait3A_165 : memref<10416xf32, #tpu.memory_space<hbm>>) dst(%arg7 : memref<10416xf32, #tpu.memory_space<vmem>>)
    %dma_wait3A_166 = tpu.memref_slice %arg3[%add3A_140] : memref<4000000xi32, #tpu.memory_space<hbm>> -> memref<10416xi32, #tpu.memory_space<hbm>>
    %dma_wait3A_167 = tpu.memref_slice %arg3[%add3A_140] : memref<4000000xi32, #tpu.memory_space<hbm>> -> memref<10416xi32, #tpu.memory_space<hbm>>
    tpu.wait_dma2 semaphore(%arg21 : memref<!tpu.dma_semaphore, #tpu.memory_space<semaphore_mem>>) src(%dma_wait3A_167 : memref<10416xi32, #tpu.memory_space<hbm>>) dst(%arg9 : memref<10416xi32, #tpu.memory_space<vmem>>)
    %dma_wait3A_168 = tpu.memref_slice %arg4[%add3A_140] : memref<4000000xi32, #tpu.memory_space<hbm>> -> memref<10416xi32, #tpu.memory_space<hbm>>
    %dma_wait3A_169 = tpu.memref_slice %arg4[%add3A_140] : memref<4000000xi32, #tpu.memory_space<hbm>> -> memref<10416xi32, #tpu.memory_space<hbm>>
    tpu.wait_dma2 semaphore(%arg21 : memref<!tpu.dma_semaphore, #tpu.memory_space<semaphore_mem>>) src(%dma_wait3A_169 : memref<10416xi32, #tpu.memory_space<hbm>>) dst(%arg11 : memref<10416xi32, #tpu.memory_space<vmem>>)
    %parallel_loop3A_170 = arith.constant 0 : i32
    %parallel_loop3A_171 = arith.constant 651 : i32
    %parallel_loop3A_172 = arith.constant 1 : i32
    scf.for %parallel_loop3A_378 = %parallel_loop3A_170 to %parallel_loop3A_171 step %parallel_loop3A_172  : i32 {
      %parallel_loop3A_379 = arith.constant 16 : i32
      %parallel_loop3A_380 = arith.muli %parallel_loop3A_378, %parallel_loop3A_379 : i32
      %parallel_loop3A_381 = arith.index_cast %parallel_loop3A_380 : i32 to index
      %parallel_loop3A_382 = tpu.vector_load %arg7[%parallel_loop3A_381] {strides = array<i32>} : memref<10416xf32, #tpu.memory_space<vmem>>, vector<16xf32>,
      %parallel_loop3A_383 = arith.index_cast %parallel_loop3A_380 : i32 to index
      %parallel_loop3A_384 = tpu.vector_load %arg9[%parallel_loop3A_383] {strides = array<i32>} : memref<10416xi32, #tpu.memory_space<vmem>>, vector<16xi32>,
      %parallel_loop3A_385 = arith.index_cast %parallel_loop3A_380 : i32 to index
      %parallel_loop3A_386 = tpu.vector_load %arg11[%parallel_loop3A_385] {strides = array<i32>} : memref<10416xi32, #tpu.memory_space<vmem>>, vector<16xi32>,
      %parallel_loop3A_387 = arith.constant 1.500000e+01 : f32
      %parallel_loop3A_388 = vector.broadcast %parallel_loop3A_387 : f32 to vector<16xf32>
      %parallel_loop3A_389 = arith.mulf %parallel_loop3A_382, %parallel_loop3A_388 : vector<16xf32>
      %parallel_loop3A_390 = arith.fptosi %parallel_loop3A_389 : vector<16xf32> to vector<16xi32>
      %parallel_loop3A_391 = arith.constant 14 : i32
      %parallel_loop3A_392 = vector.broadcast %parallel_loop3A_391 : i32 to vector<16xi32>
      %parallel_loop3A_393 = arith.minsi %parallel_loop3A_390, %parallel_loop3A_392 : vector<16xi32>
      %parallel_loop3A_394 = arith.constant 0.000000e+00 : f32
      %parallel_loop3A_395 = vector.broadcast %parallel_loop3A_394 : f32 to vector<16xf32>
      %parallel_loop3A_396 = arith.cmpf ogt, %parallel_loop3A_382, %parallel_loop3A_395 : vector<16xf32>
      %parallel_loop3A_397 = arith.addi %mul3A_12, %parallel_loop3A_393 : vector<16xi32>
      tpu.vector_store_idx %arg14[%parallel_loop3A_397], %broadcast_in_dim3A_14 masked %parallel_loop3A_396 {add = true} : memref<256xf32, #tpu.memory_space<vmem>>[vector<16xi32>], vector<16xf32>, vector<16xi1>
      tpu.vector_store_idx %arg15[%parallel_loop3A_397], %parallel_loop3A_382 masked %parallel_loop3A_396 {add = true} : memref<256xf32, #tpu.memory_space<vmem>>[vector<16xi32>], vector<16xf32>, vector<16xi1>
      %parallel_loop3A_398 = arith.cmpi eq, %parallel_loop3A_384, %parallel_loop3A_386 : vector<16xi32>
      %parallel_loop3A_399 = arith.andi %parallel_loop3A_396, %parallel_loop3A_398 : vector<16xi1>
      tpu.vector_store_idx %arg16[%parallel_loop3A_397], %broadcast_in_dim3A_14 masked %parallel_loop3A_399 {add = true} : memref<256xf32, #tpu.memory_space<vmem>>[vector<16xi32>], vector<16xf32>, vector<16xi1>
    } {sc.loop_unroll_factor = 7 : i64, sc.parallel_access}
    %add3A_173 = arith.constant 104160 : i32
    %add3A_174 = arith.addi %mul3A_2, %add3A_173 : i32
    %dma_start3A_175 = tpu.memref_slice %arg2[%add3A_174] : memref<4000000xf32, #tpu.memory_space<hbm>> -> memref<10416xf32, #tpu.memory_space<hbm>>
    %dma_start3A_176 = tpu.memref_slice %arg2[%add3A_174] : memref<4000000xf32, #tpu.memory_space<hbm>> -> memref<10416xf32, #tpu.memory_space<hbm>>
    tpu.enqueue_dma source(%dma_start3A_176 : memref<10416xf32, #tpu.memory_space<hbm>>) target(%arg7 : memref<10416xf32, #tpu.memory_space<vmem>>) target_semaphore(%arg21 : memref<!tpu.dma_semaphore, #tpu.memory_space<semaphore_mem>>)
    %dma_start3A_177 = tpu.memref_slice %arg3[%add3A_174] : memref<4000000xi32, #tpu.memory_space<hbm>> -> memref<10416xi32, #tpu.memory_space<hbm>>
    %dma_start3A_178 = tpu.memref_slice %arg3[%add3A_174] : memref<4000000xi32, #tpu.memory_space<hbm>> -> memref<10416xi32, #tpu.memory_space<hbm>>
    tpu.enqueue_dma source(%dma_start3A_178 : memref<10416xi32, #tpu.memory_space<hbm>>) target(%arg9 : memref<10416xi32, #tpu.memory_space<vmem>>) target_semaphore(%arg21 : memref<!tpu.dma_semaphore, #tpu.memory_space<semaphore_mem>>)
    %dma_start3A_179 = tpu.memref_slice %arg4[%add3A_174] : memref<4000000xi32, #tpu.memory_space<hbm>> -> memref<10416xi32, #tpu.memory_space<hbm>>
    %dma_start3A_180 = tpu.memref_slice %arg4[%add3A_174] : memref<4000000xi32, #tpu.memory_space<hbm>> -> memref<10416xi32, #tpu.memory_space<hbm>>
    tpu.enqueue_dma source(%dma_start3A_180 : memref<10416xi32, #tpu.memory_space<hbm>>) target(%arg11 : memref<10416xi32, #tpu.memory_space<vmem>>) target_semaphore(%arg21 : memref<!tpu.dma_semaphore, #tpu.memory_space<semaphore_mem>>)
    %dma_wait3A_181 = tpu.memref_slice %arg2[%add3A_157] : memref<4000000xf32, #tpu.memory_space<hbm>> -> memref<10416xf32, #tpu.memory_space<hbm>>
    %dma_wait3A_182 = tpu.memref_slice %arg2[%add3A_157] : memref<4000000xf32, #tpu.memory_space<hbm>> -> memref<10416xf32, #tpu.memory_space<hbm>>
    tpu.wait_dma2 semaphore(%arg22 : memref<!tpu.dma_semaphore, #tpu.memory_space<semaphore_mem>>) src(%dma_wait3A_182 : memref<10416xf32, #tpu.memory_space<hbm>>) dst(%arg8 : memref<10416xf32, #tpu.memory_space<vmem>>)
    %dma_wait3A_183 = tpu.memref_slice %arg3[%add3A_157] : memref<4000000xi32, #tpu.memory_space<hbm>> -> memref<10416xi32, #tpu.memory_space<hbm>>
    %dma_wait3A_184 = tpu.memref_slice %arg3[%add3A_157] : memref<4000000xi32, #tpu.memory_space<hbm>> -> memref<10416xi32, #tpu.memory_space<hbm>>
    tpu.wait_dma2 semaphore(%arg22 : memref<!tpu.dma_semaphore, #tpu.memory_space<semaphore_mem>>) src(%dma_wait3A_184 : memref<10416xi32, #tpu.memory_space<hbm>>) dst(%arg10 : memref<10416xi32, #tpu.memory_space<vmem>>)
    %dma_wait3A_185 = tpu.memref_slice %arg4[%add3A_157] : memref<4000000xi32, #tpu.memory_space<hbm>> -> memref<10416xi32, #tpu.memory_space<hbm>>
    %dma_wait3A_186 = tpu.memref_slice %arg4[%add3A_157] : memref<4000000xi32, #tpu.memory_space<hbm>> -> memref<10416xi32, #tpu.memory_space<hbm>>
    tpu.wait_dma2 semaphore(%arg22 : memref<!tpu.dma_semaphore, #tpu.memory_space<semaphore_mem>>) src(%dma_wait3A_186 : memref<10416xi32, #tpu.memory_space<hbm>>) dst(%arg12 : memref<10416xi32, #tpu.memory_space<vmem>>)
    %parallel_loop3A_187 = arith.constant 0 : i32
    %parallel_loop3A_188 = arith.constant 651 : i32
    %parallel_loop3A_189 = arith.constant 1 : i32
    scf.for %parallel_loop3A_378 = %parallel_loop3A_187 to %parallel_loop3A_188 step %parallel_loop3A_189  : i32 {
      %parallel_loop3A_379 = arith.constant 16 : i32
      %parallel_loop3A_380 = arith.muli %parallel_loop3A_378, %parallel_loop3A_379 : i32
      %parallel_loop3A_381 = arith.index_cast %parallel_loop3A_380 : i32 to index
      %parallel_loop3A_382 = tpu.vector_load %arg8[%parallel_loop3A_381] {strides = array<i32>} : memref<10416xf32, #tpu.memory_space<vmem>>, vector<16xf32>,
      %parallel_loop3A_383 = arith.index_cast %parallel_loop3A_380 : i32 to index
      %parallel_loop3A_384 = tpu.vector_load %arg10[%parallel_loop3A_383] {strides = array<i32>} : memref<10416xi32, #tpu.memory_space<vmem>>, vector<16xi32>,
      %parallel_loop3A_385 = arith.index_cast %parallel_loop3A_380 : i32 to index
      %parallel_loop3A_386 = tpu.vector_load %arg12[%parallel_loop3A_385] {strides = array<i32>} : memref<10416xi32, #tpu.memory_space<vmem>>, vector<16xi32>,
      %parallel_loop3A_387 = arith.constant 1.500000e+01 : f32
      %parallel_loop3A_388 = vector.broadcast %parallel_loop3A_387 : f32 to vector<16xf32>
      %parallel_loop3A_389 = arith.mulf %parallel_loop3A_382, %parallel_loop3A_388 : vector<16xf32>
      %parallel_loop3A_390 = arith.fptosi %parallel_loop3A_389 : vector<16xf32> to vector<16xi32>
      %parallel_loop3A_391 = arith.constant 14 : i32
      %parallel_loop3A_392 = vector.broadcast %parallel_loop3A_391 : i32 to vector<16xi32>
      %parallel_loop3A_393 = arith.minsi %parallel_loop3A_390, %parallel_loop3A_392 : vector<16xi32>
      %parallel_loop3A_394 = arith.constant 0.000000e+00 : f32
      %parallel_loop3A_395 = vector.broadcast %parallel_loop3A_394 : f32 to vector<16xf32>
      %parallel_loop3A_396 = arith.cmpf ogt, %parallel_loop3A_382, %parallel_loop3A_395 : vector<16xf32>
      %parallel_loop3A_397 = arith.addi %mul3A_12, %parallel_loop3A_393 : vector<16xi32>
      tpu.vector_store_idx %arg14[%parallel_loop3A_397], %broadcast_in_dim3A_14 masked %parallel_loop3A_396 {add = true} : memref<256xf32, #tpu.memory_space<vmem>>[vector<16xi32>], vector<16xf32>, vector<16xi1>
      tpu.vector_store_idx %arg15[%parallel_loop3A_397], %parallel_loop3A_382 masked %parallel_loop3A_396 {add = true} : memref<256xf32, #tpu.memory_space<vmem>>[vector<16xi32>], vector<16xf32>, vector<16xi1>
      %parallel_loop3A_398 = arith.cmpi eq, %parallel_loop3A_384, %parallel_loop3A_386 : vector<16xi32>
      %parallel_loop3A_399 = arith.andi %parallel_loop3A_396, %parallel_loop3A_398 : vector<16xi1>
      tpu.vector_store_idx %arg16[%parallel_loop3A_397], %broadcast_in_dim3A_14 masked %parallel_loop3A_399 {add = true} : memref<256xf32, #tpu.memory_space<vmem>>[vector<16xi32>], vector<16xf32>, vector<16xi1>
    } {sc.loop_unroll_factor = 7 : i64, sc.parallel_access}
    %add3A_190 = arith.constant 114576 : i32
    %add3A_191 = arith.addi %mul3A_2, %add3A_190 : i32
    %dma_start3A_192 = tpu.memref_slice %arg2[%add3A_191] : memref<4000000xf32, #tpu.memory_space<hbm>> -> memref<10416xf32, #tpu.memory_space<hbm>>
    %dma_start3A_193 = tpu.memref_slice %arg2[%add3A_191] : memref<4000000xf32, #tpu.memory_space<hbm>> -> memref<10416xf32, #tpu.memory_space<hbm>>
    tpu.enqueue_dma source(%dma_start3A_193 : memref<10416xf32, #tpu.memory_space<hbm>>) target(%arg8 : memref<10416xf32, #tpu.memory_space<vmem>>) target_semaphore(%arg22 : memref<!tpu.dma_semaphore, #tpu.memory_space<semaphore_mem>>)
    %dma_start3A_194 = tpu.memref_slice %arg3[%add3A_191] : memref<4000000xi32, #tpu.memory_space<hbm>> -> memref<10416xi32, #tpu.memory_space<hbm>>
    %dma_start3A_195 = tpu.memref_slice %arg3[%add3A_191] : memref<4000000xi32, #tpu.memory_space<hbm>> -> memref<10416xi32, #tpu.memory_space<hbm>>
    tpu.enqueue_dma source(%dma_start3A_195 : memref<10416xi32, #tpu.memory_space<hbm>>) target(%arg10 : memref<10416xi32, #tpu.memory_space<vmem>>) target_semaphore(%arg22 : memref<!tpu.dma_semaphore, #tpu.memory_space<semaphore_mem>>)
    %dma_start3A_196 = tpu.memref_slice %arg4[%add3A_191] : memref<4000000xi32, #tpu.memory_space<hbm>> -> memref<10416xi32, #tpu.memory_space<hbm>>
    %dma_start3A_197 = tpu.memref_slice %arg4[%add3A_191] : memref<4000000xi32, #tpu.memory_space<hbm>> -> memref<10416xi32, #tpu.memory_space<hbm>>
    tpu.enqueue_dma source(%dma_start3A_197 : memref<10416xi32, #tpu.memory_space<hbm>>) target(%arg12 : memref<10416xi32, #tpu.memory_space<vmem>>) target_semaphore(%arg22 : memref<!tpu.dma_semaphore, #tpu.memory_space<semaphore_mem>>)
    %dma_wait3A_198 = tpu.memref_slice %arg2[%add3A_174] : memref<4000000xf32, #tpu.memory_space<hbm>> -> memref<10416xf32, #tpu.memory_space<hbm>>
    %dma_wait3A_199 = tpu.memref_slice %arg2[%add3A_174] : memref<4000000xf32, #tpu.memory_space<hbm>> -> memref<10416xf32, #tpu.memory_space<hbm>>
    tpu.wait_dma2 semaphore(%arg21 : memref<!tpu.dma_semaphore, #tpu.memory_space<semaphore_mem>>) src(%dma_wait3A_199 : memref<10416xf32, #tpu.memory_space<hbm>>) dst(%arg7 : memref<10416xf32, #tpu.memory_space<vmem>>)
    %dma_wait3A_200 = tpu.memref_slice %arg3[%add3A_174] : memref<4000000xi32, #tpu.memory_space<hbm>> -> memref<10416xi32, #tpu.memory_space<hbm>>
    %dma_wait3A_201 = tpu.memref_slice %arg3[%add3A_174] : memref<4000000xi32, #tpu.memory_space<hbm>> -> memref<10416xi32, #tpu.memory_space<hbm>>
    tpu.wait_dma2 semaphore(%arg21 : memref<!tpu.dma_semaphore, #tpu.memory_space<semaphore_mem>>) src(%dma_wait3A_201 : memref<10416xi32, #tpu.memory_space<hbm>>) dst(%arg9 : memref<10416xi32, #tpu.memory_space<vmem>>)
    %dma_wait3A_202 = tpu.memref_slice %arg4[%add3A_174] : memref<4000000xi32, #tpu.memory_space<hbm>> -> memref<10416xi32, #tpu.memory_space<hbm>>
    %dma_wait3A_203 = tpu.memref_slice %arg4[%add3A_174] : memref<4000000xi32, #tpu.memory_space<hbm>> -> memref<10416xi32, #tpu.memory_space<hbm>>
    tpu.wait_dma2 semaphore(%arg21 : memref<!tpu.dma_semaphore, #tpu.memory_space<semaphore_mem>>) src(%dma_wait3A_203 : memref<10416xi32, #tpu.memory_space<hbm>>) dst(%arg11 : memref<10416xi32, #tpu.memory_space<vmem>>)
    %parallel_loop3A_204 = arith.constant 0 : i32
    %parallel_loop3A_205 = arith.constant 651 : i32
    %parallel_loop3A_206 = arith.constant 1 : i32
    scf.for %parallel_loop3A_378 = %parallel_loop3A_204 to %parallel_loop3A_205 step %parallel_loop3A_206  : i32 {
      %parallel_loop3A_379 = arith.constant 16 : i32
      %parallel_loop3A_380 = arith.muli %parallel_loop3A_378, %parallel_loop3A_379 : i32
      %parallel_loop3A_381 = arith.index_cast %parallel_loop3A_380 : i32 to index
      %parallel_loop3A_382 = tpu.vector_load %arg7[%parallel_loop3A_381] {strides = array<i32>} : memref<10416xf32, #tpu.memory_space<vmem>>, vector<16xf32>,
      %parallel_loop3A_383 = arith.index_cast %parallel_loop3A_380 : i32 to index
      %parallel_loop3A_384 = tpu.vector_load %arg9[%parallel_loop3A_383] {strides = array<i32>} : memref<10416xi32, #tpu.memory_space<vmem>>, vector<16xi32>,
      %parallel_loop3A_385 = arith.index_cast %parallel_loop3A_380 : i32 to index
      %parallel_loop3A_386 = tpu.vector_load %arg11[%parallel_loop3A_385] {strides = array<i32>} : memref<10416xi32, #tpu.memory_space<vmem>>, vector<16xi32>,
      %parallel_loop3A_387 = arith.constant 1.500000e+01 : f32
      %parallel_loop3A_388 = vector.broadcast %parallel_loop3A_387 : f32 to vector<16xf32>
      %parallel_loop3A_389 = arith.mulf %parallel_loop3A_382, %parallel_loop3A_388 : vector<16xf32>
      %parallel_loop3A_390 = arith.fptosi %parallel_loop3A_389 : vector<16xf32> to vector<16xi32>
      %parallel_loop3A_391 = arith.constant 14 : i32
      %parallel_loop3A_392 = vector.broadcast %parallel_loop3A_391 : i32 to vector<16xi32>
      %parallel_loop3A_393 = arith.minsi %parallel_loop3A_390, %parallel_loop3A_392 : vector<16xi32>
      %parallel_loop3A_394 = arith.constant 0.000000e+00 : f32
      %parallel_loop3A_395 = vector.broadcast %parallel_loop3A_394 : f32 to vector<16xf32>
      %parallel_loop3A_396 = arith.cmpf ogt, %parallel_loop3A_382, %parallel_loop3A_395 : vector<16xf32>
      %parallel_loop3A_397 = arith.addi %mul3A_12, %parallel_loop3A_393 : vector<16xi32>
      tpu.vector_store_idx %arg14[%parallel_loop3A_397], %broadcast_in_dim3A_14 masked %parallel_loop3A_396 {add = true} : memref<256xf32, #tpu.memory_space<vmem>>[vector<16xi32>], vector<16xf32>, vector<16xi1>
      tpu.vector_store_idx %arg15[%parallel_loop3A_397], %parallel_loop3A_382 masked %parallel_loop3A_396 {add = true} : memref<256xf32, #tpu.memory_space<vmem>>[vector<16xi32>], vector<16xf32>, vector<16xi1>
      %parallel_loop3A_398 = arith.cmpi eq, %parallel_loop3A_384, %parallel_loop3A_386 : vector<16xi32>
      %parallel_loop3A_399 = arith.andi %parallel_loop3A_396, %parallel_loop3A_398 : vector<16xi1>
      tpu.vector_store_idx %arg16[%parallel_loop3A_397], %broadcast_in_dim3A_14 masked %parallel_loop3A_399 {add = true} : memref<256xf32, #tpu.memory_space<vmem>>[vector<16xi32>], vector<16xf32>, vector<16xi1>
    } {sc.loop_unroll_factor = 7 : i64, sc.parallel_access}
    %dma_wait3A_207 = tpu.memref_slice %arg2[%add3A_191] : memref<4000000xf32, #tpu.memory_space<hbm>> -> memref<10416xf32, #tpu.memory_space<hbm>>
    %dma_wait3A_208 = tpu.memref_slice %arg2[%add3A_191] : memref<4000000xf32, #tpu.memory_space<hbm>> -> memref<10416xf32, #tpu.memory_space<hbm>>
    tpu.wait_dma2 semaphore(%arg22 : memref<!tpu.dma_semaphore, #tpu.memory_space<semaphore_mem>>) src(%dma_wait3A_208 : memref<10416xf32, #tpu.memory_space<hbm>>) dst(%arg8 : memref<10416xf32, #tpu.memory_space<vmem>>)
    %dma_wait3A_209 = tpu.memref_slice %arg3[%add3A_191] : memref<4000000xi32, #tpu.memory_space<hbm>> -> memref<10416xi32, #tpu.memory_space<hbm>>
    %dma_wait3A_210 = tpu.memref_slice %arg3[%add3A_191] : memref<4000000xi32, #tpu.memory_space<hbm>> -> memref<10416xi32, #tpu.memory_space<hbm>>
    tpu.wait_dma2 semaphore(%arg22 : memref<!tpu.dma_semaphore, #tpu.memory_space<semaphore_mem>>) src(%dma_wait3A_210 : memref<10416xi32, #tpu.memory_space<hbm>>) dst(%arg10 : memref<10416xi32, #tpu.memory_space<vmem>>)
    %dma_wait3A_211 = tpu.memref_slice %arg4[%add3A_191] : memref<4000000xi32, #tpu.memory_space<hbm>> -> memref<10416xi32, #tpu.memory_space<hbm>>
    %dma_wait3A_212 = tpu.memref_slice %arg4[%add3A_191] : memref<4000000xi32, #tpu.memory_space<hbm>> -> memref<10416xi32, #tpu.memory_space<hbm>>
    tpu.wait_dma2 semaphore(%arg22 : memref<!tpu.dma_semaphore, #tpu.memory_space<semaphore_mem>>) src(%dma_wait3A_212 : memref<10416xi32, #tpu.memory_space<hbm>>) dst(%arg12 : memref<10416xi32, #tpu.memory_space<vmem>>)
    %parallel_loop3A_213 = arith.constant 0 : i32
    %parallel_loop3A_214 = arith.constant 651 : i32
    %parallel_loop3A_215 = arith.constant 1 : i32
    scf.for %parallel_loop3A_378 = %parallel_loop3A_213 to %parallel_loop3A_214 step %parallel_loop3A_215  : i32 {
      %parallel_loop3A_379 = arith.constant 16 : i32
      %parallel_loop3A_380 = arith.muli %parallel_loop3A_378, %parallel_loop3A_379 : i32
      %parallel_loop3A_381 = arith.index_cast %parallel_loop3A_380 : i32 to index
      %parallel_loop3A_382 = tpu.vector_load %arg8[%parallel_loop3A_381] {strides = array<i32>} : memref<10416xf32, #tpu.memory_space<vmem>>, vector<16xf32>,
      %parallel_loop3A_383 = arith.index_cast %parallel_loop3A_380 : i32 to index
      %parallel_loop3A_384 = tpu.vector_load %arg10[%parallel_loop3A_383] {strides = array<i32>} : memref<10416xi32, #tpu.memory_space<vmem>>, vector<16xi32>,
      %parallel_loop3A_385 = arith.index_cast %parallel_loop3A_380 : i32 to index
      %parallel_loop3A_386 = tpu.vector_load %arg12[%parallel_loop3A_385] {strides = array<i32>} : memref<10416xi32, #tpu.memory_space<vmem>>, vector<16xi32>,
      %parallel_loop3A_387 = arith.constant 1.500000e+01 : f32
      %parallel_loop3A_388 = vector.broadcast %parallel_loop3A_387 : f32 to vector<16xf32>
      %parallel_loop3A_389 = arith.mulf %parallel_loop3A_382, %parallel_loop3A_388 : vector<16xf32>
      %parallel_loop3A_390 = arith.fptosi %parallel_loop3A_389 : vector<16xf32> to vector<16xi32>
      %parallel_loop3A_391 = arith.constant 14 : i32
      %parallel_loop3A_392 = vector.broadcast %parallel_loop3A_391 : i32 to vector<16xi32>
      %parallel_loop3A_393 = arith.minsi %parallel_loop3A_390, %parallel_loop3A_392 : vector<16xi32>
      %parallel_loop3A_394 = arith.constant 0.000000e+00 : f32
      %parallel_loop3A_395 = vector.broadcast %parallel_loop3A_394 : f32 to vector<16xf32>
      %parallel_loop3A_396 = arith.cmpf ogt, %parallel_loop3A_382, %parallel_loop3A_395 : vector<16xf32>
      %parallel_loop3A_397 = arith.addi %mul3A_12, %parallel_loop3A_393 : vector<16xi32>
      tpu.vector_store_idx %arg14[%parallel_loop3A_397], %broadcast_in_dim3A_14 masked %parallel_loop3A_396 {add = true} : memref<256xf32, #tpu.memory_space<vmem>>[vector<16xi32>], vector<16xf32>, vector<16xi1>
      tpu.vector_store_idx %arg15[%parallel_loop3A_397], %parallel_loop3A_382 masked %parallel_loop3A_396 {add = true} : memref<256xf32, #tpu.memory_space<vmem>>[vector<16xi32>], vector<16xf32>, vector<16xi1>
      %parallel_loop3A_398 = arith.cmpi eq, %parallel_loop3A_384, %parallel_loop3A_386 : vector<16xi32>
      %parallel_loop3A_399 = arith.andi %parallel_loop3A_396, %parallel_loop3A_398 : vector<16xi1>
      tpu.vector_store_idx %arg16[%parallel_loop3A_397], %broadcast_in_dim3A_14 masked %parallel_loop3A_399 {add = true} : memref<256xf32, #tpu.memory_space<vmem>>[vector<16xi32>], vector<16xf32>, vector<16xi1>
    } {sc.loop_unroll_factor = 7 : i64, sc.parallel_access}
    %lt3A = arith.constant 16 : i32
    %lt3A_216 = arith.cmpi slt, %add3A, %lt3A : i32
    %convert_element_type3A = arith.extui %lt3A_216 : i1 to i32
    %cond3A = arith.constant 0 : i32
    %cond3A_217 = arith.cmpi ne, %convert_element_type3A, %cond3A : i32
    scf.if %cond3A_217 {
      %mul3A_378 = arith.constant 16 : i32
      %mul3A_379 = arith.muli %add3A, %mul3A_378 : i32
      %add3A_380 = arith.constant 3999744 : i32
      %add3A_381 = arith.addi %add3A_380, %mul3A_379 : i32
      %dma_start3A_382 = tpu.memref_slice %arg2[%add3A_381] : memref<4000000xf32, #tpu.memory_space<hbm>> -> memref<16xf32, #tpu.memory_space<hbm>>
      %dma_start3A_383 = tpu.memref_slice %arg2[%add3A_381] : memref<4000000xf32, #tpu.memory_space<hbm>> -> memref<16xf32, #tpu.memory_space<hbm>>
      tpu.enqueue_dma source(%dma_start3A_383 : memref<16xf32, #tpu.memory_space<hbm>>) target(%arg17 : memref<16xf32, #tpu.memory_space<vmem>>) target_semaphore(%arg21 : memref<!tpu.dma_semaphore, #tpu.memory_space<semaphore_mem>>)
      %dma_start3A_384 = tpu.memref_slice %arg3[%add3A_381] : memref<4000000xi32, #tpu.memory_space<hbm>> -> memref<16xi32, #tpu.memory_space<hbm>>
      %dma_start3A_385 = tpu.memref_slice %arg3[%add3A_381] : memref<4000000xi32, #tpu.memory_space<hbm>> -> memref<16xi32, #tpu.memory_space<hbm>>
      tpu.enqueue_dma source(%dma_start3A_385 : memref<16xi32, #tpu.memory_space<hbm>>) target(%arg18 : memref<16xi32, #tpu.memory_space<vmem>>) target_semaphore(%arg21 : memref<!tpu.dma_semaphore, #tpu.memory_space<semaphore_mem>>)
      %dma_start3A_386 = tpu.memref_slice %arg4[%add3A_381] : memref<4000000xi32, #tpu.memory_space<hbm>> -> memref<16xi32, #tpu.memory_space<hbm>>
      %dma_start3A_387 = tpu.memref_slice %arg4[%add3A_381] : memref<4000000xi32, #tpu.memory_space<hbm>> -> memref<16xi32, #tpu.memory_space<hbm>>
      tpu.enqueue_dma source(%dma_start3A_387 : memref<16xi32, #tpu.memory_space<hbm>>) target(%arg19 : memref<16xi32, #tpu.memory_space<vmem>>) target_semaphore(%arg21 : memref<!tpu.dma_semaphore, #tpu.memory_space<semaphore_mem>>)
      %dma_wait3A_388 = tpu.memref_slice %arg2[%add3A_381] : memref<4000000xf32, #tpu.memory_space<hbm>> -> memref<16xf32, #tpu.memory_space<hbm>>
      %dma_wait3A_389 = tpu.memref_slice %arg2[%add3A_381] : memref<4000000xf32, #tpu.memory_space<hbm>> -> memref<16xf32, #tpu.memory_space<hbm>>
      tpu.wait_dma2 semaphore(%arg21 : memref<!tpu.dma_semaphore, #tpu.memory_space<semaphore_mem>>) src(%dma_wait3A_389 : memref<16xf32, #tpu.memory_space<hbm>>) dst(%arg17 : memref<16xf32, #tpu.memory_space<vmem>>)
      %dma_wait3A_390 = tpu.memref_slice %arg3[%add3A_381] : memref<4000000xi32, #tpu.memory_space<hbm>> -> memref<16xi32, #tpu.memory_space<hbm>>
      %dma_wait3A_391 = tpu.memref_slice %arg3[%add3A_381] : memref<4000000xi32, #tpu.memory_space<hbm>> -> memref<16xi32, #tpu.memory_space<hbm>>
      tpu.wait_dma2 semaphore(%arg21 : memref<!tpu.dma_semaphore, #tpu.memory_space<semaphore_mem>>) src(%dma_wait3A_391 : memref<16xi32, #tpu.memory_space<hbm>>) dst(%arg18 : memref<16xi32, #tpu.memory_space<vmem>>)
      %dma_wait3A_392 = tpu.memref_slice %arg4[%add3A_381] : memref<4000000xi32, #tpu.memory_space<hbm>> -> memref<16xi32, #tpu.memory_space<hbm>>
      %dma_wait3A_393 = tpu.memref_slice %arg4[%add3A_381] : memref<4000000xi32, #tpu.memory_space<hbm>> -> memref<16xi32, #tpu.memory_space<hbm>>
      tpu.wait_dma2 semaphore(%arg21 : memref<!tpu.dma_semaphore, #tpu.memory_space<semaphore_mem>>) src(%dma_wait3A_393 : memref<16xi32, #tpu.memory_space<hbm>>) dst(%arg19 : memref<16xi32, #tpu.memory_space<vmem>>)
      %get3A_394 = arith.constant 0 : index
      %get3A_395 = tpu.vector_load %arg17[%get3A_394] {strides = array<i32>} : memref<16xf32, #tpu.memory_space<vmem>>, vector<16xf32>,
      %get3A_396 = arith.constant 0 : index
      %get3A_397 = tpu.vector_load %arg18[%get3A_396] {strides = array<i32>} : memref<16xi32, #tpu.memory_space<vmem>>, vector<16xi32>,
      %get3A_398 = arith.constant 0 : index
      %get3A_399 = tpu.vector_load %arg19[%get3A_398] {strides = array<i32>} : memref<16xi32, #tpu.memory_space<vmem>>, vector<16xi32>,
      %mul3A_400 = arith.constant 1.500000e+01 : f32
      %mul3A_401 = vector.broadcast %mul3A_400 : f32 to vector<16xf32>
      %mul3A_402 = arith.mulf %get3A_395, %mul3A_401 : vector<16xf32>
      %convert_element_type3A_403 = arith.fptosi %mul3A_402 : vector<16xf32> to vector<16xi32>
      %min3A = arith.constant 14 : i32
      %min3A_404 = vector.broadcast %min3A : i32 to vector<16xi32>
      %min3A_405 = arith.minsi %convert_element_type3A_403, %min3A_404 : vector<16xi32>
      %gt3A = arith.constant 0.000000e+00 : f32
      %gt3A_406 = vector.broadcast %gt3A : f32 to vector<16xf32>
      %gt3A_407 = arith.cmpf ogt, %get3A_395, %gt3A_406 : vector<16xf32>
      %add3A_408 = arith.addi %mul3A_12, %min3A_405 : vector<16xi32>
      tpu.vector_store_idx %arg14[%add3A_408], %broadcast_in_dim3A_14 masked %gt3A_407 {add = true} : memref<256xf32, #tpu.memory_space<vmem>>[vector<16xi32>], vector<16xf32>, vector<16xi1>
      tpu.vector_store_idx %arg15[%add3A_408], %get3A_395 masked %gt3A_407 {add = true} : memref<256xf32, #tpu.memory_space<vmem>>[vector<16xi32>], vector<16xf32>, vector<16xi1>
      %eq3A = arith.cmpi eq, %get3A_397, %get3A_399 : vector<16xi32>
      %and3A = arith.andi %gt3A_407, %eq3A : vector<16xi1>
      tpu.vector_store_idx %arg16[%add3A_408], %broadcast_in_dim3A_14 masked %and3A {add = true} : memref<256xf32, #tpu.memory_space<vmem>>[vector<16xi32>], vector<16xf32>, vector<16xi1>
    } else {
    }
    %broadcast_in_dim3A_218 = arith.constant 0.000000e+00 : f32
    %broadcast_in_dim3A_219 = vector.broadcast %broadcast_in_dim3A_218 : f32 to vector<16xf32>
    %broadcast_in_dim3A_220 = arith.constant 0.000000e+00 : f32
    %broadcast_in_dim3A_221 = vector.broadcast %broadcast_in_dim3A_220 : f32 to vector<16xf32>
    %broadcast_in_dim3A_222 = arith.constant 0.000000e+00 : f32
    %broadcast_in_dim3A_223 = vector.broadcast %broadcast_in_dim3A_222 : f32 to vector<16xf32>
    %get3A = arith.constant 0 : index
    %get3A_224 = tpu.vector_load %arg14[%get3A] {strides = array<i32>} : memref<256xf32, #tpu.memory_space<vmem>>, vector<16xf32>,
    %add3A_225 = arith.addf %broadcast_in_dim3A_219, %get3A_224 : vector<16xf32>
    %get3A_226 = arith.constant 0 : index
    %get3A_227 = tpu.vector_load %arg15[%get3A_226] {strides = array<i32>} : memref<256xf32, #tpu.memory_space<vmem>>, vector<16xf32>,
    %add3A_228 = arith.addf %broadcast_in_dim3A_221, %get3A_227 : vector<16xf32>
    %get3A_229 = arith.constant 0 : index
    %get3A_230 = tpu.vector_load %arg16[%get3A_229] {strides = array<i32>} : memref<256xf32, #tpu.memory_space<vmem>>, vector<16xf32>,
    %add3A_231 = arith.addf %broadcast_in_dim3A_223, %get3A_230 : vector<16xf32>
    %get3A_232 = arith.constant 16 : index
    %get3A_233 = tpu.vector_load %arg14[%get3A_232] {strides = array<i32>} : memref<256xf32, #tpu.memory_space<vmem>>, vector<16xf32>,
    %add3A_234 = arith.addf %add3A_225, %get3A_233 : vector<16xf32>
    %get3A_235 = arith.constant 16 : index
    %get3A_236 = tpu.vector_load %arg15[%get3A_235] {strides = array<i32>} : memref<256xf32, #tpu.memory_space<vmem>>, vector<16xf32>,
    %add3A_237 = arith.addf %add3A_228, %get3A_236 : vector<16xf32>
    %get3A_238 = arith.constant 16 : index
    %get3A_239 = tpu.vector_load %arg16[%get3A_238] {strides = array<i32>} : memref<256xf32, #tpu.memory_space<vmem>>, vector<16xf32>,
    %add3A_240 = arith.addf %add3A_231, %get3A_239 : vector<16xf32>
    %get3A_241 = arith.constant 32 : index
    %get3A_242 = tpu.vector_load %arg14[%get3A_241] {strides = array<i32>} : memref<256xf32, #tpu.memory_space<vmem>>, vector<16xf32>,
    %add3A_243 = arith.addf %add3A_234, %get3A_242 : vector<16xf32>
    %get3A_244 = arith.constant 32 : index
    %get3A_245 = tpu.vector_load %arg15[%get3A_244] {strides = array<i32>} : memref<256xf32, #tpu.memory_space<vmem>>, vector<16xf32>,
    %add3A_246 = arith.addf %add3A_237, %get3A_245 : vector<16xf32>
    %get3A_247 = arith.constant 32 : index
    %get3A_248 = tpu.vector_load %arg16[%get3A_247] {strides = array<i32>} : memref<256xf32, #tpu.memory_space<vmem>>, vector<16xf32>,
    %add3A_249 = arith.addf %add3A_240, %get3A_248 : vector<16xf32>
    %get3A_250 = arith.constant 48 : index
    %get3A_251 = tpu.vector_load %arg14[%get3A_250] {strides = array<i32>} : memref<256xf32, #tpu.memory_space<vmem>>, vector<16xf32>,
    %add3A_252 = arith.addf %add3A_243, %get3A_251 : vector<16xf32>
    %get3A_253 = arith.constant 48 : index
    %get3A_254 = tpu.vector_load %arg15[%get3A_253] {strides = array<i32>} : memref<256xf32, #tpu.memory_space<vmem>>, vector<16xf32>,
    %add3A_255 = arith.addf %add3A_246, %get3A_254 : vector<16xf32>
    %get3A_256 = arith.constant 48 : index
    %get3A_257 = tpu.vector_load %arg16[%get3A_256] {strides = array<i32>} : memref<256xf32, #tpu.memory_space<vmem>>, vector<16xf32>,
    %add3A_258 = arith.addf %add3A_249, %get3A_257 : vector<16xf32>
    %get3A_259 = arith.constant 64 : index
    %get3A_260 = tpu.vector_load %arg14[%get3A_259] {strides = array<i32>} : memref<256xf32, #tpu.memory_space<vmem>>, vector<16xf32>,
    %add3A_261 = arith.addf %add3A_252, %get3A_260 : vector<16xf32>
    %get3A_262 = arith.constant 64 : index
    %get3A_263 = tpu.vector_load %arg15[%get3A_262] {strides = array<i32>} : memref<256xf32, #tpu.memory_space<vmem>>, vector<16xf32>,
    %add3A_264 = arith.addf %add3A_255, %get3A_263 : vector<16xf32>
    %get3A_265 = arith.constant 64 : index
    %get3A_266 = tpu.vector_load %arg16[%get3A_265] {strides = array<i32>} : memref<256xf32, #tpu.memory_space<vmem>>, vector<16xf32>,
    %add3A_267 = arith.addf %add3A_258, %get3A_266 : vector<16xf32>
    %get3A_268 = arith.constant 80 : index
    %get3A_269 = tpu.vector_load %arg14[%get3A_268] {strides = array<i32>} : memref<256xf32, #tpu.memory_space<vmem>>, vector<16xf32>,
    %add3A_270 = arith.addf %add3A_261, %get3A_269 : vector<16xf32>
    %get3A_271 = arith.constant 80 : index
    %get3A_272 = tpu.vector_load %arg15[%get3A_271] {strides = array<i32>} : memref<256xf32, #tpu.memory_space<vmem>>, vector<16xf32>,
    %add3A_273 = arith.addf %add3A_264, %get3A_272 : vector<16xf32>
    %get3A_274 = arith.constant 80 : index
    %get3A_275 = tpu.vector_load %arg16[%get3A_274] {strides = array<i32>} : memref<256xf32, #tpu.memory_space<vmem>>, vector<16xf32>,
    %add3A_276 = arith.addf %add3A_267, %get3A_275 : vector<16xf32>
    %get3A_277 = arith.constant 96 : index
    %get3A_278 = tpu.vector_load %arg14[%get3A_277] {strides = array<i32>} : memref<256xf32, #tpu.memory_space<vmem>>, vector<16xf32>,
    %add3A_279 = arith.addf %add3A_270, %get3A_278 : vector<16xf32>
    %get3A_280 = arith.constant 96 : index
    %get3A_281 = tpu.vector_load %arg15[%get3A_280] {strides = array<i32>} : memref<256xf32, #tpu.memory_space<vmem>>, vector<16xf32>,
    %add3A_282 = arith.addf %add3A_273, %get3A_281 : vector<16xf32>
    %get3A_283 = arith.constant 96 : index
    %get3A_284 = tpu.vector_load %arg16[%get3A_283] {strides = array<i32>} : memref<256xf32, #tpu.memory_space<vmem>>, vector<16xf32>,
    %add3A_285 = arith.addf %add3A_276, %get3A_284 : vector<16xf32>
    %get3A_286 = arith.constant 112 : index
    %get3A_287 = tpu.vector_load %arg14[%get3A_286] {strides = array<i32>} : memref<256xf32, #tpu.memory_space<vmem>>, vector<16xf32>,
    %add3A_288 = arith.addf %add3A_279, %get3A_287 : vector<16xf32>
    %get3A_289 = arith.constant 112 : index
    %get3A_290 = tpu.vector_load %arg15[%get3A_289] {strides = array<i32>} : memref<256xf32, #tpu.memory_space<vmem>>, vector<16xf32>,
    %add3A_291 = arith.addf %add3A_282, %get3A_290 : vector<16xf32>
    %get3A_292 = arith.constant 112 : index
    %get3A_293 = tpu.vector_load %arg16[%get3A_292] {strides = array<i32>} : memref<256xf32, #tpu.memory_space<vmem>>, vector<16xf32>,
    %add3A_294 = arith.addf %add3A_285, %get3A_293 : vector<16xf32>
    %get3A_295 = arith.constant 128 : index
    %get3A_296 = tpu.vector_load %arg14[%get3A_295] {strides = array<i32>} : memref<256xf32, #tpu.memory_space<vmem>>, vector<16xf32>,
    %add3A_297 = arith.addf %add3A_288, %get3A_296 : vector<16xf32>
    %get3A_298 = arith.constant 128 : index
    %get3A_299 = tpu.vector_load %arg15[%get3A_298] {strides = array<i32>} : memref<256xf32, #tpu.memory_space<vmem>>, vector<16xf32>,
    %add3A_300 = arith.addf %add3A_291, %get3A_299 : vector<16xf32>
    %get3A_301 = arith.constant 128 : index
    %get3A_302 = tpu.vector_load %arg16[%get3A_301] {strides = array<i32>} : memref<256xf32, #tpu.memory_space<vmem>>, vector<16xf32>,
    %add3A_303 = arith.addf %add3A_294, %get3A_302 : vector<16xf32>
    %get3A_304 = arith.constant 144 : index
    %get3A_305 = tpu.vector_load %arg14[%get3A_304] {strides = array<i32>} : memref<256xf32, #tpu.memory_space<vmem>>, vector<16xf32>,
    %add3A_306 = arith.addf %add3A_297, %get3A_305 : vector<16xf32>
    %get3A_307 = arith.constant 144 : index
    %get3A_308 = tpu.vector_load %arg15[%get3A_307] {strides = array<i32>} : memref<256xf32, #tpu.memory_space<vmem>>, vector<16xf32>,
    %add3A_309 = arith.addf %add3A_300, %get3A_308 : vector<16xf32>
    %get3A_310 = arith.constant 144 : index
    %get3A_311 = tpu.vector_load %arg16[%get3A_310] {strides = array<i32>} : memref<256xf32, #tpu.memory_space<vmem>>, vector<16xf32>,
    %add3A_312 = arith.addf %add3A_303, %get3A_311 : vector<16xf32>
    %get3A_313 = arith.constant 160 : index
    %get3A_314 = tpu.vector_load %arg14[%get3A_313] {strides = array<i32>} : memref<256xf32, #tpu.memory_space<vmem>>, vector<16xf32>,
    %add3A_315 = arith.addf %add3A_306, %get3A_314 : vector<16xf32>
    %get3A_316 = arith.constant 160 : index
    %get3A_317 = tpu.vector_load %arg15[%get3A_316] {strides = array<i32>} : memref<256xf32, #tpu.memory_space<vmem>>, vector<16xf32>,
    %add3A_318 = arith.addf %add3A_309, %get3A_317 : vector<16xf32>
    %get3A_319 = arith.constant 160 : index
    %get3A_320 = tpu.vector_load %arg16[%get3A_319] {strides = array<i32>} : memref<256xf32, #tpu.memory_space<vmem>>, vector<16xf32>,
    %add3A_321 = arith.addf %add3A_312, %get3A_320 : vector<16xf32>
    %get3A_322 = arith.constant 176 : index
    %get3A_323 = tpu.vector_load %arg14[%get3A_322] {strides = array<i32>} : memref<256xf32, #tpu.memory_space<vmem>>, vector<16xf32>,
    %add3A_324 = arith.addf %add3A_315, %get3A_323 : vector<16xf32>
    %get3A_325 = arith.constant 176 : index
    %get3A_326 = tpu.vector_load %arg15[%get3A_325] {strides = array<i32>} : memref<256xf32, #tpu.memory_space<vmem>>, vector<16xf32>,
    %add3A_327 = arith.addf %add3A_318, %get3A_326 : vector<16xf32>
    %get3A_328 = arith.constant 176 : index
    %get3A_329 = tpu.vector_load %arg16[%get3A_328] {strides = array<i32>} : memref<256xf32, #tpu.memory_space<vmem>>, vector<16xf32>,
    %add3A_330 = arith.addf %add3A_321, %get3A_329 : vector<16xf32>
    %get3A_331 = arith.constant 192 : index
    %get3A_332 = tpu.vector_load %arg14[%get3A_331] {strides = array<i32>} : memref<256xf32, #tpu.memory_space<vmem>>, vector<16xf32>,
    %add3A_333 = arith.addf %add3A_324, %get3A_332 : vector<16xf32>
    %get3A_334 = arith.constant 192 : index
    %get3A_335 = tpu.vector_load %arg15[%get3A_334] {strides = array<i32>} : memref<256xf32, #tpu.memory_space<vmem>>, vector<16xf32>,
    %add3A_336 = arith.addf %add3A_327, %get3A_335 : vector<16xf32>
    %get3A_337 = arith.constant 192 : index
    %get3A_338 = tpu.vector_load %arg16[%get3A_337] {strides = array<i32>} : memref<256xf32, #tpu.memory_space<vmem>>, vector<16xf32>,
    %add3A_339 = arith.addf %add3A_330, %get3A_338 : vector<16xf32>
    %get3A_340 = arith.constant 208 : index
    %get3A_341 = tpu.vector_load %arg14[%get3A_340] {strides = array<i32>} : memref<256xf32, #tpu.memory_space<vmem>>, vector<16xf32>,
    %add3A_342 = arith.addf %add3A_333, %get3A_341 : vector<16xf32>
    %get3A_343 = arith.constant 208 : index
    %get3A_344 = tpu.vector_load %arg15[%get3A_343] {strides = array<i32>} : memref<256xf32, #tpu.memory_space<vmem>>, vector<16xf32>,
    %add3A_345 = arith.addf %add3A_336, %get3A_344 : vector<16xf32>
    %get3A_346 = arith.constant 208 : index
    %get3A_347 = tpu.vector_load %arg16[%get3A_346] {strides = array<i32>} : memref<256xf32, #tpu.memory_space<vmem>>, vector<16xf32>,
    %add3A_348 = arith.addf %add3A_339, %get3A_347 : vector<16xf32>
    %get3A_349 = arith.constant 224 : index
    %get3A_350 = tpu.vector_load %arg14[%get3A_349] {strides = array<i32>} : memref<256xf32, #tpu.memory_space<vmem>>, vector<16xf32>,
    %add3A_351 = arith.addf %add3A_342, %get3A_350 : vector<16xf32>
    %get3A_352 = arith.constant 224 : index
    %get3A_353 = tpu.vector_load %arg15[%get3A_352] {strides = array<i32>} : memref<256xf32, #tpu.memory_space<vmem>>, vector<16xf32>,
    %add3A_354 = arith.addf %add3A_345, %get3A_353 : vector<16xf32>
    %get3A_355 = arith.constant 224 : index
    %get3A_356 = tpu.vector_load %arg16[%get3A_355] {strides = array<i32>} : memref<256xf32, #tpu.memory_space<vmem>>, vector<16xf32>,
    %add3A_357 = arith.addf %add3A_348, %get3A_356 : vector<16xf32>
    %get3A_358 = arith.constant 240 : index
    %get3A_359 = tpu.vector_load %arg14[%get3A_358] {strides = array<i32>} : memref<256xf32, #tpu.memory_space<vmem>>, vector<16xf32>,
    %add3A_360 = arith.addf %add3A_351, %get3A_359 : vector<16xf32>
    %get3A_361 = arith.constant 240 : index
    %get3A_362 = tpu.vector_load %arg15[%get3A_361] {strides = array<i32>} : memref<256xf32, #tpu.memory_space<vmem>>, vector<16xf32>,
    %add3A_363 = arith.addf %add3A_354, %get3A_362 : vector<16xf32>
    %get3A_364 = arith.constant 240 : index
    %get3A_365 = tpu.vector_load %arg16[%get3A_364] {strides = array<i32>} : memref<256xf32, #tpu.memory_space<vmem>>, vector<16xf32>,
    %add3A_366 = arith.addf %add3A_357, %get3A_365 : vector<16xf32>
    %swap3A = arith.constant 0 : i32
    %swap3A_367 = arith.index_cast %swap3A : i32 to index
    %swap3A_368 = arith.constant 0 : index
    %swap3A_369 = tpu.vector_load %arg20[%swap3A_367, %swap3A_368] {strides = array<i32>} : memref<3x16xf32, #tpu.memory_space<vmem>>, vector<16xf32>,
    tpu.vector_store %arg20[%swap3A_367, %swap3A_368], %add3A_360 {strides = array<i32>} : memref<3x16xf32, #tpu.memory_space<vmem>>, vector<16xf32>,
    %swap3A_370 = arith.constant 1 : i32
    %swap3A_371 = arith.index_cast %swap3A_370 : i32 to index
    %swap3A_372 = arith.constant 0 : index
    %swap3A_373 = tpu.vector_load %arg20[%swap3A_371, %swap3A_372] {strides = array<i32>} : memref<3x16xf32, #tpu.memory_space<vmem>>, vector<16xf32>,
    tpu.vector_store %arg20[%swap3A_371, %swap3A_372], %add3A_363 {strides = array<i32>} : memref<3x16xf32, #tpu.memory_space<vmem>>, vector<16xf32>,
    %swap3A_374 = arith.constant 2 : i32
    %swap3A_375 = arith.index_cast %swap3A_374 : i32 to index
    %swap3A_376 = arith.constant 0 : index
    %swap3A_377 = tpu.vector_load %arg20[%swap3A_375, %swap3A_376] {strides = array<i32>} : memref<3x16xf32, #tpu.memory_space<vmem>>, vector<16xf32>,
    tpu.vector_store %arg20[%swap3A_375, %swap3A_376], %add3A_366 {strides = array<i32>} : memref<3x16xf32, #tpu.memory_space<vmem>>, vector<16xf32>,
    "tpu.region"() ({
      %run_scoped3A = tpu.sem_alloc : memref<!tpu.dma_semaphore, #tpu.memory_space<semaphore_mem>>
      %dma_start3A_378 = arith.constant 0 : i32
      %dma_start3A_379 = arith.constant 0 : i32
      %dma_start3A_380 = tpu.memref_slice %arg6[%add3A, %dma_start3A_378, %dma_start3A_379] : memref<32x3x16xf32, #tpu.memory_space<hbm>> -> memref<1x3x16xf32, #tpu.memory_space<hbm>>
      %dma_start3A_381 = tpu.memref_squeeze %dma_start3A_380 : memref<1x3x16xf32, #tpu.memory_space<hbm>> -> memref<3x16xf32, #tpu.memory_space<hbm>>
      %dma_start3A_382 = arith.constant 0 : i32
      %dma_start3A_383 = arith.constant 0 : i32
      %dma_start3A_384 = tpu.memref_slice %arg6[%add3A, %dma_start3A_382, %dma_start3A_383] : memref<32x3x16xf32, #tpu.memory_space<hbm>> -> memref<1x3x16xf32, #tpu.memory_space<hbm>>
      %dma_start3A_385 = tpu.memref_squeeze %dma_start3A_384 : memref<1x3x16xf32, #tpu.memory_space<hbm>> -> memref<3x16xf32, #tpu.memory_space<hbm>>
      tpu.enqueue_dma source(%arg20 : memref<3x16xf32, #tpu.memory_space<vmem>>) target(%dma_start3A_385 : memref<3x16xf32, #tpu.memory_space<hbm>>) target_semaphore(%run_scoped3A : memref<!tpu.dma_semaphore, #tpu.memory_space<semaphore_mem>>)
      %dma_wait3A_386 = arith.constant 0 : i32
      %dma_wait3A_387 = arith.constant 0 : i32
      %dma_wait3A_388 = tpu.memref_slice %arg6[%add3A, %dma_wait3A_386, %dma_wait3A_387] : memref<32x3x16xf32, #tpu.memory_space<hbm>> -> memref<1x3x16xf32, #tpu.memory_space<hbm>>
      %dma_wait3A_389 = tpu.memref_squeeze %dma_wait3A_388 : memref<1x3x16xf32, #tpu.memory_space<hbm>> -> memref<3x16xf32, #tpu.memory_space<hbm>>
      %dma_wait3A_390 = arith.constant 0 : i32
      %dma_wait3A_391 = arith.constant 0 : i32
      %dma_wait3A_392 = tpu.memref_slice %arg6[%add3A, %dma_wait3A_390, %dma_wait3A_391] : memref<32x3x16xf32, #tpu.memory_space<hbm>> -> memref<1x3x16xf32, #tpu.memory_space<hbm>>
      %dma_wait3A_393 = tpu.memref_squeeze %dma_wait3A_392 : memref<1x3x16xf32, #tpu.memory_space<hbm>> -> memref<3x16xf32, #tpu.memory_space<hbm>>
      tpu.wait_dma2 semaphore(%run_scoped3A : memref<!tpu.dma_semaphore, #tpu.memory_space<semaphore_mem>>) src(%arg20 : memref<3x16xf32, #tpu.memory_space<vmem>>) dst(%dma_wait3A_393 : memref<3x16xf32, #tpu.memory_space<hbm>>)
      tpu.yield
    }) : () -> ()
    return
  }
}

</mosaic_0001>

<sc_bundles>
// kernel: kernel.3.cloned.1.call-start
scs
__scs_entry_jumppad:
0x0: {  	(pc) =	sbr.rel $0x88, $3  }
0x1: {  	(tag) =	ssettag $0x0;
	lr =	simm.s32 $0x1  }
0x2: {  	[smem:$0x3F9E] =	sst lr;
	_ =	strace $0xD0000000  }
0x3: {  	_ = 	snop  }
0x4: {  	_ = 	snop  }
0x5: {  	_ = 	snop  }
0x6: {  	_ = 	snop  }
0x7: {  	_ = 	snop  }
__scs_overlays_trampoline_lowered:
0x8: {  	[smem:$0x3FAD] =	sst s0  }
0x9: {  	[smem:$0x3FAE] =	sst s1  }
0xa: {  	[smem:$0x3FAF] =	sst s2  }
0xb: {  	[smem:$0x3FB0] =	sst s3  }
0xc: {  	[smem:$0x3FB1] =	sst s4  }
0xd: {  	[smem:$0x3FB2] =	sst s5  }
0xe: {  	[smem:$0x3FB3] =	sst s6  }
0xf: {  	[smem:$0x3FB4] =	sst s7  }
0x10: {  	[smem:$0x3FB5] =	sst s8  }
0x11: {  	[smem:$0x3FB6] =	sst s9;
	s0 =	simm.s32 @!p0 $0x0  }
0x12: {  	s1 =	sld [smem:$0x3F9C];
	s0 =	simm.s32 @p0 $0x1  }
0x13: {  	[smem:$0x3FB7] =	sst s0;
	s0 =	simm.s32 @!p1 $0x0  }
0x14: {  	s2 =	sld [smem:$0x3F9B];
	s0 =	simm.s32 @p1 $0x1  }
0x15: {  	[smem:$0x3FB8] =	sst s0;
	s0 =	simm.s32 @!p2 $0x0  }
0x16: {  	s3 =	sld [smem:$0x3FDB];
	s0 =	simm.s32 @p2 $0x1  }
0x17: {  	s4 =	simm.s32 $0x1BF5;
	[smem:$0x3FBA] =	sst s0  }
0x18: {  	s0 =	sld [smem:$0x3F9D];
	_ =	swait.ge [sflag:s4], $0x0  }
0x19: {  	s7 =	sld [smem:$0x3F9E]  }
0x1a: {  	s8 =	sadd.s32 $0xFFFFE003, lr  }
0x1b: {  	s9 =	sadd.s32 $0xFFFFFEF7, lr;
	s5 =	simm.s32 $0xFFFFFFFF;
	p2 =	slt.u32 s8, $0xFFFFF086  }
0x1c: {  	p1 =	slt.u32 s9, $0xF7A;
	s5 =	simm.s32 @!p2 $0x0  }
0x1d: {  	s5 =	simm.s32 @p1 $0x1;
	p0 =	seq.s32 s7, s2  }
0x1e: {  	s7 =	smul.u32 @!p0 $0xF7A, s2;
	p2 =	seq.s32 @!p0 s5, $0x0  }
0x1f: {  	s9 =	smul.u32 $0xF7A, s1;
	s8 =	simm.s32 @!p0 $0x1BF5;
	p2 =	por !p2, p0  }
0x20: {  	[sflag:s8] =	ssyncset.s32 @!p0 $0xFFFFF086;
	s6 =	sadd.s32 @!p0 s3, s7;
	s7 =	simm.s32 @!p0 $0x108  }
0x21: {  	s3 =	sadd.s32 s3, s9;
	s6 =	sadd.s32 @!p0 $0x88, s6;
	s7 =	simm.s32 @p2 $0x1082  }
0x22: {  	[simem:s7], [sflag:s8] =	dma.local @!p0 [hbm:s6], $0xF7A  }
0x23: {  	s9 =	sor.u32 $0xD0000000, s2;
	s6 =	simm.s32 $0x108;
	_ =	swait.ge @!p0 [sflag:s8], $0x0  }
0x24: {  	s3 =	sadd.s32 $0x88, s3;
	s6 =	simm.s32 @!p1 $0x1082;
	[sflag:s4] =	ssyncset.s32 $0xFFFFF086  }
0x25: {  	[simem:s6], [sflag:s4] =	dma.local [hbm:s3], $0xF7A  }
0x26: {  	[smem:$0x3F9E] =	sst s1;
	(tag) =	ssettag s2;
	_ =	strace s9  }
0x27: {  	s1 =	sld [smem:$0x3FAE]  }
0x28: {  	s2 =	sld [smem:$0x3FAF]  }
0x29: {  	s4 =	sld [smem:$0x3FB1]  }
0x2a: {  	p0 =	seq.s32 s5, $0x0;
	s5 =	sld [smem:$0x3FB2]  }
0x2b: {  	s6 =	sld [smem:$0x3FB3]  }
0x2c: {  	s7 =	sld [smem:$0x3FB4]  }
0x2d: {  	s3 =	simm.s32 $0x108;
	s8 =	sld [smem:$0x3FB5]  }
0x2e: {  	s3 =	simm.s32 @!p0 $0x1082;
	s9 =	sld [smem:$0x3FB6]  }
0x2f: {  	lr =	sadd.s32 s0, s3;
	s0 =	sld [smem:$0x3FAD]  }
0x30: {  	s3 =	sld [smem:$0x3FB0]  }
0x31: {  	[smem:$0x3FB9] =	sst s10  }
0x32: {  	s10 =	sld [smem:$0x3FB7];
	_ =	sdelay $0x3  }
0x33: {  	p0 =	seq.s32 s10, $0x1;
	s10 =	sld [smem:$0x3FB9];
	_ =	sdelay $0x3  }
0x34: {  	[smem:$0x3FB9] =	sst s10  }
0x35: {  	s10 =	sld [smem:$0x3FB8];
	_ =	sdelay $0x3  }
0x36: {  	p1 =	seq.s32 s10, $0x1;
	s10 =	sld [smem:$0x3FB9];
	_ =	sdelay $0x3  }
0x37: {  	[smem:$0x3FB9] =	sst s10  }
0x38: {  	s10 =	sld [smem:$0x3FBA]  }
0x39: {  	_ = 	snop;
	(pc) =	sbr.ind lr, $3  }
0x3a: {  	_ = 	snop  }
0x3b: {  	_ = 	snop  }
0x3c: {  	p2 =	seq.s32 s10, $0x1;
	s10 =	sld [smem:$0x3FB9]  }
0x3d: {  	_ =	shalt  }
0x3e: {  	_ =	shalt  }
0x3f: {  	_ =	shalt  }
0x40: {  	_ =	shalt  }
0x41: {  	_ =	shalt  }
0x42: {  	_ =	shalt  }
0x43: {  	_ =	shalt  }
0x44: {  	_ =	shalt  }
0x45: {  	_ =	shalt  }
0x46: {  	_ =	shalt  }
0x47: {  	_ =	shalt  }
0x48: {  	_ =	shalt  }
0x49: {  	_ =	shalt  }
0x4a: {  	_ =	shalt  }
0x4b: {  	_ =	shalt  }
0x4c: {  	_ =	shalt  }
0x4d: {  	_ =	shalt  }
0x4e: {  	_ =	shalt  }
0x4f: {  	_ =	shalt  }
0x50: {  	_ =	shalt  }
0x51: {  	_ =	shalt  }
0x52: {  	_ =	shalt  }
0x53: {  	_ =	shalt  }
0x54: {  	_ =	shalt  }
0x55: {  	_ =	shalt  }
0x56: {  	_ =	shalt  }
0x57: {  	_ =	shalt  }
0x58: {  	_ =	shalt  }
0x59: {  	_ =	shalt  }
0x5a: {  	_ =	shalt  }
0x5b: {  	_ =	shalt  }
0x5c: {  	_ =	shalt  }
0x5d: {  	_ =	shalt  }
0x5e: {  	_ =	shalt  }
0x5f: {  	_ =	shalt  }
0x60: {  	_ =	shalt  }
0x61: {  	_ =	shalt  }
0x62: {  	_ =	shalt  }
0x63: {  	_ =	shalt  }
0x64: {  	_ =	shalt  }
0x65: {  	_ =	shalt  }
0x66: {  	_ =	shalt  }
0x67: {  	_ =	shalt  }
0x68: {  	_ =	shalt  }
0x69: {  	_ =	shalt  }
0x6a: {  	_ =	shalt  }
0x6b: {  	_ =	shalt  }
0x6c: {  	_ =	shalt  }
0x6d: {  	_ =	shalt  }
0x6e: {  	_ =	shalt  }
0x6f: {  	_ =	shalt  }
0x70: {  	_ =	shalt  }
0x71: {  	_ =	shalt  }
0x72: {  	_ =	shalt  }
0x73: {  	_ =	shalt  }
0x74: {  	_ =	shalt  }
0x75: {  	_ =	shalt  }
0x76: {  	_ =	shalt  }
0x77: {  	_ =	shalt  }
0x78: {  	_ =	shalt  }
0x79: {  	_ =	shalt  }
0x7a: {  	_ =	shalt  }
0x7b: {  	_ =	shalt  }
0x7c: {  	_ =	shalt  }
0x7d: {  	_ =	shalt  }
0x7e: {  	_ =	shalt  }
0x7f: {  	_ =	shalt  }
0x80: {  	_ =	shalt  }
0x81: {  	_ =	shalt  }
0x82: {  	_ =	shalt  }
0x83: {  	_ =	shalt  }
0x84: {  	_ =	shalt  }
0x85: {  	_ =	shalt  }
0x86: {  	_ =	shalt  }
0x87: {  	_ =	shalt  }
.Lfunc_end0:
.L_simem_size_0:
called_computation_lowered:
.L_overlay_start_0:
0x88: {  	s2 =	sld [smem:$0x3FD9]  }
0x89: {  	s3 =	sld [smem:$0x3FFE];
	_ =	sdelay $0x1  }
0x8a: {  	s1 =	srdreg.scid  }
0x8b: {  	s0 =	sand.u32 $0x1, s1  }
0x8c: {  	s17 =	sshll.u32 s0, $0xA;
	s2 =	sadd.s32 s3, s2  }
0x8d: {  	s2 =	sadd.s32 s2, s17  }
0x8e: {  	[smem:$0x3FC5] =	sst s2  }
0x8f: {  	_ = 	snop  }
0x90: {  	s2 =	sld [smem:$0x3FC9]  }
0x91: {  	s18 =	sld [smem:$0x3FC8]  }
0x92: {  	s4 =	sld [smem:$0x3FC7]  }
0x93: {  	s5 =	sld [smem:$0x3FD0];
	(tm) =	ssettm $0x1  }
0x94: {  	s6 =	sld [smem:$0x3FFB];
	_ =	sdelay $0x3  }
0x95: {  	_ =	strace s6  }
0x96: {  	s6 =	sld [smem:$0x3FFC];
	_ =	sdelay $0x3  }
0x97: {  	_ =	strace s6  }
0x98: {  	s6 =	sld [smem:$0x3FFD];
	_ =	sdelay $0x3  }
0x99: {  	_ =	strace s6  }
0x9a: {  	_ =	strace $0x8FFFFFFF  }
0x9b: {  	s19 =	sld [smem:$0x3FDB];
	_ =	sdelay $0x1  }
0x9c: {  	s7 =	simm.s32 $_scs_section_size  }
0x9d: {  	s8 =	simm.s32 $_size__tile_overlayer_lowered;
	s9 =	simm.s32 $_tile_overlayer_lowered  }
0x9e: {  	s22 =	simm.s32 $0x1BFF;
	s21 =	sshll.u32 s9, $0x1;
	s6 =	sadd.s32 s7, s19  }
0x9f: {  	s10 =	simm.s32 $0x0;
	s20 =	sshll.u32 s8, $0x1;
	s8 =	sadd.s32 s21, s6  }
0xa0: {  	[timem:s10], [sflag:s22] =	dma.local [hbm:s8], s20  }
0xa1: {  	_ =	swait.ge [sflag:s22], s20  }
0xa2: {  	s7 =	ssub.s32 $0x0, s20;
	[sflag:s22] =	ssyncset.done $0x0  }
0xa3: {  	[sflag:s22] =	ssyncadd.s32 s7;
	_ =	sdelay $0x1  }
0xa4: {  	s23 =	simm.s32 $0x1B8B  }
0xa5: {  	_ =	swait.ge [sflag:s23], $0x1  }
0xa6: {  	[sflag:s23] =	ssyncset.done $0x0  }
0xa7: {  	s25 =	simm.s32 $0x1B8E;
	s24 =	sld [smem:$0x3FFE];
	[sflag:s23] =	ssyncadd.s32 $0xFFFFFFFF  }
0xa8: {  	s26 =	simm.s32 $execute0_lowered;
	[smem:$0x3FD2] =	sst s25  }
0xa9: {  	s8 =	sshll.u32 s26, $0x1;
	_ =	strace $0x80000046;
	[dreg:$0x1] =	wrdreg $0xFFFFFFFF  }
0xaa: {  	s28 =	simm.s32 $_size_execute0_lowered;
	s6 =	sadd.s32 s6, s8;
	[dreg:$0x0] =	wrdreg $0x0  }
0xab: {  	s8 =	sshll.u32 s28, $0x1;
	[dreg:$0x2] =	wrdreg s6  }
0xac: {  	[dreg:$0x3] =	wrdreg s8  }
0xad: {  	[dreg:$0x4] =	wrdreg $0xC0  }
0xae: {  	_ =	task [dreg:s10], $0x5FFFF  }
0xaf: {  	[dreg:$0x1] =	wrdreg $0xFFFFFFFF  }
0xb0: {  	[dreg:$0x0] =	wrdreg $0x60  }
0xb1: {  	[dreg:$0x2] =	wrdreg s2  }
0xb2: {  	[dreg:$0x3] =	wrdreg s18  }
0xb3: {  	[dreg:$0x4] =	wrdreg s4  }
0xb4: {  	[dreg:$0x5] =	wrdreg s5  }
0xb5: {  	[dreg:$0x6] =	wrdreg s24  }
0xb6: {  	[dreg:$0x7] =	wrdreg $0x9  }
0xb7: {  	_ =	task.clear_ibuf [dreg:s10], $0x8FFFF;
	_ =	strace $0x90000046  }
0xb8: {  	s29 =	simm.s32 $0x9;
	_ =	strace $0x80000048  }
0xb9: {  	_ =	swait.ge [sflag:s29], $0x1  }
0xba: {  	[sflag:s29] =	ssyncadd.s32 $0xFFFFFFFF  }
0xbb: {  	_ =	strace $0x90000048  }
0xbc: {  	_ =	sfence  }
0xbd: {  	s30 =	sld [smem:$0x0];
	_ =	sdelay $0x2  }
0xbe: {  	s31 =	sshll.u32 s1, $0xD;
	s1 =	sshrl.u32 s1, $0x2  }
0xbf: {  	s3 =	sand.u32 $0x4000, s31;
	s1 =	sadd.s32 s1, s30  }
0xc0: {  	s0 =	sor.u32 s3, s0;
	s1 =	sshll.u32 s1, $0x11  }
0xc1: {  	s0 =	sor.u32 s1, s0  }
0xc2: {  	s0 =	sadd.s32 $0x8F2B, s0  }
0xc3: {  	[sflag:s0] =	ssyncadd.remote.s32 $0x1  }
0xc4: {  	_ =	sfence.sel $0xFFFF  }
0xc5: {  	[dreg:$0x0] =	wrdreg $0xFFFFFFFF;
	(pc) =	sbr.abs _section_cstart, $3  }
0xc6: {  	[dreg:$0x1] =	wrdreg $0xFFFFFFFF  }
0xc7: {  	_ =	task.clear_ibuf [dreg:s10], $0x2FFFF;
	_ =	strace $0x9FFFFFFF  }
0xc8: {  	(tm) =	ssettm $0x7FFFFFFF  }
0xc9: {  	_ =	shalt  }
tec
execute0_lowered:
.L_overlay_start_1:
0x0: {  	(tag) =	ssettag $0x1  }
0x1: {  	s0 =	srdreg.scid;
	s15 =	stileid.u32  }
0x2: {  	s0 =	sand.u32 $0x1, s0;
	s1 =	sshll.u32 s15, $0x1  }
0x3: {  	s11 =	sor.u32 s0, s1  }
0x4: {  	s1 =	smul.u32 $0x1E840, s11  }
0x5: {  	s8 =	rddreg [dreg:$0x0]  }
0x6: {  	s9 =	rddreg [dreg:$0x1];
	s5 =	sshrl.u32 s1, $0x3  }
0x7: {  	s10 =	rddreg [dreg:$0x2];
	s1 =	simm.s32 $0x0;
	s3 =	sadd.s32 $0x516, s5  }
0x8: {  	[smem:$0x7FF] =	sst s1;
	s19 =	sadd.s32 s8, s3  }
0x9: {  	s0 =	ssub.s32 $0x2, s0;
	s20 =	sadd.s32 s9, s3;
	[dreg:$0x6] =	wrdreg s19  }
0xa: {  	s22 =	sadd.s32 $0xA2C, s5;
	s21 =	sadd.s32 s10, s3;
	[dreg:$0x7] =	wrdreg s20  }
0xb: {  	s2 =	sshrl.u32 s0, $0x1;
	s23 =	sadd.s32 s8, s22;
	[dreg:$0x8] =	wrdreg s21  }
0xc: {  	s12 =	ssub.s32 s0, s2;
	s24 =	sadd.s32 s9, s22;
	[dreg:$0x9] =	wrdreg s23  }
0xd: {  	s25 =	sadd.s32 $0xF42, s5;
	s0 =	sadd.s32 s10, s22;
	[dreg:$0xa] =	wrdreg s24  }
0xe: {  	s26 =	sadd.s32 s8, s25;
	[dreg:$0xb] =	wrdreg s0  }
0xf: {  	s29 =	sadd.s32 s9, s25;
	[dreg:$0xc] =	wrdreg s26  }
0x10: {  	s28 =	sadd.s32 $0x1458, s5;
	s2 =	sadd.s32 s10, s25;
	[dreg:$0xd] =	wrdreg s29  }
0x11: {  	s4 =	sadd.s32 s8, s28;
	[dreg:$0xe] =	wrdreg s2  }
0x12: {  	s7 =	sadd.s32 $0x196E, s5;
	s6 =	sadd.s32 s9, s28;
	[dreg:$0xf] =	wrdreg s4  }
0x13: {  	s13 =	sadd.s32 s8, s7;
	[dreg:$0x10] =	wrdreg s6  }
0x14: {  	s16 =	sadd.s32 $0x1E84, s5;
	s14 =	sadd.s32 s9, s7;
	[dreg:$0x12] =	wrdreg s13  }
0x15: {  	p0 =	sgt.u32 s15, $0x7;
	s17 =	sadd.s32 s8, s16;
	[dreg:$0x13] =	wrdreg s14  }
0x16: {  	s15 =	simm.s32 $0xA400;
	s12 =	smax.u32 s12, $0x1;
	[dreg:$0x15] =	wrdreg s17  }
0x17: {  	s18 =	sadd.s32 $0x239A, s5;
	s0 =	sadd.s32 s10, s28;
	s14 =	rddreg [dreg:$0x4]  }
0x18: {  	s22 =	sadd.s32 $0x28B0, s5;
	s19 =	sadd.s32 s9, s16;
	[dreg:$0x11] =	wrdreg s0  }
0x19: {  	s25 =	sadd.s32 $0x2DC6, s5;
	s2 =	sadd.s32 s10, s16;
	[dreg:$0x16] =	wrdreg s19  }
0x1a: {  	s3 =	sadd.s32 s9, s5;
	s20 =	sadd.s32 s8, s18;
	[dreg:$0x17] =	wrdreg s2  }
0x1b: {  	s21 =	sadd.s32 s9, s18;
	s23 =	sadd.s32 s8, s22;
	[dreg:$0x18] =	wrdreg s20  }
0x1c: {  	s24 =	sadd.s32 s9, s22;
	s26 =	sadd.s32 s8, s25;
	[dreg:$0x19] =	wrdreg s21  }
0x1d: {  	s28 =	sadd.s32 $0x32DC, s5;
	s29 =	sadd.s32 s9, s25;
	[dreg:$0x1b] =	wrdreg s23  }
0x1e: {  	s4 =	sadd.s32 s10, s5;
	s13 =	sshll.u32 s11, $0x1;
	[dreg:$0x1c] =	wrdreg s24  }
0x1f: {  	s11 =	sshll.u32 s11, $0x6;
	s16 =	simm.s32 $0x2900;
	[dreg:$0x1e] =	wrdreg s26  }
0x20: {  	s17 =	simm.s32 $0x7B00;
	s0 =	sadd.s32 s10, s7;
	[dreg:$0x1f] =	wrdreg s29  }
0x21: {  	s2 =	sadd.s32 s10, s25;
	s30 =	sadd.s32 s8, s28;
	s31 =	sadd.s32 s9, s28  }
0x22: {  	s7 =	sadd.s32 $0x37F2, s5;
	s13 =	sor.u32 $0x7A100, s13;
	s11 =	sadd.s32 s14, s11  }
0x23: {  	s14 =	simm.s32 $0x5200;
	s19 =	simm.s32 $0x1;
	s20 =	simm.s32 $0xF680  }
0x24: {  	s21 =	simm.s32 $0xF780;
	s23 =	simm.s32 $0x2;
	[dreg:$0x14] =	wrdreg s0  }
0x25: {  	s24 =	simm.s32 $0x0;
	s0 =	sadd.s32 s10, s18;
	[smem:$0x7FD] =	sst s2  }
0x26: {  	s2 =	sadd.s32 s8, s5;
	s5 =	sadd.s32 s8, s7;
	s6 =	sadd.s32 s9, s7  }
0x27: {  	s7 =	sadd.s32 s10, s7;
	s8 =	sadd.s32 s8, s13;
	s9 =	sadd.s32 s9, s13  }
0x28: {  	s18 =	simm.s32 $0xCD00;
	[dreg:$0x1a] =	wrdreg s0;
	s0 =	sadd.s32 s10, s22  }
0x29: {  	v1 =	vlaneseq.u32;
	s22 =	simm.s32 $0xF880;
	[dreg:$0x1d] =	wrdreg s0;
	s0 =	sadd.s32 s10, s28  }
0x2a: {  	v0 =	vimm.f32 $0.0e+00;
	v2 =	vimm.f32 $1.000000000e+00;
	v1 =	vmul.u32 $0x10, v1;
	s10 =	sadd.s32 s10, s13;
	s13 =	simm.s32 $0x3;
	_ =	strace $0x80000047  }
.LBB2_1:
0x2b: {  	s25 =	rddreg [dreg:$0x3];
	s26 =	simm.s32 $0xF600  }
0x2c: {  	[tilespmem:s26], [sflag:$0x3] =	stream.linear.gather [hbm4b:s25+s1], $0x80, $0x38;
	[tilespmem:$0xFD00] =	vst v63  }
0x2d: {  	_ =	swait.ge [sflag:s13], $0x80  }
0x2e: {  	[sflag:s13] =	ssyncset.done $0x0  }
0x2f: {  	[sflag:s13] =	ssyncadd.s32 $0xFFFFFF80  }
0x30: {  	[tilespmem:$0xF680] =	vst v0  }
0x31: {  	[tilespmem:$0xF780] =	vst v0  }
0x32: {  	[tilespmem:$0xF880] =	vst v0  }
0x33: {  	[tilespmem:$0xF690] =	vst v0  }
0x34: {  	[tilespmem:$0xF790] =	vst v0  }
0x35: {  	[tilespmem:$0xF890] =	vst v0  }
0x36: {  	[tilespmem:$0xF6A0] =	vst v0  }
0x37: {  	[tilespmem:$0xF7A0] =	vst v0  }
0x38: {  	[tilespmem:$0xF8A0] =	vst v0  }
0x39: {  	[tilespmem:$0xF6B0] =	vst v0  }
0x3a: {  	[tilespmem:$0xF7B0] =	vst v0  }
0x3b: {  	[tilespmem:$0xF8B0] =	vst v0  }
0x3c: {  	[tilespmem:$0xF6C0] =	vst v0  }
0x3d: {  	[tilespmem:$0xF7C0] =	vst v0  }
0x3e: {  	[tilespmem:$0xF8C0] =	vst v0  }
0x3f: {  	[tilespmem:$0xF6D0] =	vst v0  }
0x40: {  	[tilespmem:$0xF7D0] =	vst v0  }
0x41: {  	[tilespmem:$0xF8D0] =	vst v0  }
0x42: {  	[tilespmem:$0xF6E0] =	vst v0  }
0x43: {  	[tilespmem:$0xF7E0] =	vst v0  }
0x44: {  	[tilespmem:$0xF8E0] =	vst v0  }
0x45: {  	[tilespmem:$0xF6F0] =	vst v0  }
0x46: {  	[tilespmem:$0xF7F0] =	vst v0  }
0x47: {  	[tilespmem:$0xF8F0] =	vst v0  }
0x48: {  	[tilespmem:$0xF700] =	vst v0  }
0x49: {  	[tilespmem:$0xF800] =	vst v0  }
0x4a: {  	[tilespmem:$0xF900] =	vst v0  }
0x4b: {  	[tilespmem:$0xF710] =	vst v0  }
0x4c: {  	[tilespmem:$0xF810] =	vst v0  }
0x4d: {  	[tilespmem:$0xF910] =	vst v0  }
0x4e: {  	[tilespmem:$0xF720] =	vst v0  }
0x4f: {  	[tilespmem:$0xF820] =	vst v0  }
0x50: {  	[tilespmem:$0xF920] =	vst v0  }
0x51: {  	[tilespmem:$0xF730] =	vst v0  }
0x52: {  	[tilespmem:$0xF830] =	vst v0  }
0x53: {  	[tilespmem:$0xF930] =	vst v0  }
0x54: {  	[tilespmem:$0xF740] =	vst v0  }
0x55: {  	[tilespmem:$0xF840] =	vst v0  }
0x56: {  	[tilespmem:$0xF940] =	vst v0  }
0x57: {  	[tilespmem:$0xF750] =	vst v0  }
0x58: {  	[tilespmem:$0xF850] =	vst v0  }
0x59: {  	[tilespmem:$0xF950] =	vst v0  }
0x5a: {  	[tilespmem:$0xF760] =	vst v0  }
0x5b: {  	[tilespmem:$0xF860] =	vst v0  }
0x5c: {  	[tilespmem:$0xF960] =	vst v0  }
0x5d: {  	[tilespmem:$0xF770] =	vst v0  }
0x5e: {  	[tilespmem:$0xF870] =	vst v0  }
0x5f: {  	[tilespmem:$0xF970] =	vst v0  }
0x60: {  	[tilespmem:s1], [sflag:$0x1] =	stream.linear.gather [hbm4b:s2+s1], $0x28B0, $0x38;
	[tilespmem:$0xFD00] =	vst v63  }
0x61: {  	_ = 	snop  }
0x62: {  	[tilespmem:s14], [sflag:$0x1] =	stream.linear.gather [hbm4b:s3+s1], $0x28B0, $0x38;
	[tilespmem:$0xFD00] =	vst v63  }
0x63: {  	_ = 	snop  }
0x64: {  	[tilespmem:s15], [sflag:$0x1] =	stream.linear.gather [hbm4b:s4+s1], $0x28B0, $0x38;
	[tilespmem:$0xFD00] =	vst v63  }
0x65: {  	s26 =	rddreg [dreg:$0x6]  }
0x66: {  	[tilespmem:s16], [sflag:$0x2] =	stream.linear.gather [hbm4b:s26+s1], $0x28B0, $0x38;
	[tilespmem:$0xFD00] =	vst v63  }
0x67: {  	s26 =	rddreg [dreg:$0x7]  }
0x68: {  	[tilespmem:s17], [sflag:$0x2] =	stream.linear.gather [hbm4b:s26+s1], $0x28B0, $0x38;
	[tilespmem:$0xFD00] =	vst v63  }
0x69: {  	s26 =	rddreg [dreg:$0x8]  }
0x6a: {  	[tilespmem:s18], [sflag:$0x2] =	stream.linear.gather [hbm4b:s26+s1], $0x28B0, $0x38;
	[tilespmem:$0xFD00] =	vst v63  }
0x6b: {  	_ =	swait.ge [sflag:s19], $0x28B0  }
0x6c: {  	[sflag:s19] =	ssyncset.done $0x0  }
0x6d: {  	[sflag:s19] =	ssyncadd.s32 $0xFFFFD750  }
0x6e: {  	_ =	swait.ge [sflag:s19], $0x28B0  }
0x6f: {  	[sflag:s19] =	ssyncset.done $0x0  }
0x70: {  	[sflag:s19] =	ssyncadd.s32 $0xFFFFD750  }
0x71: {  	_ =	swait.ge [sflag:s19], $0x28B0  }
0x72: {  	[sflag:s19] =	ssyncset.done $0x0  }
0x73: {  	s28 =	simm.s32 $0x30;
	[sflag:s19] =	ssyncadd.s32 $0xFFFFD750  }
0x74: {  	v4 =	vld [tilespmem:s28+$0x30]  }
0x75: {  	v5 =	vld [tilespmem:s28+$0xFFFFFFE0]  }
0x76: {  	v6 =	vld [tilespmem:s28+$0xFFFFFFF0]  }
0x77: {  	v7 =	vld [tilespmem:s28+$0x0]  }
0x78: {  	s25 =	simm.s32 $0x5230;
	v8 =	vld [tilespmem:s28+$0x10]  }
0x79: {  	s26 =	simm.s32 $0xA430;
	v9 =	vld [tilespmem:s25+$0x30];
	v3 =	vmul.f32 $1.500000000e+01, v4  }
0x7a: {  	v10 =	vld [tilespmem:s26+$0x30]  }
0x7b: {  	v12 =	vld [tilespmem:s28+$0xFFFFFFD0];
	v11 =	vtrunc.f32 v3  }
0x7c: {  	v13 =	vld [tilespmem:s25+$0xFFFFFFD0];
	v11 =	vcvt.f32.s32 v11  }
0x7d: {  	v14 =	vld [tilespmem:s26+$0xFFFFFFD0]  }
0x7e: {  	v15 =	vld [tilespmem:s25+$0xFFFFFFE0];
	vm0 =	vlt.s32 v11, $0xE  }
0x7f: {  	v16 =	vld [tilespmem:s26+$0xFFFFFFE0];
	vm1 =	vgt.f32 v4, $0.0e+00;
	v11 =	vnsel vm0, $0xE, v11  }
0x80: {  	v52 =	vld [tilespmem:s25+$0xFFFFFFF0];
	v51 =	vmul.f32 $1.500000000e+01, v12;
	v11 =	vadd.s32 v1, v11  }
0x81: {  	v18 =	vld [tilespmem:s26+$0xFFFFFFF0];
	vm0 =	veq.s32 v9, v10  }
0x82: {  	v19 =	vld [tilespmem:s25+$0x0];
	v17 =	vmul.f32 $1.500000000e+01, v5;
	v9 =	vtrunc.f32 v51;
	vm2 =	vmand vm1, vm0  }
0x83: {  	v20 =	vld [tilespmem:s26+$0x0];
	v9 =	vcvt.f32.s32 v9  }
0x84: {  	v56 =	vld [tilespmem:s25+$0x10];
	v17 =	vtrunc.f32 v17  }
0x85: {  	v21 =	vmul.f32 $1.500000000e+01, v6;
	v17 =	vcvt.f32.s32 v17;
	vm3 =	vlt.s32 v9, $0xE;
	[tilespmem:v11+s20+$0x0] =	vst.idx.add.f32.msk vm1, v2  }
0x86: {  	vm4 =	vgt.f32 v12, $0.0e+00;
	v53 =	vmul.f32 $1.500000000e+01, v7;
	[tilespmem:v11+s21+$0x0] =	vst.idx.add.f32.msk vm1, v4;
	v4 =	vnsel vm3, $0xE, v9  }
0x87: {  	v57 =	vld [tilespmem:s26+$0x10];
	v54 =	vtrunc.f32 v21;
	vm1 =	vlt.s32 v17, $0xE;
	v4 =	vadd.s32 v1, v4  }
0x88: {  	vm0 =	vgt.f32 v5, $0.0e+00;
	[tilespmem:v11+s22+$0x0] =	vst.idx.add.f32.msk vm2, v2;
	vm2 =	veq.s32 v13, v14;
	v55 =	vnsel vm1, $0xE, v17  }
0x89: {  	v58 =	vld [tilespmem:s25+$0x20];
	v11 =	vcvt.f32.s32 v54;
	v13 =	vadd.s32 v1, v55;
	vm2 =	vmand vm4, vm2  }
0x8a: {  	v59 =	vld [tilespmem:s26+$0x20];
	v60 =	vmul.f32 $1.500000000e+01, v8;
	vm3 =	veq.s32 v15, v16  }
0x8b: {  	v3 =	vld [tilespmem:s28+$0x20];
	v9 =	vtrunc.f32 v53;
	vm3 =	vmand vm0, vm3;
	vm5 =	vlt.s32 v11, $0xE  }
0x8c: {  	vm1 =	vgt.f32 v6, $0.0e+00;
	v9 =	vcvt.f32.s32 v9;
	v11 =	vnsel vm5, $0xE, v11;
	[tilespmem:v4+s20+$0x0] =	vst.idx.add.f32.msk vm4, v2  }
0x8d: {  	vm13 =	veq.s32 v52, v18;
	v61 =	vadd.s32 v1, v11;
	[tilespmem:v4+s21+$0x0] =	vst.idx.add.f32.msk vm4, v12  }
0x8e: {  	v62 =	vtrunc.f32 v60;
	vm14 =	vlt.s32 v9, $0xE;
	vm5 =	vmand vm1, vm13;
	[tilespmem:v13+s20+$0x0] =	vst.idx.add.f32.msk vm0, v2  }
0x8f: {  	vm6 =	vgt.f32 v7, $0.0e+00;
	v9 =	vnsel vm14, $0xE, v9;
	v11 =	vcvt.f32.s32 v62;
	[tilespmem:v4+s22+$0x0] =	vst.idx.add.f32.msk vm2, v2  }
0x90: {  	vm2 =	veq.s32 v19, v20;
	v4 =	vadd.s32 v1, v9;
	[tilespmem:v13+s21+$0x0] =	vst.idx.add.f32.msk vm0, v5  }
0x91: {  	vm0 =	vlt.s32 v11, $0xE;
	vm2 =	vmand vm6, vm2;
	[tilespmem:v13+s22+$0x0] =	vst.idx.add.f32.msk vm3, v2  }
0x92: {  	vm3 =	vgt.f32 v8, $0.0e+00;
	v5 =	vnsel vm0, $0xE, v11;
	[tilespmem:v61+s20+$0x0] =	vst.idx.add.f32.msk vm1, v2  }
0x93: {  	v63 =	vmul.f32 $1.500000000e+01, v3;
	vm0 =	veq.s32 v56, v57;
	v5 =	vadd.s32 v1, v5;
	[tilespmem:v61+s21+$0x0] =	vst.idx.add.f32.msk vm1, v6  }
0x94: {  	vm15 =	vmand vm3, vm0;
	[tilespmem:v61+s22+$0x0] =	vst.idx.add.f32.msk vm5, v2  }
0x95: {  	v6 =	vtrunc.f32 v63;
	[tilespmem:v4+s20+$0x0] =	vst.idx.add.f32.msk vm6, v2  }
0x96: {  	v6 =	vcvt.f32.s32 v6;
	[tilespmem:v4+s21+$0x0] =	vst.idx.add.f32.msk vm6, v7  }
0x97: {  	[tilespmem:v4+s22+$0x0] =	vst.idx.add.f32.msk vm2, v2  }
0x98: {  	vm1 =	vgt.f32 v3, $0.0e+00;
	vm0 =	vlt.s32 v6, $0xE;
	[tilespmem:v5+s20+$0x0] =	vst.idx.add.f32.msk vm3, v2  }
0x99: {  	v4 =	vnsel vm0, $0xE, v6;
	vm0 =	vmmov vm1;
	vm1 =	veq.s32 v58, v59;
	[tilespmem:v5+s21+$0x0] =	vst.idx.add.f32.msk vm3, v8  }
0x9a: {  	s29 =	simm.s32 $0xA0;
	s28 =	simm.s32 $0x0;
	v4 =	vadd.s32 v1, v4;
	vm1 =	vmand vm0, vm1;
	[tilespmem:v5+s22+$0x0] =	vst.idx.add.f32.msk vm15, v2  }
.LBB2_2:
0x9b: {  	v9 =	vld [tilespmem:s29+$0x30]  }
0x9c: {  	v8 =	vld [tilespmem:s29+$0xFFFFFFE0]  }
0x9d: {  	s28 =	sadd.s32 $0x7, s28;
	v7 =	vld [tilespmem:s29+$0xFFFFFFF0]  }
0x9e: {  	p1 =	slt.u32 s28, $0x284;
	v6 =	vld [tilespmem:s29+$0x0]  }
0x9f: {  	v5 =	vld [tilespmem:s29+$0x10]  }
0xa0: {  	s25 =	sadd.s32 $0x70, s25;
	v10 =	vld [tilespmem:s29+$0x20];
	v11 =	vmul.f32 $1.500000000e+01, v9  }
0xa1: {  	s26 =	sadd.s32 $0x70, s26;
	v12 =	vmul.f32 $1.500000000e+01, v8;
	vm5 =	vgt.f32 v8, $0.0e+00;
	v13 =	vld [tilespmem:s25+$0x30]  }
0xa2: {  	v14 =	vmul.f32 $1.500000000e+01, v7;
	vm2 =	vgt.f32 v7, $0.0e+00;
	v15 =	vld [tilespmem:s26+$0x30];
	v11 =	vtrunc.f32 v11  }
0xa3: {  	v16 =	vld [tilespmem:s29+$0xFFFFFFD0];
	v17 =	vmul.f32 $1.500000000e+01, v6;
	vm3 =	vgt.f32 v6, $0.0e+00;
	v11 =	vcvt.f32.s32 v11  }
0xa4: {  	v12 =	vtrunc.f32 v12;
	v18 =	vld [tilespmem:s25+$0xFFFFFFD0];
	v19 =	vmul.f32 $1.500000000e+01, v5;
	vm4 =	vgt.f32 v5, $0.0e+00  }
0xa5: {  	v14 =	vtrunc.f32 v14;
	v20 =	vld [tilespmem:s26+$0xFFFFFFD0];
	v21 =	vmul.f32 $1.500000000e+01, v10;
	vm6 =	vlt.s32 v11, $0xE  }
0xa6: {  	vm8 =	vgt.f32 v9, $0.0e+00;
	v17 =	vtrunc.f32 v17;
	v22 =	vld [tilespmem:s25+$0xFFFFFFE0];
	v11 =	vnsel vm6, $0xE, v11  }
0xa7: {  	v19 =	vtrunc.f32 v19;
	v23 =	vld [tilespmem:s26+$0xFFFFFFE0];
	v11 =	vadd.s32 v1, v11;
	vm6 =	veq.s32 v13, v15  }
0xa8: {  	v21 =	vtrunc.f32 v21;
	v13 =	vmul.f32 $1.500000000e+01, v16;
	v15 =	vld [tilespmem:s25+$0xFFFFFFF0];
	vm9 =	vmand vm8, vm6  }
0xa9: {  	v12 =	vcvt.f32.s32 v12;
	v14 =	vcvt.f32.s32 v14;
	vm6 =	vgt.f32 v16, $0.0e+00;
	v24 =	vld [tilespmem:s26+$0xFFFFFFF0]  }
0xaa: {  	v17 =	vcvt.f32.s32 v17;
	v13 =	vtrunc.f32 v13;
	vm7 =	veq.s32 v18, v20;
	v18 =	vld [tilespmem:s25+$0x0]  }
0xab: {  	vm10 =	vlt.s32 v12, $0xE;
	v19 =	vcvt.f32.s32 v19;
	v13 =	vcvt.f32.s32 v13;
	v20 =	vld [tilespmem:s26+$0x0]  }
0xac: {  	vm11 =	vlt.s32 v14, $0xE;
	vm12 =	vlt.s32 v17, $0xE;
	v21 =	vcvt.f32.s32 v21;
	[tilespmem:v11+s20+$0x0] =	vst.idx.add.f32.msk vm8, v2  }
0xad: {  	v12 =	vnsel vm10, $0xE, v12;
	vm10 =	vlt.s32 v19, $0xE;
	vm13 =	vlt.s32 v13, $0xE;
	[tilespmem:v11+s21+$0x0] =	vst.idx.add.f32.msk vm8, v9  }
0xae: {  	vm8 =	vlt.s32 v21, $0xE;
	v9 =	vnsel vm13, $0xE, v13;
	v13 =	vnsel vm11, $0xE, v14;
	[tilespmem:v11+s22+$0x0] =	vst.idx.add.f32.msk vm9, v2  }
0xaf: {  	v11 =	vnsel vm12, $0xE, v17;
	v17 =	vnsel vm10, $0xE, v19;
	v19 =	vnsel vm8, $0xE, v21;
	v14 =	vld [tilespmem:s25+$0x10]  }
0xb0: {  	vm8 =	veq.s32 v22, v23;
	vm9 =	veq.s32 v15, v24;
	vm10 =	veq.s32 v18, v20;
	v15 =	vld [tilespmem:s26+$0x10]  }
0xb1: {  	v12 =	vadd.s32 v1, v12;
	vm11 =	vgt.f32 v10, $0.0e+00;
	v9 =	vadd.s32 v1, v9;
	v18 =	vld [tilespmem:s25+$0x20]  }
0xb2: {  	v13 =	vadd.s32 v1, v13;
	v11 =	vadd.s32 v1, v11;
	v17 =	vadd.s32 v1, v17;
	v20 =	vld [tilespmem:s26+$0x20]  }
0xb3: {  	vm12 =	vmand vm6, vm7;
	vm8 =	vmand vm5, vm8;
	v19 =	vadd.s32 v1, v19;
	[tilespmem:v4+s20+$0x0] =	vst.idx.add.f32.msk vm0, v2  }
0xb4: {  	vm9 =	vmand vm2, vm9;
	vm7 =	vmand vm3, vm10;
	[tilespmem:v4+s21+$0x0] =	vst.idx.add.f32.msk vm0, v3;
	v3 =	vmovc v10;
	vm0 =	vmmov vm11  }
0xb5: {  	vm10 =	veq.s32 v14, v15;
	[tilespmem:v4+s22+$0x0] =	vst.idx.add.f32.msk vm1, v2;
	v4 =	vmov v19  }
0xb6: {  	[tilespmem:v9+s20+$0x0] =	vst.idx.add.f32.msk vm6, v2;
	vm10 =	vmand vm4, vm10  }
0xb7: {  	[tilespmem:v9+s21+$0x0] =	vst.idx.add.f32.msk vm6, v16;
	vm1 =	veq.s32 v18, v20  }
0xb8: {  	[tilespmem:v12+s20+$0x0] =	vst.idx.add.f32.msk vm5, v2;
	vm1 =	vmand vm0, vm1  }
0xb9: {  	[tilespmem:v9+s22+$0x0] =	vst.idx.add.f32.msk vm12, v2  }
0xba: {  	[tilespmem:v12+s21+$0x0] =	vst.idx.add.f32.msk vm5, v8  }
0xbb: {  	[tilespmem:v12+s22+$0x0] =	vst.idx.add.f32.msk vm8, v2  }
0xbc: {  	[tilespmem:v13+s20+$0x0] =	vst.idx.add.f32.msk vm2, v2  }
0xbd: {  	[tilespmem:v13+s21+$0x0] =	vst.idx.add.f32.msk vm2, v7  }
0xbe: {  	[tilespmem:v13+s22+$0x0] =	vst.idx.add.f32.msk vm9, v2  }
0xbf: {  	[tilespmem:v11+s20+$0x0] =	vst.idx.add.f32.msk vm3, v2  }
.Ltmp0:
0xc0: {  	[tilespmem:v11+s21+$0x0] =	vst.idx.add.f32.msk vm3, v6;
	(pc) =	sbr.rel @p1 .LBB2_2-.Ltmp0, $4  }
0xc1: {  	[tilespmem:v11+s22+$0x0] =	vst.idx.add.f32.msk vm7, v2  }
0xc2: {  	[tilespmem:v17+s20+$0x0] =	vst.idx.add.f32.msk vm4, v2  }
0xc3: {  	[tilespmem:v17+s21+$0x0] =	vst.idx.add.f32.msk vm4, v5  }
0xc4: {  	s29 =	sadd.s32 $0x70, s29;
	[tilespmem:v17+s22+$0x0] =	vst.idx.add.f32.msk vm10, v2  }
0xc5: {  	_ =	sdelay $0x4  }
0xc6: {  	[tilespmem:v4+s20+$0x0] =	vst.idx.add.f32.msk vm0, v2  }
0xc7: {  	[tilespmem:v4+s21+$0x0] =	vst.idx.add.f32.msk vm0, v3  }
0xc8: {  	[tilespmem:v4+s22+$0x0] =	vst.idx.add.f32.msk vm1, v2  }
0xc9: {  	s25 =	rddreg [dreg:$0x9]  }
0xca: {  	[tilespmem:s1], [sflag:$0x1] =	stream.linear.gather [hbm4b:s25+s1], $0x28B0, $0x38;
	[tilespmem:$0xFD00] =	vst v63  }
0xcb: {  	s26 =	rddreg [dreg:$0xa]  }
0xcc: {  	[tilespmem:s14], [sflag:$0x1] =	stream.linear.gather [hbm4b:s26+s1], $0x28B0, $0x38;
	[tilespmem:$0xFD00] =	vst v63  }
0xcd: {  	s26 =	rddreg [dreg:$0xb]  }
0xce: {  	[tilespmem:s15], [sflag:$0x1] =	stream.linear.gather [hbm4b:s26+s1], $0x28B0, $0x38;
	[tilespmem:$0xFD00] =	vst v63  }
0xcf: {  	_ =	swait.ge [sflag:s23], $0x28B0  }
0xd0: {  	[sflag:s23] =	ssyncset.done $0x0  }
0xd1: {  	[sflag:s23] =	ssyncadd.s32 $0xFFFFD750  }
0xd2: {  	_ =	swait.ge [sflag:s23], $0x28B0  }
0xd3: {  	[sflag:s23] =	ssyncset.done $0x0  }
0xd4: {  	[sflag:s23] =	ssyncadd.s32 $0xFFFFD750  }
0xd5: {  	_ =	swait.ge [sflag:s23], $0x28B0  }
0xd6: {  	[sflag:s23] =	ssyncset.done $0x0  }
0xd7: {  	s28 =	simm.s32 $0x2930;
	[sflag:s23] =	ssyncadd.s32 $0xFFFFD750  }
0xd8: {  	v4 =	vld [tilespmem:s28+$0x30]  }
0xd9: {  	v5 =	vld [tilespmem:s28+$0xFFFFFFE0]  }
0xda: {  	v6 =	vld [tilespmem:s28+$0xFFFFFFF0]  }
0xdb: {  	v7 =	vld [tilespmem:s28+$0x0]  }
0xdc: {  	s25 =	simm.s32 $0x7B30;
	v8 =	vld [tilespmem:s28+$0x10]  }
0xdd: {  	s26 =	simm.s32 $0xCD30;
	v9 =	vld [tilespmem:s25+$0x30];
	v3 =	vmul.f32 $1.500000000e+01, v4  }
0xde: {  	v10 =	vld [tilespmem:s26+$0x30]  }
0xdf: {  	v12 =	vld [tilespmem:s28+$0xFFFFFFD0];
	v11 =	vtrunc.f32 v3  }
0xe0: {  	v13 =	vld [tilespmem:s25+$0xFFFFFFD0];
	v11 =	vcvt.f32.s32 v11  }
0xe1: {  	v14 =	vld [tilespmem:s26+$0xFFFFFFD0]  }
0xe2: {  	v15 =	vld [tilespmem:s25+$0xFFFFFFE0];
	vm0 =	vlt.s32 v11, $0xE  }
0xe3: {  	v16 =	vld [tilespmem:s26+$0xFFFFFFE0];
	vm1 =	vgt.f32 v4, $0.0e+00;
	v11 =	vnsel vm0, $0xE, v11  }
0xe4: {  	v52 =	vld [tilespmem:s25+$0xFFFFFFF0];
	v51 =	vmul.f32 $1.500000000e+01, v12;
	v11 =	vadd.s32 v1, v11  }
0xe5: {  	v18 =	vld [tilespmem:s26+$0xFFFFFFF0];
	vm0 =	veq.s32 v9, v10  }
0xe6: {  	v19 =	vld [tilespmem:s25+$0x0];
	v17 =	vmul.f32 $1.500000000e+01, v5;
	v9 =	vtrunc.f32 v51;
	vm2 =	vmand vm1, vm0  }
0xe7: {  	v20 =	vld [tilespmem:s26+$0x0];
	v9 =	vcvt.f32.s32 v9  }
0xe8: {  	v56 =	vld [tilespmem:s25+$0x10];
	v17 =	vtrunc.f32 v17  }
0xe9: {  	v21 =	vmul.f32 $1.500000000e+01, v6;
	v17 =	vcvt.f32.s32 v17;
	vm3 =	vlt.s32 v9, $0xE;
	[tilespmem:v11+s20+$0x0] =	vst.idx.add.f32.msk vm1, v2  }
0xea: {  	vm4 =	vgt.f32 v12, $0.0e+00;
	v53 =	vmul.f32 $1.500000000e+01, v7;
	[tilespmem:v11+s21+$0x0] =	vst.idx.add.f32.msk vm1, v4;
	v4 =	vnsel vm3, $0xE, v9  }
0xeb: {  	v57 =	vld [tilespmem:s26+$0x10];
	v54 =	vtrunc.f32 v21;
	vm1 =	vlt.s32 v17, $0xE;
	v4 =	vadd.s32 v1, v4  }
0xec: {  	vm0 =	vgt.f32 v5, $0.0e+00;
	[tilespmem:v11+s22+$0x0] =	vst.idx.add.f32.msk vm2, v2;
	vm2 =	veq.s32 v13, v14;
	v55 =	vnsel vm1, $0xE, v17  }
0xed: {  	v58 =	vld [tilespmem:s25+$0x20];
	v11 =	vcvt.f32.s32 v54;
	v13 =	vadd.s32 v1, v55;
	vm2 =	vmand vm4, vm2  }
0xee: {  	v59 =	vld [tilespmem:s26+$0x20];
	v60 =	vmul.f32 $1.500000000e+01, v8;
	vm3 =	veq.s32 v15, v16  }
0xef: {  	v3 =	vld [tilespmem:s28+$0x20];
	v9 =	vtrunc.f32 v53;
	vm3 =	vmand vm0, vm3;
	vm5 =	vlt.s32 v11, $0xE  }
0xf0: {  	vm1 =	vgt.f32 v6, $0.0e+00;
	v9 =	vcvt.f32.s32 v9;
	v11 =	vnsel vm5, $0xE, v11;
	[tilespmem:v4+s20+$0x0] =	vst.idx.add.f32.msk vm4, v2  }
0xf1: {  	vm13 =	veq.s32 v52, v18;
	v61 =	vadd.s32 v1, v11;
	[tilespmem:v4+s21+$0x0] =	vst.idx.add.f32.msk vm4, v12  }
0xf2: {  	v62 =	vtrunc.f32 v60;
	vm14 =	vlt.s32 v9, $0xE;
	vm5 =	vmand vm1, vm13;
	[tilespmem:v13+s20+$0x0] =	vst.idx.add.f32.msk vm0, v2  }
0xf3: {  	vm6 =	vgt.f32 v7, $0.0e+00;
	v9 =	vnsel vm14, $0xE, v9;
	v11 =	vcvt.f32.s32 v62;
	[tilespmem:v4+s22+$0x0] =	vst.idx.add.f32.msk vm2, v2  }
0xf4: {  	vm2 =	veq.s32 v19, v20;
	v4 =	vadd.s32 v1, v9;
	[tilespmem:v13+s21+$0x0] =	vst.idx.add.f32.msk vm0, v5  }
0xf5: {  	vm0 =	vlt.s32 v11, $0xE;
	vm2 =	vmand vm6, vm2;
	[tilespmem:v13+s22+$0x0] =	vst.idx.add.f32.msk vm3, v2  }
0xf6: {  	vm3 =	vgt.f32 v8, $0.0e+00;
	v5 =	vnsel vm0, $0xE, v11;
	[tilespmem:v61+s20+$0x0] =	vst.idx.add.f32.msk vm1, v2  }
0xf7: {  	v63 =	vmul.f32 $1.500000000e+01, v3;
	vm0 =	veq.s32 v56, v57;
	v5 =	vadd.s32 v1, v5;
	[tilespmem:v61+s21+$0x0] =	vst.idx.add.f32.msk vm1, v6  }
0xf8: {  	vm15 =	vmand vm3, vm0;
	[tilespmem:v61+s22+$0x0] =	vst.idx.add.f32.msk vm5, v2  }
0xf9: {  	v6 =	vtrunc.f32 v63;
	[tilespmem:v4+s20+$0x0] =	vst.idx.add.f32.msk vm6, v2  }
0xfa: {  	v6 =	vcvt.f32.s32 v6;
	[tilespmem:v4+s21+$0x0] =	vst.idx.add.f32.msk vm6, v7  }
0xfb: {  	[tilespmem:v4+s22+$0x0] =	vst.idx.add.f32.msk vm2, v2  }
0xfc: {  	vm1 =	vgt.f32 v3, $0.0e+00;
	vm0 =	vlt.s32 v6, $0xE;
	[tilespmem:v5+s20+$0x0] =	vst.idx.add.f32.msk vm3, v2  }
0xfd: {  	v4 =	vnsel vm0, $0xE, v6;
	vm0 =	vmmov vm1;
	vm1 =	veq.s32 v58, v59;
	[tilespmem:v5+s21+$0x0] =	vst.idx.add.f32.msk vm3, v8  }
0xfe: {  	s29 =	simm.s32 $0x29A0;
	s28 =	simm.s32 $0x0;
	v4 =	vadd.s32 v1, v4;
	vm1 =	vmand vm0, vm1;
	[tilespmem:v5+s22+$0x0] =	vst.idx.add.f32.msk vm15, v2  }
.LBB2_4:
0xff: {  	v9 =	vld [tilespmem:s29+$0x30]  }
0x100: {  	v8 =	vld [tilespmem:s29+$0xFFFFFFE0]  }
0x101: {  	s28 =	sadd.s32 $0x7, s28;
	v7 =	vld [tilespmem:s29+$0xFFFFFFF0]  }
0x102: {  	p1 =	slt.u32 s28, $0x284;
	v6 =	vld [tilespmem:s29+$0x0]  }
0x103: {  	v5 =	vld [tilespmem:s29+$0x10]  }
0x104: {  	s25 =	sadd.s32 $0x70, s25;
	v10 =	vld [tilespmem:s29+$0x20];
	v11 =	vmul.f32 $1.500000000e+01, v9  }
0x105: {  	s26 =	sadd.s32 $0x70, s26;
	v12 =	vmul.f32 $1.500000000e+01, v8;
	vm5 =	vgt.f32 v8, $0.0e+00;
	v13 =	vld [tilespmem:s25+$0x30]  }
0x106: {  	v14 =	vmul.f32 $1.500000000e+01, v7;
	vm2 =	vgt.f32 v7, $0.0e+00;
	v15 =	vld [tilespmem:s26+$0x30];
	v11 =	vtrunc.f32 v11  }
0x107: {  	v16 =	vld [tilespmem:s29+$0xFFFFFFD0];
	v17 =	vmul.f32 $1.500000000e+01, v6;
	vm3 =	vgt.f32 v6, $0.0e+00;
	v11 =	vcvt.f32.s32 v11  }
0x108: {  	v12 =	vtrunc.f32 v12;
	v18 =	vld [tilespmem:s25+$0xFFFFFFD0];
	v19 =	vmul.f32 $1.500000000e+01, v5;
	vm4 =	vgt.f32 v5, $0.0e+00  }
0x109: {  	v14 =	vtrunc.f32 v14;
	v20 =	vld [tilespmem:s26+$0xFFFFFFD0];
	v21 =	vmul.f32 $1.500000000e+01, v10;
	vm6 =	vlt.s32 v11, $0xE  }
0x10a: {  	vm8 =	vgt.f32 v9, $0.0e+00;
	v17 =	vtrunc.f32 v17;
	v22 =	vld [tilespmem:s25+$0xFFFFFFE0];
	v11 =	vnsel vm6, $0xE, v11  }
0x10b: {  	v19 =	vtrunc.f32 v19;
	v23 =	vld [tilespmem:s26+$0xFFFFFFE0];
	v11 =	vadd.s32 v1, v11;
	vm6 =	veq.s32 v13, v15  }
0x10c: {  	v21 =	vtrunc.f32 v21;
	v13 =	vmul.f32 $1.500000000e+01, v16;
	v15 =	vld [tilespmem:s25+$0xFFFFFFF0];
	vm9 =	vmand vm8, vm6  }
0x10d: {  	v12 =	vcvt.f32.s32 v12;
	v14 =	vcvt.f32.s32 v14;
	vm6 =	vgt.f32 v16, $0.0e+00;
	v24 =	vld [tilespmem:s26+$0xFFFFFFF0]  }
0x10e: {  	v17 =	vcvt.f32.s32 v17;
	v13 =	vtrunc.f32 v13;
	vm7 =	veq.s32 v18, v20;
	v18 =	vld [tilespmem:s25+$0x0]  }
0x10f: {  	vm10 =	vlt.s32 v12, $0xE;
	v19 =	vcvt.f32.s32 v19;
	v13 =	vcvt.f32.s32 v13;
	v20 =	vld [tilespmem:s26+$0x0]  }
0x110: {  	vm11 =	vlt.s32 v14, $0xE;
	vm12 =	vlt.s32 v17, $0xE;
	v21 =	vcvt.f32.s32 v21;
	[tilespmem:v11+s20+$0x0] =	vst.idx.add.f32.msk vm8, v2  }
0x111: {  	v12 =	vnsel vm10, $0xE, v12;
	vm10 =	vlt.s32 v19, $0xE;
	vm13 =	vlt.s32 v13, $0xE;
	[tilespmem:v11+s21+$0x0] =	vst.idx.add.f32.msk vm8, v9  }
0x112: {  	vm8 =	vlt.s32 v21, $0xE;
	v9 =	vnsel vm13, $0xE, v13;
	v13 =	vnsel vm11, $0xE, v14;
	[tilespmem:v11+s22+$0x0] =	vst.idx.add.f32.msk vm9, v2  }
0x113: {  	v11 =	vnsel vm12, $0xE, v17;
	v17 =	vnsel vm10, $0xE, v19;
	v19 =	vnsel vm8, $0xE, v21;
	v14 =	vld [tilespmem:s25+$0x10]  }
0x114: {  	vm8 =	veq.s32 v22, v23;
	vm9 =	veq.s32 v15, v24;
	vm10 =	veq.s32 v18, v20;
	v15 =	vld [tilespmem:s26+$0x10]  }
0x115: {  	v12 =	vadd.s32 v1, v12;
	vm11 =	vgt.f32 v10, $0.0e+00;
	v9 =	vadd.s32 v1, v9;
	v18 =	vld [tilespmem:s25+$0x20]  }
0x116: {  	v13 =	vadd.s32 v1, v13;
	v11 =	vadd.s32 v1, v11;
	v17 =	vadd.s32 v1, v17;
	v20 =	vld [tilespmem:s26+$0x20]  }
0x117: {  	vm12 =	vmand vm6, vm7;
	vm8 =	vmand vm5, vm8;
	v19 =	vadd.s32 v1, v19;
	[tilespmem:v4+s20+$0x0] =	vst.idx.add.f32.msk vm0, v2  }
0x118: {  	vm9 =	vmand vm2, vm9;
	vm7 =	vmand vm3, vm10;
	[tilespmem:v4+s21+$0x0] =	vst.idx.add.f32.msk vm0, v3;
	v3 =	vmovc v10;
	vm0 =	vmmov vm11  }
0x119: {  	vm10 =	veq.s32 v14, v15;
	[tilespmem:v4+s22+$0x0] =	vst.idx.add.f32.msk vm1, v2;
	v4 =	vmov v19  }
0x11a: {  	[tilespmem:v9+s20+$0x0] =	vst.idx.add.f32.msk vm6, v2;
	vm10 =	vmand vm4, vm10  }
0x11b: {  	[tilespmem:v9+s21+$0x0] =	vst.idx.add.f32.msk vm6, v16;
	vm1 =	veq.s32 v18, v20  }
0x11c: {  	[tilespmem:v12+s20+$0x0] =	vst.idx.add.f32.msk vm5, v2;
	vm1 =	vmand vm0, vm1  }
0x11d: {  	[tilespmem:v9+s22+$0x0] =	vst.idx.add.f32.msk vm12, v2  }
0x11e: {  	[tilespmem:v12+s21+$0x0] =	vst.idx.add.f32.msk vm5, v8  }
0x11f: {  	[tilespmem:v12+s22+$0x0] =	vst.idx.add.f32.msk vm8, v2  }
0x120: {  	[tilespmem:v13+s20+$0x0] =	vst.idx.add.f32.msk vm2, v2  }
0x121: {  	[tilespmem:v13+s21+$0x0] =	vst.idx.add.f32.msk vm2, v7  }
0x122: {  	[tilespmem:v13+s22+$0x0] =	vst.idx.add.f32.msk vm9, v2  }
0x123: {  	[tilespmem:v11+s20+$0x0] =	vst.idx.add.f32.msk vm3, v2  }
.Ltmp1:
0x124: {  	[tilespmem:v11+s21+$0x0] =	vst.idx.add.f32.msk vm3, v6;
	(pc) =	sbr.rel @p1 .LBB2_4-.Ltmp1, $4  }
0x125: {  	[tilespmem:v11+s22+$0x0] =	vst.idx.add.f32.msk vm7, v2  }
0x126: {  	[tilespmem:v17+s20+$0x0] =	vst.idx.add.f32.msk vm4, v2  }
0x127: {  	[tilespmem:v17+s21+$0x0] =	vst.idx.add.f32.msk vm4, v5  }
0x128: {  	s29 =	sadd.s32 $0x70, s29;
	[tilespmem:v17+s22+$0x0] =	vst.idx.add.f32.msk vm10, v2  }
0x129: {  	_ =	sdelay $0x4  }
0x12a: {  	[tilespmem:v4+s20+$0x0] =	vst.idx.add.f32.msk vm0, v2  }
0x12b: {  	[tilespmem:v4+s21+$0x0] =	vst.idx.add.f32.msk vm0, v3  }
0x12c: {  	[tilespmem:v4+s22+$0x0] =	vst.idx.add.f32.msk vm1, v2  }
0x12d: {  	s25 =	rddreg [dreg:$0xc]  }
0x12e: {  	[tilespmem:s16], [sflag:$0x2] =	stream.linear.gather [hbm4b:s25+s1], $0x28B0, $0x38;
	[tilespmem:$0xFD00] =	vst v63  }
0x12f: {  	s26 =	rddreg [dreg:$0xd]  }
0x130: {  	[tilespmem:s17], [sflag:$0x2] =	stream.linear.gather [hbm4b:s26+s1], $0x28B0, $0x38;
	[tilespmem:$0xFD00] =	vst v63  }
0x131: {  	s26 =	rddreg [dreg:$0xe]  }
0x132: {  	[tilespmem:s18], [sflag:$0x2] =	stream.linear.gather [hbm4b:s26+s1], $0x28B0, $0x38;
	[tilespmem:$0xFD00] =	vst v63  }
0x133: {  	_ =	swait.ge [sflag:s19], $0x28B0  }
0x134: {  	[sflag:s19] =	ssyncset.done $0x0  }
0x135: {  	[sflag:s19] =	ssyncadd.s32 $0xFFFFD750  }
0x136: {  	_ =	swait.ge [sflag:s19], $0x28B0  }
0x137: {  	[sflag:s19] =	ssyncset.done $0x0  }
0x138: {  	[sflag:s19] =	ssyncadd.s32 $0xFFFFD750  }
0x139: {  	_ =	swait.ge [sflag:s19], $0x28B0  }
0x13a: {  	[sflag:s19] =	ssyncset.done $0x0  }
0x13b: {  	s28 =	simm.s32 $0x30;
	[sflag:s19] =	ssyncadd.s32 $0xFFFFD750  }
0x13c: {  	v4 =	vld [tilespmem:s28+$0x30]  }
0x13d: {  	v5 =	vld [tilespmem:s28+$0xFFFFFFE0]  }
0x13e: {  	v6 =	vld [tilespmem:s28+$0xFFFFFFF0]  }
0x13f: {  	v7 =	vld [tilespmem:s28+$0x0]  }
0x140: {  	s25 =	simm.s32 $0x5230;
	v8 =	vld [tilespmem:s28+$0x10]  }
0x141: {  	s26 =	simm.s32 $0xA430;
	v9 =	vld [tilespmem:s25+$0x30];
	v3 =	vmul.f32 $1.500000000e+01, v4  }
0x142: {  	v10 =	vld [tilespmem:s26+$0x30]  }
0x143: {  	v12 =	vld [tilespmem:s28+$0xFFFFFFD0];
	v11 =	vtrunc.f32 v3  }
0x144: {  	v13 =	vld [tilespmem:s25+$0xFFFFFFD0];
	v11 =	vcvt.f32.s32 v11  }
0x145: {  	v14 =	vld [tilespmem:s26+$0xFFFFFFD0]  }
0x146: {  	v15 =	vld [tilespmem:s25+$0xFFFFFFE0];
	vm0 =	vlt.s32 v11, $0xE  }
0x147: {  	v16 =	vld [tilespmem:s26+$0xFFFFFFE0];
	vm1 =	vgt.f32 v4, $0.0e+00;
	v11 =	vnsel vm0, $0xE, v11  }
0x148: {  	v52 =	vld [tilespmem:s25+$0xFFFFFFF0];
	v51 =	vmul.f32 $1.500000000e+01, v12;
	v11 =	vadd.s32 v1, v11  }
0x149: {  	v18 =	vld [tilespmem:s26+$0xFFFFFFF0];
	vm0 =	veq.s32 v9, v10  }
0x14a: {  	v19 =	vld [tilespmem:s25+$0x0];
	v17 =	vmul.f32 $1.500000000e+01, v5;
	v9 =	vtrunc.f32 v51;
	vm2 =	vmand vm1, vm0  }
0x14b: {  	v20 =	vld [tilespmem:s26+$0x0];
	v9 =	vcvt.f32.s32 v9  }
0x14c: {  	v56 =	vld [tilespmem:s25+$0x10];
	v17 =	vtrunc.f32 v17  }
0x14d: {  	v21 =	vmul.f32 $1.500000000e+01, v6;
	v17 =	vcvt.f32.s32 v17;
	vm3 =	vlt.s32 v9, $0xE;
	[tilespmem:v11+s20+$0x0] =	vst.idx.add.f32.msk vm1, v2  }
0x14e: {  	vm4 =	vgt.f32 v12, $0.0e+00;
	v53 =	vmul.f32 $1.500000000e+01, v7;
	[tilespmem:v11+s21+$0x0] =	vst.idx.add.f32.msk vm1, v4;
	v4 =	vnsel vm3, $0xE, v9  }
0x14f: {  	v57 =	vld [tilespmem:s26+$0x10];
	v54 =	vtrunc.f32 v21;
	vm1 =	vlt.s32 v17, $0xE;
	v4 =	vadd.s32 v1, v4  }
0x150: {  	vm0 =	vgt.f32 v5, $0.0e+00;
	[tilespmem:v11+s22+$0x0] =	vst.idx.add.f32.msk vm2, v2;
	vm2 =	veq.s32 v13, v14;
	v55 =	vnsel vm1, $0xE, v17  }
0x151: {  	v58 =	vld [tilespmem:s25+$0x20];
	v11 =	vcvt.f32.s32 v54;
	v13 =	vadd.s32 v1, v55;
	vm2 =	vmand vm4, vm2  }
0x152: {  	v59 =	vld [tilespmem:s26+$0x20];
	v60 =	vmul.f32 $1.500000000e+01, v8;
	vm3 =	veq.s32 v15, v16  }
0x153: {  	v3 =	vld [tilespmem:s28+$0x20];
	v9 =	vtrunc.f32 v53;
	vm3 =	vmand vm0, vm3;
	vm5 =	vlt.s32 v11, $0xE  }
0x154: {  	vm1 =	vgt.f32 v6, $0.0e+00;
	v9 =	vcvt.f32.s32 v9;
	v11 =	vnsel vm5, $0xE, v11;
	[tilespmem:v4+s20+$0x0] =	vst.idx.add.f32.msk vm4, v2  }
0x155: {  	vm13 =	veq.s32 v52, v18;
	v61 =	vadd.s32 v1, v11;
	[tilespmem:v4+s21+$0x0] =	vst.idx.add.f32.msk vm4, v12  }
0x156: {  	v62 =	vtrunc.f32 v60;
	vm14 =	vlt.s32 v9, $0xE;
	vm5 =	vmand vm1, vm13;
	[tilespmem:v13+s20+$0x0] =	vst.idx.add.f32.msk vm0, v2  }
0x157: {  	vm6 =	vgt.f32 v7, $0.0e+00;
	v9 =	vnsel vm14, $0xE, v9;
	v11 =	vcvt.f32.s32 v62;
	[tilespmem:v4+s22+$0x0] =	vst.idx.add.f32.msk vm2, v2  }
0x158: {  	vm2 =	veq.s32 v19, v20;
	v4 =	vadd.s32 v1, v9;
	[tilespmem:v13+s21+$0x0] =	vst.idx.add.f32.msk vm0, v5  }
0x159: {  	vm0 =	vlt.s32 v11, $0xE;
	vm2 =	vmand vm6, vm2;
	[tilespmem:v13+s22+$0x0] =	vst.idx.add.f32.msk vm3, v2  }
0x15a: {  	vm3 =	vgt.f32 v8, $0.0e+00;
	v5 =	vnsel vm0, $0xE, v11;
	[tilespmem:v61+s20+$0x0] =	vst.idx.add.f32.msk vm1, v2  }
0x15b: {  	v63 =	vmul.f32 $1.500000000e+01, v3;
	vm0 =	veq.s32 v56, v57;
	v5 =	vadd.s32 v1, v5;
	[tilespmem:v61+s21+$0x0] =	vst.idx.add.f32.msk vm1, v6  }
0x15c: {  	vm15 =	vmand vm3, vm0;
	[tilespmem:v61+s22+$0x0] =	vst.idx.add.f32.msk vm5, v2  }
0x15d: {  	v6 =	vtrunc.f32 v63;
	[tilespmem:v4+s20+$0x0] =	vst.idx.add.f32.msk vm6, v2  }
0x15e: {  	v6 =	vcvt.f32.s32 v6;
	[tilespmem:v4+s21+$0x0] =	vst.idx.add.f32.msk vm6, v7  }
0x15f: {  	[tilespmem:v4+s22+$0x0] =	vst.idx.add.f32.msk vm2, v2  }
0x160: {  	vm1 =	vgt.f32 v3, $0.0e+00;
	vm0 =	vlt.s32 v6, $0xE;
	[tilespmem:v5+s20+$0x0] =	vst.idx.add.f32.msk vm3, v2  }
0x161: {  	v4 =	vnsel vm0, $0xE, v6;
	vm0 =	vmmov vm1;
	vm1 =	veq.s32 v58, v59;
	[tilespmem:v5+s21+$0x0] =	vst.idx.add.f32.msk vm3, v8  }
0x162: {  	s29 =	simm.s32 $0xA0;
	s28 =	simm.s32 $0x0;
	v4 =	vadd.s32 v1, v4;
	vm1 =	vmand vm0, vm1;
	[tilespmem:v5+s22+$0x0] =	vst.idx.add.f32.msk vm15, v2  }
.LBB2_6:
0x163: {  	v9 =	vld [tilespmem:s29+$0x30]  }
0x164: {  	v8 =	vld [tilespmem:s29+$0xFFFFFFE0]  }
0x165: {  	s28 =	sadd.s32 $0x7, s28;
	v7 =	vld [tilespmem:s29+$0xFFFFFFF0]  }
0x166: {  	p1 =	slt.u32 s28, $0x284;
	v6 =	vld [tilespmem:s29+$0x0]  }
0x167: {  	v5 =	vld [tilespmem:s29+$0x10]  }
0x168: {  	s25 =	sadd.s32 $0x70, s25;
	v10 =	vld [tilespmem:s29+$0x20];
	v11 =	vmul.f32 $1.500000000e+01, v9  }
0x169: {  	s26 =	sadd.s32 $0x70, s26;
	v12 =	vmul.f32 $1.500000000e+01, v8;
	vm5 =	vgt.f32 v8, $0.0e+00;
	v13 =	vld [tilespmem:s25+$0x30]  }
0x16a: {  	v14 =	vmul.f32 $1.500000000e+01, v7;
	vm2 =	vgt.f32 v7, $0.0e+00;
	v15 =	vld [tilespmem:s26+$0x30];
	v11 =	vtrunc.f32 v11  }
0x16b: {  	v16 =	vld [tilespmem:s29+$0xFFFFFFD0];
	v17 =	vmul.f32 $1.500000000e+01, v6;
	vm3 =	vgt.f32 v6, $0.0e+00;
	v11 =	vcvt.f32.s32 v11  }
0x16c: {  	v12 =	vtrunc.f32 v12;
	v18 =	vld [tilespmem:s25+$0xFFFFFFD0];
	v19 =	vmul.f32 $1.500000000e+01, v5;
	vm4 =	vgt.f32 v5, $0.0e+00  }
0x16d: {  	v14 =	vtrunc.f32 v14;
	v20 =	vld [tilespmem:s26+$0xFFFFFFD0];
	v21 =	vmul.f32 $1.500000000e+01, v10;
	vm6 =	vlt.s32 v11, $0xE  }
0x16e: {  	vm8 =	vgt.f32 v9, $0.0e+00;
	v17 =	vtrunc.f32 v17;
	v22 =	vld [tilespmem:s25+$0xFFFFFFE0];
	v11 =	vnsel vm6, $0xE, v11  }
0x16f: {  	v19 =	vtrunc.f32 v19;
	v23 =	vld [tilespmem:s26+$0xFFFFFFE0];
	v11 =	vadd.s32 v1, v11;
	vm6 =	veq.s32 v13, v15  }
0x170: {  	v21 =	vtrunc.f32 v21;
	v13 =	vmul.f32 $1.500000000e+01, v16;
	v15 =	vld [tilespmem:s25+$0xFFFFFFF0];
	vm9 =	vmand vm8, vm6  }
0x171: {  	v12 =	vcvt.f32.s32 v12;
	v14 =	vcvt.f32.s32 v14;
	vm6 =	vgt.f32 v16, $0.0e+00;
	v24 =	vld [tilespmem:s26+$0xFFFFFFF0]  }
0x172: {  	v17 =	vcvt.f32.s32 v17;
	v13 =	vtrunc.f32 v13;
	vm7 =	veq.s32 v18, v20;
	v18 =	vld [tilespmem:s25+$0x0]  }
0x173: {  	vm10 =	vlt.s32 v12, $0xE;
	v19 =	vcvt.f32.s32 v19;
	v13 =	vcvt.f32.s32 v13;
	v20 =	vld [tilespmem:s26+$0x0]  }
0x174: {  	vm11 =	vlt.s32 v14, $0xE;
	vm12 =	vlt.s32 v17, $0xE;
	v21 =	vcvt.f32.s32 v21;
	[tilespmem:v11+s20+$0x0] =	vst.idx.add.f32.msk vm8, v2  }
0x175: {  	v12 =	vnsel vm10, $0xE, v12;
	vm10 =	vlt.s32 v19, $0xE;
	vm13 =	vlt.s32 v13, $0xE;
	[tilespmem:v11+s21+$0x0] =	vst.idx.add.f32.msk vm8, v9  }
0x176: {  	vm8 =	vlt.s32 v21, $0xE;
	v9 =	vnsel vm13, $0xE, v13;
	v13 =	vnsel vm11, $0xE, v14;
	[tilespmem:v11+s22+$0x0] =	vst.idx.add.f32.msk vm9, v2  }
0x177: {  	v11 =	vnsel vm12, $0xE, v17;
	v17 =	vnsel vm10, $0xE, v19;
	v19 =	vnsel vm8, $0xE, v21;
	v14 =	vld [tilespmem:s25+$0x10]  }
0x178: {  	vm8 =	veq.s32 v22, v23;
	vm9 =	veq.s32 v15, v24;
	vm10 =	veq.s32 v18, v20;
	v15 =	vld [tilespmem:s26+$0x10]  }
0x179: {  	v12 =	vadd.s32 v1, v12;
	vm11 =	vgt.f32 v10, $0.0e+00;
	v9 =	vadd.s32 v1, v9;
	v18 =	vld [tilespmem:s25+$0x20]  }
0x17a: {  	v13 =	vadd.s32 v1, v13;
	v11 =	vadd.s32 v1, v11;
	v17 =	vadd.s32 v1, v17;
	v20 =	vld [tilespmem:s26+$0x20]  }
0x17b: {  	vm12 =	vmand vm6, vm7;
	vm8 =	vmand vm5, vm8;
	v19 =	vadd.s32 v1, v19;
	[tilespmem:v4+s20+$0x0] =	vst.idx.add.f32.msk vm0, v2  }
0x17c: {  	vm9 =	vmand vm2, vm9;
	vm7 =	vmand vm3, vm10;
	[tilespmem:v4+s21+$0x0] =	vst.idx.add.f32.msk vm0, v3;
	v3 =	vmovc v10;
	vm0 =	vmmov vm11  }
0x17d: {  	vm10 =	veq.s32 v14, v15;
	[tilespmem:v4+s22+$0x0] =	vst.idx.add.f32.msk vm1, v2;
	v4 =	vmov v19  }
0x17e: {  	[tilespmem:v9+s20+$0x0] =	vst.idx.add.f32.msk vm6, v2;
	vm10 =	vmand vm4, vm10  }
0x17f: {  	[tilespmem:v9+s21+$0x0] =	vst.idx.add.f32.msk vm6, v16;
	vm1 =	veq.s32 v18, v20  }
0x180: {  	[tilespmem:v12+s20+$0x0] =	vst.idx.add.f32.msk vm5, v2;
	vm1 =	vmand vm0, vm1  }
0x181: {  	[tilespmem:v9+s22+$0x0] =	vst.idx.add.f32.msk vm12, v2  }
0x182: {  	[tilespmem:v12+s21+$0x0] =	vst.idx.add.f32.msk vm5, v8  }
0x183: {  	[tilespmem:v12+s22+$0x0] =	vst.idx.add.f32.msk vm8, v2  }
0x184: {  	[tilespmem:v13+s20+$0x0] =	vst.idx.add.f32.msk vm2, v2  }
0x185: {  	[tilespmem:v13+s21+$0x0] =	vst.idx.add.f32.msk vm2, v7  }
0x186: {  	[tilespmem:v13+s22+$0x0] =	vst.idx.add.f32.msk vm9, v2  }
0x187: {  	[tilespmem:v11+s20+$0x0] =	vst.idx.add.f32.msk vm3, v2  }
.Ltmp2:
0x188: {  	[tilespmem:v11+s21+$0x0] =	vst.idx.add.f32.msk vm3, v6;
	(pc) =	sbr.rel @p1 .LBB2_6-.Ltmp2, $4  }
0x189: {  	[tilespmem:v11+s22+$0x0] =	vst.idx.add.f32.msk vm7, v2  }
0x18a: {  	[tilespmem:v17+s20+$0x0] =	vst.idx.add.f32.msk vm4, v2  }
0x18b: {  	[tilespmem:v17+s21+$0x0] =	vst.idx.add.f32.msk vm4, v5  }
0x18c: {  	s29 =	sadd.s32 $0x70, s29;
	[tilespmem:v17+s22+$0x0] =	vst.idx.add.f32.msk vm10, v2  }
0x18d: {  	_ =	sdelay $0x4  }
0x18e: {  	[tilespmem:v4+s20+$0x0] =	vst.idx.add.f32.msk vm0, v2  }
0x18f: {  	[tilespmem:v4+s21+$0x0] =	vst.idx.add.f32.msk vm0, v3  }
0x190: {  	[tilespmem:v4+s22+$0x0] =	vst.idx.add.f32.msk vm1, v2  }
0x191: {  	s25 =	rddreg [dreg:$0xf]  }
0x192: {  	[tilespmem:s1], [sflag:$0x1] =	stream.linear.gather [hbm4b:s25+s1], $0x28B0, $0x38;
	[tilespmem:$0xFD00] =	vst v63  }
0x193: {  	s26 =	rddreg [dreg:$0x10]  }
0x194: {  	[tilespmem:s14], [sflag:$0x1] =	stream.linear.gather [hbm4b:s26+s1], $0x28B0, $0x38;
	[tilespmem:$0xFD00] =	vst v63  }
0x195: {  	s26 =	rddreg [dreg:$0x11]  }
0x196: {  	[tilespmem:s15], [sflag:$0x1] =	stream.linear.gather [hbm4b:s26+s1], $0x28B0, $0x38;
	[tilespmem:$0xFD00] =	vst v63  }
0x197: {  	_ =	swait.ge [sflag:s23], $0x28B0  }
0x198: {  	[sflag:s23] =	ssyncset.done $0x0  }
0x199: {  	[sflag:s23] =	ssyncadd.s32 $0xFFFFD750  }
0x19a: {  	_ =	swait.ge [sflag:s23], $0x28B0  }
0x19b: {  	[sflag:s23] =	ssyncset.done $0x0  }
0x19c: {  	[sflag:s23] =	ssyncadd.s32 $0xFFFFD750  }
0x19d: {  	_ =	swait.ge [sflag:s23], $0x28B0  }
0x19e: {  	[sflag:s23] =	ssyncset.done $0x0  }
0x19f: {  	s28 =	simm.s32 $0x2930;
	[sflag:s23] =	ssyncadd.s32 $0xFFFFD750  }
0x1a0: {  	v4 =	vld [tilespmem:s28+$0x30]  }
0x1a1: {  	v5 =	vld [tilespmem:s28+$0xFFFFFFE0]  }
0x1a2: {  	v6 =	vld [tilespmem:s28+$0xFFFFFFF0]  }
0x1a3: {  	v7 =	vld [tilespmem:s28+$0x0]  }
0x1a4: {  	s25 =	simm.s32 $0x7B30;
	v8 =	vld [tilespmem:s28+$0x10]  }
0x1a5: {  	s26 =	simm.s32 $0xCD30;
	v9 =	vld [tilespmem:s25+$0x30];
	v3 =	vmul.f32 $1.500000000e+01, v4  }
0x1a6: {  	v10 =	vld [tilespmem:s26+$0x30]  }
0x1a7: {  	v12 =	vld [tilespmem:s28+$0xFFFFFFD0];
	v11 =	vtrunc.f32 v3  }
0x1a8: {  	v13 =	vld [tilespmem:s25+$0xFFFFFFD0];
	v11 =	vcvt.f32.s32 v11  }
0x1a9: {  	v14 =	vld [tilespmem:s26+$0xFFFFFFD0]  }
0x1aa: {  	v15 =	vld [tilespmem:s25+$0xFFFFFFE0];
	vm0 =	vlt.s32 v11, $0xE  }
0x1ab: {  	v16 =	vld [tilespmem:s26+$0xFFFFFFE0];
	vm1 =	vgt.f32 v4, $0.0e+00;
	v11 =	vnsel vm0, $0xE, v11  }
0x1ac: {  	v52 =	vld [tilespmem:s25+$0xFFFFFFF0];
	v51 =	vmul.f32 $1.500000000e+01, v12;
	v11 =	vadd.s32 v1, v11  }
0x1ad: {  	v18 =	vld [tilespmem:s26+$0xFFFFFFF0];
	vm0 =	veq.s32 v9, v10  }
0x1ae: {  	v19 =	vld [tilespmem:s25+$0x0];
	v17 =	vmul.f32 $1.500000000e+01, v5;
	v9 =	vtrunc.f32 v51;
	vm2 =	vmand vm1, vm0  }
0x1af: {  	v20 =	vld [tilespmem:s26+$0x0];
	v9 =	vcvt.f32.s32 v9  }
0x1b0: {  	v56 =	vld [tilespmem:s25+$0x10];
	v17 =	vtrunc.f32 v17  }
0x1b1: {  	v21 =	vmul.f32 $1.500000000e+01, v6;
	v17 =	vcvt.f32.s32 v17;
	vm3 =	vlt.s32 v9, $0xE;
	[tilespmem:v11+s20+$0x0] =	vst.idx.add.f32.msk vm1, v2  }
0x1b2: {  	vm4 =	vgt.f32 v12, $0.0e+00;
	v53 =	vmul.f32 $1.500000000e+01, v7;
	[tilespmem:v11+s21+$0x0] =	vst.idx.add.f32.msk vm1, v4;
	v4 =	vnsel vm3, $0xE, v9  }
0x1b3: {  	v57 =	vld [tilespmem:s26+$0x10];
	v54 =	vtrunc.f32 v21;
	vm1 =	vlt.s32 v17, $0xE;
	v4 =	vadd.s32 v1, v4  }
0x1b4: {  	vm0 =	vgt.f32 v5, $0.0e+00;
	[tilespmem:v11+s22+$0x0] =	vst.idx.add.f32.msk vm2, v2;
	vm2 =	veq.s32 v13, v14;
	v55 =	vnsel vm1, $0xE, v17  }
0x1b5: {  	v58 =	vld [tilespmem:s25+$0x20];
	v11 =	vcvt.f32.s32 v54;
	v13 =	vadd.s32 v1, v55;
	vm2 =	vmand vm4, vm2  }
0x1b6: {  	v59 =	vld [tilespmem:s26+$0x20];
	v60 =	vmul.f32 $1.500000000e+01, v8;
	vm3 =	veq.s32 v15, v16  }
0x1b7: {  	v3 =	vld [tilespmem:s28+$0x20];
	v9 =	vtrunc.f32 v53;
	vm3 =	vmand vm0, vm3;
	vm5 =	vlt.s32 v11, $0xE  }
0x1b8: {  	vm1 =	vgt.f32 v6, $0.0e+00;
	v9 =	vcvt.f32.s32 v9;
	v11 =	vnsel vm5, $0xE, v11;
	[tilespmem:v4+s20+$0x0] =	vst.idx.add.f32.msk vm4, v2  }
0x1b9: {  	vm13 =	veq.s32 v52, v18;
	v61 =	vadd.s32 v1, v11;
	[tilespmem:v4+s21+$0x0] =	vst.idx.add.f32.msk vm4, v12  }
0x1ba: {  	v62 =	vtrunc.f32 v60;
	vm14 =	vlt.s32 v9, $0xE;
	vm5 =	vmand vm1, vm13;
	[tilespmem:v13+s20+$0x0] =	vst.idx.add.f32.msk vm0, v2  }
0x1bb: {  	vm6 =	vgt.f32 v7, $0.0e+00;
	v9 =	vnsel vm14, $0xE, v9;
	v11 =	vcvt.f32.s32 v62;
	[tilespmem:v4+s22+$0x0] =	vst.idx.add.f32.msk vm2, v2  }
0x1bc: {  	vm2 =	veq.s32 v19, v20;
	v4 =	vadd.s32 v1, v9;
	[tilespmem:v13+s21+$0x0] =	vst.idx.add.f32.msk vm0, v5  }
0x1bd: {  	vm0 =	vlt.s32 v11, $0xE;
	vm2 =	vmand vm6, vm2;
	[tilespmem:v13+s22+$0x0] =	vst.idx.add.f32.msk vm3, v2  }
0x1be: {  	vm3 =	vgt.f32 v8, $0.0e+00;
	v5 =	vnsel vm0, $0xE, v11;
	[tilespmem:v61+s20+$0x0] =	vst.idx.add.f32.msk vm1, v2  }
0x1bf: {  	v63 =	vmul.f32 $1.500000000e+01, v3;
	vm0 =	veq.s32 v56, v57;
	v5 =	vadd.s32 v1, v5;
	[tilespmem:v61+s21+$0x0] =	vst.idx.add.f32.msk vm1, v6  }
0x1c0: {  	vm15 =	vmand vm3, vm0;
	[tilespmem:v61+s22+$0x0] =	vst.idx.add.f32.msk vm5, v2  }
0x1c1: {  	v6 =	vtrunc.f32 v63;
	[tilespmem:v4+s20+$0x0] =	vst.idx.add.f32.msk vm6, v2  }
0x1c2: {  	v6 =	vcvt.f32.s32 v6;
	[tilespmem:v4+s21+$0x0] =	vst.idx.add.f32.msk vm6, v7  }
0x1c3: {  	[tilespmem:v4+s22+$0x0] =	vst.idx.add.f32.msk vm2, v2  }
0x1c4: {  	vm1 =	vgt.f32 v3, $0.0e+00;
	vm0 =	vlt.s32 v6, $0xE;
	[tilespmem:v5+s20+$0x0] =	vst.idx.add.f32.msk vm3, v2  }
0x1c5: {  	v4 =	vnsel vm0, $0xE, v6;
	vm0 =	vmmov vm1;
	vm1 =	veq.s32 v58, v59;
	[tilespmem:v5+s21+$0x0] =	vst.idx.add.f32.msk vm3, v8  }
0x1c6: {  	s29 =	simm.s32 $0x29A0;
	s28 =	simm.s32 $0x0;
	v4 =	vadd.s32 v1, v4;
	vm1 =	vmand vm0, vm1;
	[tilespmem:v5+s22+$0x0] =	vst.idx.add.f32.msk vm15, v2  }
.LBB2_8:
0x1c7: {  	v9 =	vld [tilespmem:s29+$0x30]  }
0x1c8: {  	v8 =	vld [tilespmem:s29+$0xFFFFFFE0]  }
0x1c9: {  	s28 =	sadd.s32 $0x7, s28;
	v7 =	vld [tilespmem:s29+$0xFFFFFFF0]  }
0x1ca: {  	p1 =	slt.u32 s28, $0x284;
	v6 =	vld [tilespmem:s29+$0x0]  }
0x1cb: {  	v5 =	vld [tilespmem:s29+$0x10]  }
0x1cc: {  	s25 =	sadd.s32 $0x70, s25;
	v10 =	vld [tilespmem:s29+$0x20];
	v11 =	vmul.f32 $1.500000000e+01, v9  }
0x1cd: {  	s26 =	sadd.s32 $0x70, s26;
	v12 =	vmul.f32 $1.500000000e+01, v8;
	vm5 =	vgt.f32 v8, $0.0e+00;
	v13 =	vld [tilespmem:s25+$0x30]  }
0x1ce: {  	v14 =	vmul.f32 $1.500000000e+01, v7;
	vm2 =	vgt.f32 v7, $0.0e+00;
	v15 =	vld [tilespmem:s26+$0x30];
	v11 =	vtrunc.f32 v11  }
0x1cf: {  	v16 =	vld [tilespmem:s29+$0xFFFFFFD0];
	v17 =	vmul.f32 $1.500000000e+01, v6;
	vm3 =	vgt.f32 v6, $0.0e+00;
	v11 =	vcvt.f32.s32 v11  }
0x1d0: {  	v12 =	vtrunc.f32 v12;
	v18 =	vld [tilespmem:s25+$0xFFFFFFD0];
	v19 =	vmul.f32 $1.500000000e+01, v5;
	vm4 =	vgt.f32 v5, $0.0e+00  }
0x1d1: {  	v14 =	vtrunc.f32 v14;
	v20 =	vld [tilespmem:s26+$0xFFFFFFD0];
	v21 =	vmul.f32 $1.500000000e+01, v10;
	vm6 =	vlt.s32 v11, $0xE  }
0x1d2: {  	vm8 =	vgt.f32 v9, $0.0e+00;
	v17 =	vtrunc.f32 v17;
	v22 =	vld [tilespmem:s25+$0xFFFFFFE0];
	v11 =	vnsel vm6, $0xE, v11  }
0x1d3: {  	v19 =	vtrunc.f32 v19;
	v23 =	vld [tilespmem:s26+$0xFFFFFFE0];
	v11 =	vadd.s32 v1, v11;
	vm6 =	veq.s32 v13, v15  }
0x1d4: {  	v21 =	vtrunc.f32 v21;
	v13 =	vmul.f32 $1.500000000e+01, v16;
	v15 =	vld [tilespmem:s25+$0xFFFFFFF0];
	vm9 =	vmand vm8, vm6  }
0x1d5: {  	v12 =	vcvt.f32.s32 v12;
	v14 =	vcvt.f32.s32 v14;
	vm6 =	vgt.f32 v16, $0.0e+00;
	v24 =	vld [tilespmem:s26+$0xFFFFFFF0]  }
0x1d6: {  	v17 =	vcvt.f32.s32 v17;
	v13 =	vtrunc.f32 v13;
	vm7 =	veq.s32 v18, v20;
	v18 =	vld [tilespmem:s25+$0x0]  }
0x1d7: {  	vm10 =	vlt.s32 v12, $0xE;
	v19 =	vcvt.f32.s32 v19;
	v13 =	vcvt.f32.s32 v13;
	v20 =	vld [tilespmem:s26+$0x0]  }
0x1d8: {  	vm11 =	vlt.s32 v14, $0xE;
	vm12 =	vlt.s32 v17, $0xE;
	v21 =	vcvt.f32.s32 v21;
	[tilespmem:v11+s20+$0x0] =	vst.idx.add.f32.msk vm8, v2  }
0x1d9: {  	v12 =	vnsel vm10, $0xE, v12;
	vm10 =	vlt.s32 v19, $0xE;
	vm13 =	vlt.s32 v13, $0xE;
	[tilespmem:v11+s21+$0x0] =	vst.idx.add.f32.msk vm8, v9  }
0x1da: {  	vm8 =	vlt.s32 v21, $0xE;
	v9 =	vnsel vm13, $0xE, v13;
	v13 =	vnsel vm11, $0xE, v14;
	[tilespmem:v11+s22+$0x0] =	vst.idx.add.f32.msk vm9, v2  }
0x1db: {  	v11 =	vnsel vm12, $0xE, v17;
	v17 =	vnsel vm10, $0xE, v19;
	v19 =	vnsel vm8, $0xE, v21;
	v14 =	vld [tilespmem:s25+$0x10]  }
0x1dc: {  	vm8 =	veq.s32 v22, v23;
	vm9 =	veq.s32 v15, v24;
	vm10 =	veq.s32 v18, v20;
	v15 =	vld [tilespmem:s26+$0x10]  }
0x1dd: {  	v12 =	vadd.s32 v1, v12;
	vm11 =	vgt.f32 v10, $0.0e+00;
	v9 =	vadd.s32 v1, v9;
	v18 =	vld [tilespmem:s25+$0x20]  }
0x1de: {  	v13 =	vadd.s32 v1, v13;
	v11 =	vadd.s32 v1, v11;
	v17 =	vadd.s32 v1, v17;
	v20 =	vld [tilespmem:s26+$0x20]  }
0x1df: {  	vm12 =	vmand vm6, vm7;
	vm8 =	vmand vm5, vm8;
	v19 =	vadd.s32 v1, v19;
	[tilespmem:v4+s20+$0x0] =	vst.idx.add.f32.msk vm0, v2  }
0x1e0: {  	vm9 =	vmand vm2, vm9;
	vm7 =	vmand vm3, vm10;
	[tilespmem:v4+s21+$0x0] =	vst.idx.add.f32.msk vm0, v3;
	v3 =	vmovc v10;
	vm0 =	vmmov vm11  }
0x1e1: {  	vm10 =	veq.s32 v14, v15;
	[tilespmem:v4+s22+$0x0] =	vst.idx.add.f32.msk vm1, v2;
	v4 =	vmov v19  }
0x1e2: {  	[tilespmem:v9+s20+$0x0] =	vst.idx.add.f32.msk vm6, v2;
	vm10 =	vmand vm4, vm10  }
0x1e3: {  	[tilespmem:v9+s21+$0x0] =	vst.idx.add.f32.msk vm6, v16;
	vm1 =	veq.s32 v18, v20  }
0x1e4: {  	[tilespmem:v12+s20+$0x0] =	vst.idx.add.f32.msk vm5, v2;
	vm1 =	vmand vm0, vm1  }
0x1e5: {  	[tilespmem:v9+s22+$0x0] =	vst.idx.add.f32.msk vm12, v2  }
0x1e6: {  	[tilespmem:v12+s21+$0x0] =	vst.idx.add.f32.msk vm5, v8  }
0x1e7: {  	[tilespmem:v12+s22+$0x0] =	vst.idx.add.f32.msk vm8, v2  }
0x1e8: {  	[tilespmem:v13+s20+$0x0] =	vst.idx.add.f32.msk vm2, v2  }
0x1e9: {  	[tilespmem:v13+s21+$0x0] =	vst.idx.add.f32.msk vm2, v7  }
0x1ea: {  	[tilespmem:v13+s22+$0x0] =	vst.idx.add.f32.msk vm9, v2  }
0x1eb: {  	[tilespmem:v11+s20+$0x0] =	vst.idx.add.f32.msk vm3, v2  }
.Ltmp3:
0x1ec: {  	[tilespmem:v11+s21+$0x0] =	vst.idx.add.f32.msk vm3, v6;
	(pc) =	sbr.rel @p1 .LBB2_8-.Ltmp3, $4  }
0x1ed: {  	[tilespmem:v11+s22+$0x0] =	vst.idx.add.f32.msk vm7, v2  }
0x1ee: {  	[tilespmem:v17+s20+$0x0] =	vst.idx.add.f32.msk vm4, v2  }
0x1ef: {  	[tilespmem:v17+s21+$0x0] =	vst.idx.add.f32.msk vm4, v5  }
0x1f0: {  	s29 =	sadd.s32 $0x70, s29;
	[tilespmem:v17+s22+$0x0] =	vst.idx.add.f32.msk vm10, v2  }
0x1f1: {  	_ =	sdelay $0x4  }
0x1f2: {  	[tilespmem:v4+s20+$0x0] =	vst.idx.add.f32.msk vm0, v2  }
0x1f3: {  	[tilespmem:v4+s21+$0x0] =	vst.idx.add.f32.msk vm0, v3  }
0x1f4: {  	[tilespmem:v4+s22+$0x0] =	vst.idx.add.f32.msk vm1, v2  }
0x1f5: {  	s25 =	rddreg [dreg:$0x12]  }
0x1f6: {  	[tilespmem:s16], [sflag:$0x2] =	stream.linear.gather [hbm4b:s25+s1], $0x28B0, $0x38;
	[tilespmem:$0xFD00] =	vst v63  }
0x1f7: {  	s26 =	rddreg [dreg:$0x13]  }
0x1f8: {  	[tilespmem:s17], [sflag:$0x2] =	stream.linear.gather [hbm4b:s26+s1], $0x28B0, $0x38;
	[tilespmem:$0xFD00] =	vst v63  }
0x1f9: {  	s26 =	rddreg [dreg:$0x14]  }
0x1fa: {  	[tilespmem:s18], [sflag:$0x2] =	stream.linear.gather [hbm4b:s26+s1], $0x28B0, $0x38;
	[tilespmem:$0xFD00] =	vst v63  }
0x1fb: {  	_ =	swait.ge [sflag:s19], $0x28B0  }
0x1fc: {  	[sflag:s19] =	ssyncset.done $0x0  }
0x1fd: {  	[sflag:s19] =	ssyncadd.s32 $0xFFFFD750  }
0x1fe: {  	_ =	swait.ge [sflag:s19], $0x28B0  }
0x1ff: {  	[sflag:s19] =	ssyncset.done $0x0  }
0x200: {  	[sflag:s19] =	ssyncadd.s32 $0xFFFFD750  }
0x201: {  	_ =	swait.ge [sflag:s19], $0x28B0  }
0x202: {  	[sflag:s19] =	ssyncset.done $0x0  }
0x203: {  	s28 =	simm.s32 $0x30;
	[sflag:s19] =	ssyncadd.s32 $0xFFFFD750  }
0x204: {  	v4 =	vld [tilespmem:s28+$0x30]  }
0x205: {  	v5 =	vld [tilespmem:s28+$0xFFFFFFE0]  }
0x206: {  	v6 =	vld [tilespmem:s28+$0xFFFFFFF0]  }
0x207: {  	v7 =	vld [tilespmem:s28+$0x0]  }
0x208: {  	s25 =	simm.s32 $0x5230;
	v8 =	vld [tilespmem:s28+$0x10]  }
0x209: {  	s26 =	simm.s32 $0xA430;
	v9 =	vld [tilespmem:s25+$0x30];
	v3 =	vmul.f32 $1.500000000e+01, v4  }
0x20a: {  	v10 =	vld [tilespmem:s26+$0x30]  }
0x20b: {  	v12 =	vld [tilespmem:s28+$0xFFFFFFD0];
	v11 =	vtrunc.f32 v3  }
0x20c: {  	v13 =	vld [tilespmem:s25+$0xFFFFFFD0];
	v11 =	vcvt.f32.s32 v11  }
0x20d: {  	v14 =	vld [tilespmem:s26+$0xFFFFFFD0]  }
0x20e: {  	v15 =	vld [tilespmem:s25+$0xFFFFFFE0];
	vm0 =	vlt.s32 v11, $0xE  }
0x20f: {  	v16 =	vld [tilespmem:s26+$0xFFFFFFE0];
	vm1 =	vgt.f32 v4, $0.0e+00;
	v11 =	vnsel vm0, $0xE, v11  }
0x210: {  	v52 =	vld [tilespmem:s25+$0xFFFFFFF0];
	v51 =	vmul.f32 $1.500000000e+01, v12;
	v11 =	vadd.s32 v1, v11  }
0x211: {  	v18 =	vld [tilespmem:s26+$0xFFFFFFF0];
	vm0 =	veq.s32 v9, v10  }
0x212: {  	v19 =	vld [tilespmem:s25+$0x0];
	v17 =	vmul.f32 $1.500000000e+01, v5;
	v9 =	vtrunc.f32 v51;
	vm2 =	vmand vm1, vm0  }
0x213: {  	v20 =	vld [tilespmem:s26+$0x0];
	v9 =	vcvt.f32.s32 v9  }
0x214: {  	v56 =	vld [tilespmem:s25+$0x10];
	v17 =	vtrunc.f32 v17  }
0x215: {  	v21 =	vmul.f32 $1.500000000e+01, v6;
	v17 =	vcvt.f32.s32 v17;
	vm3 =	vlt.s32 v9, $0xE;
	[tilespmem:v11+s20+$0x0] =	vst.idx.add.f32.msk vm1, v2  }
0x216: {  	vm4 =	vgt.f32 v12, $0.0e+00;
	v53 =	vmul.f32 $1.500000000e+01, v7;
	[tilespmem:v11+s21+$0x0] =	vst.idx.add.f32.msk vm1, v4;
	v4 =	vnsel vm3, $0xE, v9  }
0x217: {  	v57 =	vld [tilespmem:s26+$0x10];
	v54 =	vtrunc.f32 v21;
	vm1 =	vlt.s32 v17, $0xE;
	v4 =	vadd.s32 v1, v4  }
0x218: {  	vm0 =	vgt.f32 v5, $0.0e+00;
	[tilespmem:v11+s22+$0x0] =	vst.idx.add.f32.msk vm2, v2;
	vm2 =	veq.s32 v13, v14;
	v55 =	vnsel vm1, $0xE, v17  }
0x219: {  	v58 =	vld [tilespmem:s25+$0x20];
	v11 =	vcvt.f32.s32 v54;
	v13 =	vadd.s32 v1, v55;
	vm2 =	vmand vm4, vm2  }
0x21a: {  	v59 =	vld [tilespmem:s26+$0x20];
	v60 =	vmul.f32 $1.500000000e+01, v8;
	vm3 =	veq.s32 v15, v16  }
0x21b: {  	v3 =	vld [tilespmem:s28+$0x20];
	v9 =	vtrunc.f32 v53;
	vm3 =	vmand vm0, vm3;
	vm5 =	vlt.s32 v11, $0xE  }
0x21c: {  	vm1 =	vgt.f32 v6, $0.0e+00;
	v9 =	vcvt.f32.s32 v9;
	v11 =	vnsel vm5, $0xE, v11;
	[tilespmem:v4+s20+$0x0] =	vst.idx.add.f32.msk vm4, v2  }
0x21d: {  	vm13 =	veq.s32 v52, v18;
	v61 =	vadd.s32 v1, v11;
	[tilespmem:v4+s21+$0x0] =	vst.idx.add.f32.msk vm4, v12  }
0x21e: {  	v62 =	vtrunc.f32 v60;
	vm14 =	vlt.s32 v9, $0xE;
	vm5 =	vmand vm1, vm13;
	[tilespmem:v13+s20+$0x0] =	vst.idx.add.f32.msk vm0, v2  }
0x21f: {  	vm6 =	vgt.f32 v7, $0.0e+00;
	v9 =	vnsel vm14, $0xE, v9;
	v11 =	vcvt.f32.s32 v62;
	[tilespmem:v4+s22+$0x0] =	vst.idx.add.f32.msk vm2, v2  }
0x220: {  	vm2 =	veq.s32 v19, v20;
	v4 =	vadd.s32 v1, v9;
	[tilespmem:v13+s21+$0x0] =	vst.idx.add.f32.msk vm0, v5  }
0x221: {  	vm0 =	vlt.s32 v11, $0xE;
	vm2 =	vmand vm6, vm2;
	[tilespmem:v13+s22+$0x0] =	vst.idx.add.f32.msk vm3, v2  }
0x222: {  	vm3 =	vgt.f32 v8, $0.0e+00;
	v5 =	vnsel vm0, $0xE, v11;
	[tilespmem:v61+s20+$0x0] =	vst.idx.add.f32.msk vm1, v2  }
0x223: {  	v63 =	vmul.f32 $1.500000000e+01, v3;
	vm0 =	veq.s32 v56, v57;
	v5 =	vadd.s32 v1, v5;
	[tilespmem:v61+s21+$0x0] =	vst.idx.add.f32.msk vm1, v6  }
0x224: {  	vm15 =	vmand vm3, vm0;
	[tilespmem:v61+s22+$0x0] =	vst.idx.add.f32.msk vm5, v2  }
0x225: {  	v6 =	vtrunc.f32 v63;
	[tilespmem:v4+s20+$0x0] =	vst.idx.add.f32.msk vm6, v2  }
0x226: {  	v6 =	vcvt.f32.s32 v6;
	[tilespmem:v4+s21+$0x0] =	vst.idx.add.f32.msk vm6, v7  }
0x227: {  	[tilespmem:v4+s22+$0x0] =	vst.idx.add.f32.msk vm2, v2  }
0x228: {  	vm1 =	vgt.f32 v3, $0.0e+00;
	vm0 =	vlt.s32 v6, $0xE;
	[tilespmem:v5+s20+$0x0] =	vst.idx.add.f32.msk vm3, v2  }
0x229: {  	v4 =	vnsel vm0, $0xE, v6;
	vm0 =	vmmov vm1;
	vm1 =	veq.s32 v58, v59;
	[tilespmem:v5+s21+$0x0] =	vst.idx.add.f32.msk vm3, v8  }
0x22a: {  	s29 =	simm.s32 $0xA0;
	s28 =	simm.s32 $0x0;
	v4 =	vadd.s32 v1, v4;
	vm1 =	vmand vm0, vm1;
	[tilespmem:v5+s22+$0x0] =	vst.idx.add.f32.msk vm15, v2  }
.LBB2_10:
0x22b: {  	v9 =	vld [tilespmem:s29+$0x30]  }
0x22c: {  	v8 =	vld [tilespmem:s29+$0xFFFFFFE0]  }
0x22d: {  	s28 =	sadd.s32 $0x7, s28;
	v7 =	vld [tilespmem:s29+$0xFFFFFFF0]  }
0x22e: {  	p1 =	slt.u32 s28, $0x284;
	v6 =	vld [tilespmem:s29+$0x0]  }
0x22f: {  	v5 =	vld [tilespmem:s29+$0x10]  }
0x230: {  	s25 =	sadd.s32 $0x70, s25;
	v10 =	vld [tilespmem:s29+$0x20];
	v11 =	vmul.f32 $1.500000000e+01, v9  }
0x231: {  	s26 =	sadd.s32 $0x70, s26;
	v12 =	vmul.f32 $1.500000000e+01, v8;
	vm5 =	vgt.f32 v8, $0.0e+00;
	v13 =	vld [tilespmem:s25+$0x30]  }
0x232: {  	v14 =	vmul.f32 $1.500000000e+01, v7;
	vm2 =	vgt.f32 v7, $0.0e+00;
	v15 =	vld [tilespmem:s26+$0x30];
	v11 =	vtrunc.f32 v11  }
0x233: {  	v16 =	vld [tilespmem:s29+$0xFFFFFFD0];
	v17 =	vmul.f32 $1.500000000e+01, v6;
	vm3 =	vgt.f32 v6, $0.0e+00;
	v11 =	vcvt.f32.s32 v11  }
0x234: {  	v12 =	vtrunc.f32 v12;
	v18 =	vld [tilespmem:s25+$0xFFFFFFD0];
	v19 =	vmul.f32 $1.500000000e+01, v5;
	vm4 =	vgt.f32 v5, $0.0e+00  }
0x235: {  	v14 =	vtrunc.f32 v14;
	v20 =	vld [tilespmem:s26+$0xFFFFFFD0];
	v21 =	vmul.f32 $1.500000000e+01, v10;
	vm6 =	vlt.s32 v11, $0xE  }
0x236: {  	vm8 =	vgt.f32 v9, $0.0e+00;
	v17 =	vtrunc.f32 v17;
	v22 =	vld [tilespmem:s25+$0xFFFFFFE0];
	v11 =	vnsel vm6, $0xE, v11  }
0x237: {  	v19 =	vtrunc.f32 v19;
	v23 =	vld [tilespmem:s26+$0xFFFFFFE0];
	v11 =	vadd.s32 v1, v11;
	vm6 =	veq.s32 v13, v15  }
0x238: {  	v21 =	vtrunc.f32 v21;
	v13 =	vmul.f32 $1.500000000e+01, v16;
	v15 =	vld [tilespmem:s25+$0xFFFFFFF0];
	vm9 =	vmand vm8, vm6  }
0x239: {  	v12 =	vcvt.f32.s32 v12;
	v14 =	vcvt.f32.s32 v14;
	vm6 =	vgt.f32 v16, $0.0e+00;
	v24 =	vld [tilespmem:s26+$0xFFFFFFF0]  }
0x23a: {  	v17 =	vcvt.f32.s32 v17;
	v13 =	vtrunc.f32 v13;
	vm7 =	veq.s32 v18, v20;
	v18 =	vld [tilespmem:s25+$0x0]  }
0x23b: {  	vm10 =	vlt.s32 v12, $0xE;
	v19 =	vcvt.f32.s32 v19;
	v13 =	vcvt.f32.s32 v13;
	v20 =	vld [tilespmem:s26+$0x0]  }
0x23c: {  	vm11 =	vlt.s32 v14, $0xE;
	vm12 =	vlt.s32 v17, $0xE;
	v21 =	vcvt.f32.s32 v21;
	[tilespmem:v11+s20+$0x0] =	vst.idx.add.f32.msk vm8, v2  }
0x23d: {  	v12 =	vnsel vm10, $0xE, v12;
	vm10 =	vlt.s32 v19, $0xE;
	vm13 =	vlt.s32 v13, $0xE;
	[tilespmem:v11+s21+$0x0] =	vst.idx.add.f32.msk vm8, v9  }
0x23e: {  	vm8 =	vlt.s32 v21, $0xE;
	v9 =	vnsel vm13, $0xE, v13;
	v13 =	vnsel vm11, $0xE, v14;
	[tilespmem:v11+s22+$0x0] =	vst.idx.add.f32.msk vm9, v2  }
0x23f: {  	v11 =	vnsel vm12, $0xE, v17;
	v17 =	vnsel vm10, $0xE, v19;
	v19 =	vnsel vm8, $0xE, v21;
	v14 =	vld [tilespmem:s25+$0x10]  }
0x240: {  	vm8 =	veq.s32 v22, v23;
	vm9 =	veq.s32 v15, v24;
	vm10 =	veq.s32 v18, v20;
	v15 =	vld [tilespmem:s26+$0x10]  }
0x241: {  	v12 =	vadd.s32 v1, v12;
	vm11 =	vgt.f32 v10, $0.0e+00;
	v9 =	vadd.s32 v1, v9;
	v18 =	vld [tilespmem:s25+$0x20]  }
0x242: {  	v13 =	vadd.s32 v1, v13;
	v11 =	vadd.s32 v1, v11;
	v17 =	vadd.s32 v1, v17;
	v20 =	vld [tilespmem:s26+$0x20]  }
0x243: {  	vm12 =	vmand vm6, vm7;
	vm8 =	vmand vm5, vm8;
	v19 =	vadd.s32 v1, v19;
	[tilespmem:v4+s20+$0x0] =	vst.idx.add.f32.msk vm0, v2  }
0x244: {  	vm9 =	vmand vm2, vm9;
	vm7 =	vmand vm3, vm10;
	[tilespmem:v4+s21+$0x0] =	vst.idx.add.f32.msk vm0, v3;
	v3 =	vmovc v10;
	vm0 =	vmmov vm11  }
0x245: {  	vm10 =	veq.s32 v14, v15;
	[tilespmem:v4+s22+$0x0] =	vst.idx.add.f32.msk vm1, v2;
	v4 =	vmov v19  }
0x246: {  	[tilespmem:v9+s20+$0x0] =	vst.idx.add.f32.msk vm6, v2;
	vm10 =	vmand vm4, vm10  }
0x247: {  	[tilespmem:v9+s21+$0x0] =	vst.idx.add.f32.msk vm6, v16;
	vm1 =	veq.s32 v18, v20  }
0x248: {  	[tilespmem:v12+s20+$0x0] =	vst.idx.add.f32.msk vm5, v2;
	vm1 =	vmand vm0, vm1  }
0x249: {  	[tilespmem:v9+s22+$0x0] =	vst.idx.add.f32.msk vm12, v2  }
0x24a: {  	[tilespmem:v12+s21+$0x0] =	vst.idx.add.f32.msk vm5, v8  }
0x24b: {  	[tilespmem:v12+s22+$0x0] =	vst.idx.add.f32.msk vm8, v2  }
0x24c: {  	[tilespmem:v13+s20+$0x0] =	vst.idx.add.f32.msk vm2, v2  }
0x24d: {  	[tilespmem:v13+s21+$0x0] =	vst.idx.add.f32.msk vm2, v7  }
0x24e: {  	[tilespmem:v13+s22+$0x0] =	vst.idx.add.f32.msk vm9, v2  }
0x24f: {  	[tilespmem:v11+s20+$0x0] =	vst.idx.add.f32.msk vm3, v2  }
.Ltmp4:
0x250: {  	[tilespmem:v11+s21+$0x0] =	vst.idx.add.f32.msk vm3, v6;
	(pc) =	sbr.rel @p1 .LBB2_10-.Ltmp4, $4  }
0x251: {  	[tilespmem:v11+s22+$0x0] =	vst.idx.add.f32.msk vm7, v2  }
0x252: {  	[tilespmem:v17+s20+$0x0] =	vst.idx.add.f32.msk vm4, v2  }
0x253: {  	[tilespmem:v17+s21+$0x0] =	vst.idx.add.f32.msk vm4, v5  }
0x254: {  	s29 =	sadd.s32 $0x70, s29;
	[tilespmem:v17+s22+$0x0] =	vst.idx.add.f32.msk vm10, v2  }
0x255: {  	_ =	sdelay $0x4  }
0x256: {  	[tilespmem:v4+s20+$0x0] =	vst.idx.add.f32.msk vm0, v2  }
0x257: {  	[tilespmem:v4+s21+$0x0] =	vst.idx.add.f32.msk vm0, v3  }
0x258: {  	[tilespmem:v4+s22+$0x0] =	vst.idx.add.f32.msk vm1, v2  }
0x259: {  	s25 =	rddreg [dreg:$0x15]  }
0x25a: {  	[tilespmem:s1], [sflag:$0x1] =	stream.linear.gather [hbm4b:s25+s1], $0x28B0, $0x38;
	[tilespmem:$0xFD00] =	vst v63  }
0x25b: {  	s26 =	rddreg [dreg:$0x16]  }
0x25c: {  	[tilespmem:s14], [sflag:$0x1] =	stream.linear.gather [hbm4b:s26+s1], $0x28B0, $0x38;
	[tilespmem:$0xFD00] =	vst v63  }
0x25d: {  	s26 =	rddreg [dreg:$0x17]  }
0x25e: {  	[tilespmem:s15], [sflag:$0x1] =	stream.linear.gather [hbm4b:s26+s1], $0x28B0, $0x38;
	[tilespmem:$0xFD00] =	vst v63  }
0x25f: {  	_ =	swait.ge [sflag:s23], $0x28B0  }
0x260: {  	[sflag:s23] =	ssyncset.done $0x0  }
0x261: {  	[sflag:s23] =	ssyncadd.s32 $0xFFFFD750  }
0x262: {  	_ =	swait.ge [sflag:s23], $0x28B0  }
0x263: {  	[sflag:s23] =	ssyncset.done $0x0  }
0x264: {  	[sflag:s23] =	ssyncadd.s32 $0xFFFFD750  }
0x265: {  	_ =	swait.ge [sflag:s23], $0x28B0  }
0x266: {  	[sflag:s23] =	ssyncset.done $0x0  }
0x267: {  	s28 =	simm.s32 $0x2930;
	[sflag:s23] =	ssyncadd.s32 $0xFFFFD750  }
0x268: {  	v4 =	vld [tilespmem:s28+$0x30]  }
0x269: {  	v5 =	vld [tilespmem:s28+$0xFFFFFFE0]  }
0x26a: {  	v6 =	vld [tilespmem:s28+$0xFFFFFFF0]  }
0x26b: {  	v7 =	vld [tilespmem:s28+$0x0]  }
0x26c: {  	s25 =	simm.s32 $0x7B30;
	v8 =	vld [tilespmem:s28+$0x10]  }
0x26d: {  	s26 =	simm.s32 $0xCD30;
	v9 =	vld [tilespmem:s25+$0x30];
	v3 =	vmul.f32 $1.500000000e+01, v4  }
0x26e: {  	v10 =	vld [tilespmem:s26+$0x30]  }
0x26f: {  	v12 =	vld [tilespmem:s28+$0xFFFFFFD0];
	v11 =	vtrunc.f32 v3  }
0x270: {  	v13 =	vld [tilespmem:s25+$0xFFFFFFD0];
	v11 =	vcvt.f32.s32 v11  }
0x271: {  	v14 =	vld [tilespmem:s26+$0xFFFFFFD0]  }
0x272: {  	v15 =	vld [tilespmem:s25+$0xFFFFFFE0];
	vm0 =	vlt.s32 v11, $0xE  }
0x273: {  	v16 =	vld [tilespmem:s26+$0xFFFFFFE0];
	vm1 =	vgt.f32 v4, $0.0e+00;
	v11 =	vnsel vm0, $0xE, v11  }
0x274: {  	v52 =	vld [tilespmem:s25+$0xFFFFFFF0];
	v51 =	vmul.f32 $1.500000000e+01, v12;
	v11 =	vadd.s32 v1, v11  }
0x275: {  	v18 =	vld [tilespmem:s26+$0xFFFFFFF0];
	vm0 =	veq.s32 v9, v10  }
0x276: {  	v19 =	vld [tilespmem:s25+$0x0];
	v17 =	vmul.f32 $1.500000000e+01, v5;
	v9 =	vtrunc.f32 v51;
	vm2 =	vmand vm1, vm0  }
0x277: {  	v20 =	vld [tilespmem:s26+$0x0];
	v9 =	vcvt.f32.s32 v9  }
0x278: {  	v56 =	vld [tilespmem:s25+$0x10];
	v17 =	vtrunc.f32 v17  }
0x279: {  	v21 =	vmul.f32 $1.500000000e+01, v6;
	v17 =	vcvt.f32.s32 v17;
	vm3 =	vlt.s32 v9, $0xE;
	[tilespmem:v11+s20+$0x0] =	vst.idx.add.f32.msk vm1, v2  }
0x27a: {  	vm4 =	vgt.f32 v12, $0.0e+00;
	v53 =	vmul.f32 $1.500000000e+01, v7;
	[tilespmem:v11+s21+$0x0] =	vst.idx.add.f32.msk vm1, v4;
	v4 =	vnsel vm3, $0xE, v9  }
0x27b: {  	v57 =	vld [tilespmem:s26+$0x10];
	v54 =	vtrunc.f32 v21;
	vm1 =	vlt.s32 v17, $0xE;
	v4 =	vadd.s32 v1, v4  }
0x27c: {  	vm0 =	vgt.f32 v5, $0.0e+00;
	[tilespmem:v11+s22+$0x0] =	vst.idx.add.f32.msk vm2, v2;
	vm2 =	veq.s32 v13, v14;
	v55 =	vnsel vm1, $0xE, v17  }
0x27d: {  	v58 =	vld [tilespmem:s25+$0x20];
	v11 =	vcvt.f32.s32 v54;
	v13 =	vadd.s32 v1, v55;
	vm2 =	vmand vm4, vm2  }
0x27e: {  	v59 =	vld [tilespmem:s26+$0x20];
	v60 =	vmul.f32 $1.500000000e+01, v8;
	vm3 =	veq.s32 v15, v16  }
0x27f: {  	v3 =	vld [tilespmem:s28+$0x20];
	v9 =	vtrunc.f32 v53;
	vm3 =	vmand vm0, vm3;
	vm5 =	vlt.s32 v11, $0xE  }
0x280: {  	vm1 =	vgt.f32 v6, $0.0e+00;
	v9 =	vcvt.f32.s32 v9;
	v11 =	vnsel vm5, $0xE, v11;
	[tilespmem:v4+s20+$0x0] =	vst.idx.add.f32.msk vm4, v2  }
0x281: {  	vm13 =	veq.s32 v52, v18;
	v61 =	vadd.s32 v1, v11;
	[tilespmem:v4+s21+$0x0] =	vst.idx.add.f32.msk vm4, v12  }
0x282: {  	v62 =	vtrunc.f32 v60;
	vm14 =	vlt.s32 v9, $0xE;
	vm5 =	vmand vm1, vm13;
	[tilespmem:v13+s20+$0x0] =	vst.idx.add.f32.msk vm0, v2  }
0x283: {  	vm6 =	vgt.f32 v7, $0.0e+00;
	v9 =	vnsel vm14, $0xE, v9;
	v11 =	vcvt.f32.s32 v62;
	[tilespmem:v4+s22+$0x0] =	vst.idx.add.f32.msk vm2, v2  }
0x284: {  	vm2 =	veq.s32 v19, v20;
	v4 =	vadd.s32 v1, v9;
	[tilespmem:v13+s21+$0x0] =	vst.idx.add.f32.msk vm0, v5  }
0x285: {  	vm0 =	vlt.s32 v11, $0xE;
	vm2 =	vmand vm6, vm2;
	[tilespmem:v13+s22+$0x0] =	vst.idx.add.f32.msk vm3, v2  }
0x286: {  	vm3 =	vgt.f32 v8, $0.0e+00;
	v5 =	vnsel vm0, $0xE, v11;
	[tilespmem:v61+s20+$0x0] =	vst.idx.add.f32.msk vm1, v2  }
0x287: {  	v63 =	vmul.f32 $1.500000000e+01, v3;
	vm0 =	veq.s32 v56, v57;
	v5 =	vadd.s32 v1, v5;
	[tilespmem:v61+s21+$0x0] =	vst.idx.add.f32.msk vm1, v6  }
0x288: {  	vm15 =	vmand vm3, vm0;
	[tilespmem:v61+s22+$0x0] =	vst.idx.add.f32.msk vm5, v2  }
0x289: {  	v6 =	vtrunc.f32 v63;
	[tilespmem:v4+s20+$0x0] =	vst.idx.add.f32.msk vm6, v2  }
0x28a: {  	v6 =	vcvt.f32.s32 v6;
	[tilespmem:v4+s21+$0x0] =	vst.idx.add.f32.msk vm6, v7  }
0x28b: {  	[tilespmem:v4+s22+$0x0] =	vst.idx.add.f32.msk vm2, v2  }
0x28c: {  	vm1 =	vgt.f32 v3, $0.0e+00;
	vm0 =	vlt.s32 v6, $0xE;
	[tilespmem:v5+s20+$0x0] =	vst.idx.add.f32.msk vm3, v2  }
0x28d: {  	v4 =	vnsel vm0, $0xE, v6;
	vm0 =	vmmov vm1;
	vm1 =	veq.s32 v58, v59;
	[tilespmem:v5+s21+$0x0] =	vst.idx.add.f32.msk vm3, v8  }
0x28e: {  	s29 =	simm.s32 $0x29A0;
	s28 =	simm.s32 $0x0;
	v4 =	vadd.s32 v1, v4;
	vm1 =	vmand vm0, vm1;
	[tilespmem:v5+s22+$0x0] =	vst.idx.add.f32.msk vm15, v2  }
.LBB2_12:
0x28f: {  	v9 =	vld [tilespmem:s29+$0x30]  }
0x290: {  	v8 =	vld [tilespmem:s29+$0xFFFFFFE0]  }
0x291: {  	s28 =	sadd.s32 $0x7, s28;
	v7 =	vld [tilespmem:s29+$0xFFFFFFF0]  }
0x292: {  	p1 =	slt.u32 s28, $0x284;
	v6 =	vld [tilespmem:s29+$0x0]  }
0x293: {  	v5 =	vld [tilespmem:s29+$0x10]  }
0x294: {  	s25 =	sadd.s32 $0x70, s25;
	v10 =	vld [tilespmem:s29+$0x20];
	v11 =	vmul.f32 $1.500000000e+01, v9  }
0x295: {  	s26 =	sadd.s32 $0x70, s26;
	v12 =	vmul.f32 $1.500000000e+01, v8;
	vm5 =	vgt.f32 v8, $0.0e+00;
	v13 =	vld [tilespmem:s25+$0x30]  }
0x296: {  	v14 =	vmul.f32 $1.500000000e+01, v7;
	vm2 =	vgt.f32 v7, $0.0e+00;
	v15 =	vld [tilespmem:s26+$0x30];
	v11 =	vtrunc.f32 v11  }
0x297: {  	v16 =	vld [tilespmem:s29+$0xFFFFFFD0];
	v17 =	vmul.f32 $1.500000000e+01, v6;
	vm3 =	vgt.f32 v6, $0.0e+00;
	v11 =	vcvt.f32.s32 v11  }
0x298: {  	v12 =	vtrunc.f32 v12;
	v18 =	vld [tilespmem:s25+$0xFFFFFFD0];
	v19 =	vmul.f32 $1.500000000e+01, v5;
	vm4 =	vgt.f32 v5, $0.0e+00  }
0x299: {  	v14 =	vtrunc.f32 v14;
	v20 =	vld [tilespmem:s26+$0xFFFFFFD0];
	v21 =	vmul.f32 $1.500000000e+01, v10;
	vm6 =	vlt.s32 v11, $0xE  }
0x29a: {  	vm8 =	vgt.f32 v9, $0.0e+00;
	v17 =	vtrunc.f32 v17;
	v22 =	vld [tilespmem:s25+$0xFFFFFFE0];
	v11 =	vnsel vm6, $0xE, v11  }
0x29b: {  	v19 =	vtrunc.f32 v19;
	v23 =	vld [tilespmem:s26+$0xFFFFFFE0];
	v11 =	vadd.s32 v1, v11;
	vm6 =	veq.s32 v13, v15  }
0x29c: {  	v21 =	vtrunc.f32 v21;
	v13 =	vmul.f32 $1.500000000e+01, v16;
	v15 =	vld [tilespmem:s25+$0xFFFFFFF0];
	vm9 =	vmand vm8, vm6  }
0x29d: {  	v12 =	vcvt.f32.s32 v12;
	v14 =	vcvt.f32.s32 v14;
	vm6 =	vgt.f32 v16, $0.0e+00;
	v24 =	vld [tilespmem:s26+$0xFFFFFFF0]  }
0x29e: {  	v17 =	vcvt.f32.s32 v17;
	v13 =	vtrunc.f32 v13;
	vm7 =	veq.s32 v18, v20;
	v18 =	vld [tilespmem:s25+$0x0]  }
0x29f: {  	vm10 =	vlt.s32 v12, $0xE;
	v19 =	vcvt.f32.s32 v19;
	v13 =	vcvt.f32.s32 v13;
	v20 =	vld [tilespmem:s26+$0x0]  }
0x2a0: {  	vm11 =	vlt.s32 v14, $0xE;
	vm12 =	vlt.s32 v17, $0xE;
	v21 =	vcvt.f32.s32 v21;
	[tilespmem:v11+s20+$0x0] =	vst.idx.add.f32.msk vm8, v2  }
0x2a1: {  	v12 =	vnsel vm10, $0xE, v12;
	vm10 =	vlt.s32 v19, $0xE;
	vm13 =	vlt.s32 v13, $0xE;
	[tilespmem:v11+s21+$0x0] =	vst.idx.add.f32.msk vm8, v9  }
0x2a2: {  	vm8 =	vlt.s32 v21, $0xE;
	v9 =	vnsel vm13, $0xE, v13;
	v13 =	vnsel vm11, $0xE, v14;
	[tilespmem:v11+s22+$0x0] =	vst.idx.add.f32.msk vm9, v2  }
0x2a3: {  	v11 =	vnsel vm12, $0xE, v17;
	v17 =	vnsel vm10, $0xE, v19;
	v19 =	vnsel vm8, $0xE, v21;
	v14 =	vld [tilespmem:s25+$0x10]  }
0x2a4: {  	vm8 =	veq.s32 v22, v23;
	vm9 =	veq.s32 v15, v24;
	vm10 =	veq.s32 v18, v20;
	v15 =	vld [tilespmem:s26+$0x10]  }
0x2a5: {  	v12 =	vadd.s32 v1, v12;
	vm11 =	vgt.f32 v10, $0.0e+00;
	v9 =	vadd.s32 v1, v9;
	v18 =	vld [tilespmem:s25+$0x20]  }
0x2a6: {  	v13 =	vadd.s32 v1, v13;
	v11 =	vadd.s32 v1, v11;
	v17 =	vadd.s32 v1, v17;
	v20 =	vld [tilespmem:s26+$0x20]  }
0x2a7: {  	vm12 =	vmand vm6, vm7;
	vm8 =	vmand vm5, vm8;
	v19 =	vadd.s32 v1, v19;
	[tilespmem:v4+s20+$0x0] =	vst.idx.add.f32.msk vm0, v2  }
0x2a8: {  	vm9 =	vmand vm2, vm9;
	vm7 =	vmand vm3, vm10;
	[tilespmem:v4+s21+$0x0] =	vst.idx.add.f32.msk vm0, v3;
	v3 =	vmovc v10;
	vm0 =	vmmov vm11  }
0x2a9: {  	vm10 =	veq.s32 v14, v15;
	[tilespmem:v4+s22+$0x0] =	vst.idx.add.f32.msk vm1, v2;
	v4 =	vmov v19  }
0x2aa: {  	[tilespmem:v9+s20+$0x0] =	vst.idx.add.f32.msk vm6, v2;
	vm10 =	vmand vm4, vm10  }
0x2ab: {  	[tilespmem:v9+s21+$0x0] =	vst.idx.add.f32.msk vm6, v16;
	vm1 =	veq.s32 v18, v20  }
0x2ac: {  	[tilespmem:v12+s20+$0x0] =	vst.idx.add.f32.msk vm5, v2;
	vm1 =	vmand vm0, vm1  }
0x2ad: {  	[tilespmem:v9+s22+$0x0] =	vst.idx.add.f32.msk vm12, v2  }
0x2ae: {  	[tilespmem:v12+s21+$0x0] =	vst.idx.add.f32.msk vm5, v8  }
0x2af: {  	[tilespmem:v12+s22+$0x0] =	vst.idx.add.f32.msk vm8, v2  }
0x2b0: {  	[tilespmem:v13+s20+$0x0] =	vst.idx.add.f32.msk vm2, v2  }
0x2b1: {  	[tilespmem:v13+s21+$0x0] =	vst.idx.add.f32.msk vm2, v7  }
0x2b2: {  	[tilespmem:v13+s22+$0x0] =	vst.idx.add.f32.msk vm9, v2  }
0x2b3: {  	[tilespmem:v11+s20+$0x0] =	vst.idx.add.f32.msk vm3, v2  }
.Ltmp5:
0x2b4: {  	[tilespmem:v11+s21+$0x0] =	vst.idx.add.f32.msk vm3, v6;
	(pc) =	sbr.rel @p1 .LBB2_12-.Ltmp5, $4  }
0x2b5: {  	[tilespmem:v11+s22+$0x0] =	vst.idx.add.f32.msk vm7, v2  }
0x2b6: {  	[tilespmem:v17+s20+$0x0] =	vst.idx.add.f32.msk vm4, v2  }
0x2b7: {  	[tilespmem:v17+s21+$0x0] =	vst.idx.add.f32.msk vm4, v5  }
0x2b8: {  	s29 =	sadd.s32 $0x70, s29;
	[tilespmem:v17+s22+$0x0] =	vst.idx.add.f32.msk vm10, v2  }
0x2b9: {  	_ =	sdelay $0x4  }
0x2ba: {  	[tilespmem:v4+s20+$0x0] =	vst.idx.add.f32.msk vm0, v2  }
0x2bb: {  	[tilespmem:v4+s21+$0x0] =	vst.idx.add.f32.msk vm0, v3  }
0x2bc: {  	[tilespmem:v4+s22+$0x0] =	vst.idx.add.f32.msk vm1, v2  }
0x2bd: {  	s25 =	rddreg [dreg:$0x18]  }
0x2be: {  	[tilespmem:s16], [sflag:$0x2] =	stream.linear.gather [hbm4b:s25+s1], $0x28B0, $0x38;
	[tilespmem:$0xFD00] =	vst v63  }
0x2bf: {  	s26 =	rddreg [dreg:$0x19]  }
0x2c0: {  	[tilespmem:s17], [sflag:$0x2] =	stream.linear.gather [hbm4b:s26+s1], $0x28B0, $0x38;
	[tilespmem:$0xFD00] =	vst v63  }
0x2c1: {  	s26 =	rddreg [dreg:$0x1a]  }
0x2c2: {  	[tilespmem:s18], [sflag:$0x2] =	stream.linear.gather [hbm4b:s26+s1], $0x28B0, $0x38;
	[tilespmem:$0xFD00] =	vst v63  }
0x2c3: {  	_ =	swait.ge [sflag:s19], $0x28B0  }
0x2c4: {  	[sflag:s19] =	ssyncset.done $0x0  }
0x2c5: {  	[sflag:s19] =	ssyncadd.s32 $0xFFFFD750  }
0x2c6: {  	_ =	swait.ge [sflag:s19], $0x28B0  }
0x2c7: {  	[sflag:s19] =	ssyncset.done $0x0  }
0x2c8: {  	[sflag:s19] =	ssyncadd.s32 $0xFFFFD750  }
0x2c9: {  	_ =	swait.ge [sflag:s19], $0x28B0  }
0x2ca: {  	[sflag:s19] =	ssyncset.done $0x0  }
0x2cb: {  	s28 =	simm.s32 $0x30;
	[sflag:s19] =	ssyncadd.s32 $0xFFFFD750  }
0x2cc: {  	v4 =	vld [tilespmem:s28+$0x30]  }
0x2cd: {  	v5 =	vld [tilespmem:s28+$0xFFFFFFE0]  }
0x2ce: {  	v6 =	vld [tilespmem:s28+$0xFFFFFFF0]  }
0x2cf: {  	v7 =	vld [tilespmem:s28+$0x0]  }
0x2d0: {  	s25 =	simm.s32 $0x5230;
	v8 =	vld [tilespmem:s28+$0x10]  }
0x2d1: {  	s26 =	simm.s32 $0xA430;
	v9 =	vld [tilespmem:s25+$0x30];
	v3 =	vmul.f32 $1.500000000e+01, v4  }
0x2d2: {  	v10 =	vld [tilespmem:s26+$0x30]  }
0x2d3: {  	v12 =	vld [tilespmem:s28+$0xFFFFFFD0];
	v11 =	vtrunc.f32 v3  }
0x2d4: {  	v13 =	vld [tilespmem:s25+$0xFFFFFFD0];
	v11 =	vcvt.f32.s32 v11  }
0x2d5: {  	v14 =	vld [tilespmem:s26+$0xFFFFFFD0]  }
0x2d6: {  	v15 =	vld [tilespmem:s25+$0xFFFFFFE0];
	vm0 =	vlt.s32 v11, $0xE  }
0x2d7: {  	v16 =	vld [tilespmem:s26+$0xFFFFFFE0];
	vm1 =	vgt.f32 v4, $0.0e+00;
	v11 =	vnsel vm0, $0xE, v11  }
0x2d8: {  	v52 =	vld [tilespmem:s25+$0xFFFFFFF0];
	v51 =	vmul.f32 $1.500000000e+01, v12;
	v11 =	vadd.s32 v1, v11  }
0x2d9: {  	v18 =	vld [tilespmem:s26+$0xFFFFFFF0];
	vm0 =	veq.s32 v9, v10  }
0x2da: {  	v19 =	vld [tilespmem:s25+$0x0];
	v17 =	vmul.f32 $1.500000000e+01, v5;
	v9 =	vtrunc.f32 v51;
	vm2 =	vmand vm1, vm0  }
0x2db: {  	v20 =	vld [tilespmem:s26+$0x0];
	v9 =	vcvt.f32.s32 v9  }
0x2dc: {  	v56 =	vld [tilespmem:s25+$0x10];
	v17 =	vtrunc.f32 v17  }
0x2dd: {  	v21 =	vmul.f32 $1.500000000e+01, v6;
	v17 =	vcvt.f32.s32 v17;
	vm3 =	vlt.s32 v9, $0xE;
	[tilespmem:v11+s20+$0x0] =	vst.idx.add.f32.msk vm1, v2  }
0x2de: {  	vm4 =	vgt.f32 v12, $0.0e+00;
	v53 =	vmul.f32 $1.500000000e+01, v7;
	[tilespmem:v11+s21+$0x0] =	vst.idx.add.f32.msk vm1, v4;
	v4 =	vnsel vm3, $0xE, v9  }
0x2df: {  	v57 =	vld [tilespmem:s26+$0x10];
	v54 =	vtrunc.f32 v21;
	vm1 =	vlt.s32 v17, $0xE;
	v4 =	vadd.s32 v1, v4  }
0x2e0: {  	vm0 =	vgt.f32 v5, $0.0e+00;
	[tilespmem:v11+s22+$0x0] =	vst.idx.add.f32.msk vm2, v2;
	vm2 =	veq.s32 v13, v14;
	v55 =	vnsel vm1, $0xE, v17  }
0x2e1: {  	v58 =	vld [tilespmem:s25+$0x20];
	v11 =	vcvt.f32.s32 v54;
	v13 =	vadd.s32 v1, v55;
	vm2 =	vmand vm4, vm2  }
0x2e2: {  	v59 =	vld [tilespmem:s26+$0x20];
	v60 =	vmul.f32 $1.500000000e+01, v8;
	vm3 =	veq.s32 v15, v16  }
0x2e3: {  	v3 =	vld [tilespmem:s28+$0x20];
	v9 =	vtrunc.f32 v53;
	vm3 =	vmand vm0, vm3;
	vm5 =	vlt.s32 v11, $0xE  }
0x2e4: {  	vm1 =	vgt.f32 v6, $0.0e+00;
	v9 =	vcvt.f32.s32 v9;
	v11 =	vnsel vm5, $0xE, v11;
	[tilespmem:v4+s20+$0x0] =	vst.idx.add.f32.msk vm4, v2  }
0x2e5: {  	vm13 =	veq.s32 v52, v18;
	v61 =	vadd.s32 v1, v11;
	[tilespmem:v4+s21+$0x0] =	vst.idx.add.f32.msk vm4, v12  }
0x2e6: {  	v62 =	vtrunc.f32 v60;
	vm14 =	vlt.s32 v9, $0xE;
	vm5 =	vmand vm1, vm13;
	[tilespmem:v13+s20+$0x0] =	vst.idx.add.f32.msk vm0, v2  }
0x2e7: {  	vm6 =	vgt.f32 v7, $0.0e+00;
	v9 =	vnsel vm14, $0xE, v9;
	v11 =	vcvt.f32.s32 v62;
	[tilespmem:v4+s22+$0x0] =	vst.idx.add.f32.msk vm2, v2  }
0x2e8: {  	vm2 =	veq.s32 v19, v20;
	v4 =	vadd.s32 v1, v9;
	[tilespmem:v13+s21+$0x0] =	vst.idx.add.f32.msk vm0, v5  }
0x2e9: {  	vm0 =	vlt.s32 v11, $0xE;
	vm2 =	vmand vm6, vm2;
	[tilespmem:v13+s22+$0x0] =	vst.idx.add.f32.msk vm3, v2  }
0x2ea: {  	vm3 =	vgt.f32 v8, $0.0e+00;
	v5 =	vnsel vm0, $0xE, v11;
	[tilespmem:v61+s20+$0x0] =	vst.idx.add.f32.msk vm1, v2  }
0x2eb: {  	v63 =	vmul.f32 $1.500000000e+01, v3;
	vm0 =	veq.s32 v56, v57;
	v5 =	vadd.s32 v1, v5;
	[tilespmem:v61+s21+$0x0] =	vst.idx.add.f32.msk vm1, v6  }
0x2ec: {  	vm15 =	vmand vm3, vm0;
	[tilespmem:v61+s22+$0x0] =	vst.idx.add.f32.msk vm5, v2  }
0x2ed: {  	v6 =	vtrunc.f32 v63;
	[tilespmem:v4+s20+$0x0] =	vst.idx.add.f32.msk vm6, v2  }
0x2ee: {  	v6 =	vcvt.f32.s32 v6;
	[tilespmem:v4+s21+$0x0] =	vst.idx.add.f32.msk vm6, v7  }
0x2ef: {  	[tilespmem:v4+s22+$0x0] =	vst.idx.add.f32.msk vm2, v2  }
0x2f0: {  	vm1 =	vgt.f32 v3, $0.0e+00;
	vm0 =	vlt.s32 v6, $0xE;
	[tilespmem:v5+s20+$0x0] =	vst.idx.add.f32.msk vm3, v2  }
0x2f1: {  	v4 =	vnsel vm0, $0xE, v6;
	vm0 =	vmmov vm1;
	vm1 =	veq.s32 v58, v59;
	[tilespmem:v5+s21+$0x0] =	vst.idx.add.f32.msk vm3, v8  }
0x2f2: {  	s29 =	simm.s32 $0xA0;
	s28 =	simm.s32 $0x0;
	v4 =	vadd.s32 v1, v4;
	vm1 =	vmand vm0, vm1;
	[tilespmem:v5+s22+$0x0] =	vst.idx.add.f32.msk vm15, v2  }
.LBB2_14:
0x2f3: {  	v9 =	vld [tilespmem:s29+$0x30]  }
0x2f4: {  	v8 =	vld [tilespmem:s29+$0xFFFFFFE0]  }
0x2f5: {  	s28 =	sadd.s32 $0x7, s28;
	v7 =	vld [tilespmem:s29+$0xFFFFFFF0]  }
0x2f6: {  	p1 =	slt.u32 s28, $0x284;
	v6 =	vld [tilespmem:s29+$0x0]  }
0x2f7: {  	v5 =	vld [tilespmem:s29+$0x10]  }
0x2f8: {  	s25 =	sadd.s32 $0x70, s25;
	v10 =	vld [tilespmem:s29+$0x20];
	v11 =	vmul.f32 $1.500000000e+01, v9  }
0x2f9: {  	s26 =	sadd.s32 $0x70, s26;
	v12 =	vmul.f32 $1.500000000e+01, v8;
	vm5 =	vgt.f32 v8, $0.0e+00;
	v13 =	vld [tilespmem:s25+$0x30]  }
0x2fa: {  	v14 =	vmul.f32 $1.500000000e+01, v7;
	vm2 =	vgt.f32 v7, $0.0e+00;
	v15 =	vld [tilespmem:s26+$0x30];
	v11 =	vtrunc.f32 v11  }
0x2fb: {  	v16 =	vld [tilespmem:s29+$0xFFFFFFD0];
	v17 =	vmul.f32 $1.500000000e+01, v6;
	vm3 =	vgt.f32 v6, $0.0e+00;
	v11 =	vcvt.f32.s32 v11  }
0x2fc: {  	v12 =	vtrunc.f32 v12;
	v18 =	vld [tilespmem:s25+$0xFFFFFFD0];
	v19 =	vmul.f32 $1.500000000e+01, v5;
	vm4 =	vgt.f32 v5, $0.0e+00  }
0x2fd: {  	v14 =	vtrunc.f32 v14;
	v20 =	vld [tilespmem:s26+$0xFFFFFFD0];
	v21 =	vmul.f32 $1.500000000e+01, v10;
	vm6 =	vlt.s32 v11, $0xE  }
0x2fe: {  	vm8 =	vgt.f32 v9, $0.0e+00;
	v17 =	vtrunc.f32 v17;
	v22 =	vld [tilespmem:s25+$0xFFFFFFE0];
	v11 =	vnsel vm6, $0xE, v11  }
0x2ff: {  	v19 =	vtrunc.f32 v19;
	v23 =	vld [tilespmem:s26+$0xFFFFFFE0];
	v11 =	vadd.s32 v1, v11;
	vm6 =	veq.s32 v13, v15  }
0x300: {  	v21 =	vtrunc.f32 v21;
	v13 =	vmul.f32 $1.500000000e+01, v16;
	v15 =	vld [tilespmem:s25+$0xFFFFFFF0];
	vm9 =	vmand vm8, vm6  }
0x301: {  	v12 =	vcvt.f32.s32 v12;
	v14 =	vcvt.f32.s32 v14;
	vm6 =	vgt.f32 v16, $0.0e+00;
	v24 =	vld [tilespmem:s26+$0xFFFFFFF0]  }
0x302: {  	v17 =	vcvt.f32.s32 v17;
	v13 =	vtrunc.f32 v13;
	vm7 =	veq.s32 v18, v20;
	v18 =	vld [tilespmem:s25+$0x0]  }
0x303: {  	vm10 =	vlt.s32 v12, $0xE;
	v19 =	vcvt.f32.s32 v19;
	v13 =	vcvt.f32.s32 v13;
	v20 =	vld [tilespmem:s26+$0x0]  }
0x304: {  	vm11 =	vlt.s32 v14, $0xE;
	vm12 =	vlt.s32 v17, $0xE;
	v21 =	vcvt.f32.s32 v21;
	[tilespmem:v11+s20+$0x0] =	vst.idx.add.f32.msk vm8, v2  }
0x305: {  	v12 =	vnsel vm10, $0xE, v12;
	vm10 =	vlt.s32 v19, $0xE;
	vm13 =	vlt.s32 v13, $0xE;
	[tilespmem:v11+s21+$0x0] =	vst.idx.add.f32.msk vm8, v9  }
0x306: {  	vm8 =	vlt.s32 v21, $0xE;
	v9 =	vnsel vm13, $0xE, v13;
	v13 =	vnsel vm11, $0xE, v14;
	[tilespmem:v11+s22+$0x0] =	vst.idx.add.f32.msk vm9, v2  }
0x307: {  	v11 =	vnsel vm12, $0xE, v17;
	v17 =	vnsel vm10, $0xE, v19;
	v19 =	vnsel vm8, $0xE, v21;
	v14 =	vld [tilespmem:s25+$0x10]  }
0x308: {  	vm8 =	veq.s32 v22, v23;
	vm9 =	veq.s32 v15, v24;
	vm10 =	veq.s32 v18, v20;
	v15 =	vld [tilespmem:s26+$0x10]  }
0x309: {  	v12 =	vadd.s32 v1, v12;
	vm11 =	vgt.f32 v10, $0.0e+00;
	v9 =	vadd.s32 v1, v9;
	v18 =	vld [tilespmem:s25+$0x20]  }
0x30a: {  	v13 =	vadd.s32 v1, v13;
	v11 =	vadd.s32 v1, v11;
	v17 =	vadd.s32 v1, v17;
	v20 =	vld [tilespmem:s26+$0x20]  }
0x30b: {  	vm12 =	vmand vm6, vm7;
	vm8 =	vmand vm5, vm8;
	v19 =	vadd.s32 v1, v19;
	[tilespmem:v4+s20+$0x0] =	vst.idx.add.f32.msk vm0, v2  }
0x30c: {  	vm9 =	vmand vm2, vm9;
	vm7 =	vmand vm3, vm10;
	[tilespmem:v4+s21+$0x0] =	vst.idx.add.f32.msk vm0, v3;
	v3 =	vmovc v10;
	vm0 =	vmmov vm11  }
0x30d: {  	vm10 =	veq.s32 v14, v15;
	[tilespmem:v4+s22+$0x0] =	vst.idx.add.f32.msk vm1, v2;
	v4 =	vmov v19  }
0x30e: {  	[tilespmem:v9+s20+$0x0] =	vst.idx.add.f32.msk vm6, v2;
	vm10 =	vmand vm4, vm10  }
0x30f: {  	[tilespmem:v9+s21+$0x0] =	vst.idx.add.f32.msk vm6, v16;
	vm1 =	veq.s32 v18, v20  }
0x310: {  	[tilespmem:v12+s20+$0x0] =	vst.idx.add.f32.msk vm5, v2;
	vm1 =	vmand vm0, vm1  }
0x311: {  	[tilespmem:v9+s22+$0x0] =	vst.idx.add.f32.msk vm12, v2  }
0x312: {  	[tilespmem:v12+s21+$0x0] =	vst.idx.add.f32.msk vm5, v8  }
0x313: {  	[tilespmem:v12+s22+$0x0] =	vst.idx.add.f32.msk vm8, v2  }
0x314: {  	[tilespmem:v13+s20+$0x0] =	vst.idx.add.f32.msk vm2, v2  }
0x315: {  	[tilespmem:v13+s21+$0x0] =	vst.idx.add.f32.msk vm2, v7  }
0x316: {  	[tilespmem:v13+s22+$0x0] =	vst.idx.add.f32.msk vm9, v2  }
0x317: {  	[tilespmem:v11+s20+$0x0] =	vst.idx.add.f32.msk vm3, v2  }
.Ltmp6:
0x318: {  	[tilespmem:v11+s21+$0x0] =	vst.idx.add.f32.msk vm3, v6;
	(pc) =	sbr.rel @p1 .LBB2_14-.Ltmp6, $4  }
0x319: {  	[tilespmem:v11+s22+$0x0] =	vst.idx.add.f32.msk vm7, v2  }
0x31a: {  	[tilespmem:v17+s20+$0x0] =	vst.idx.add.f32.msk vm4, v2  }
0x31b: {  	[tilespmem:v17+s21+$0x0] =	vst.idx.add.f32.msk vm4, v5  }
0x31c: {  	s29 =	sadd.s32 $0x70, s29;
	[tilespmem:v17+s22+$0x0] =	vst.idx.add.f32.msk vm10, v2  }
0x31d: {  	_ =	sdelay $0x4  }
0x31e: {  	[tilespmem:v4+s20+$0x0] =	vst.idx.add.f32.msk vm0, v2  }
0x31f: {  	[tilespmem:v4+s21+$0x0] =	vst.idx.add.f32.msk vm0, v3  }
0x320: {  	[tilespmem:v4+s22+$0x0] =	vst.idx.add.f32.msk vm1, v2  }
0x321: {  	s25 =	rddreg [dreg:$0x1b]  }
0x322: {  	[tilespmem:s1], [sflag:$0x1] =	stream.linear.gather [hbm4b:s25+s1], $0x28B0, $0x38;
	[tilespmem:$0xFD00] =	vst v63  }
0x323: {  	s26 =	rddreg [dreg:$0x1c]  }
0x324: {  	[tilespmem:s14], [sflag:$0x1] =	stream.linear.gather [hbm4b:s26+s1], $0x28B0, $0x38;
	[tilespmem:$0xFD00] =	vst v63  }
0x325: {  	s26 =	rddreg [dreg:$0x1d]  }
0x326: {  	[tilespmem:s15], [sflag:$0x1] =	stream.linear.gather [hbm4b:s26+s1], $0x28B0, $0x38;
	[tilespmem:$0xFD00] =	vst v63  }
0x327: {  	_ =	swait.ge [sflag:s23], $0x28B0  }
0x328: {  	[sflag:s23] =	ssyncset.done $0x0  }
0x329: {  	[sflag:s23] =	ssyncadd.s32 $0xFFFFD750  }
0x32a: {  	_ =	swait.ge [sflag:s23], $0x28B0  }
0x32b: {  	[sflag:s23] =	ssyncset.done $0x0  }
0x32c: {  	[sflag:s23] =	ssyncadd.s32 $0xFFFFD750  }
0x32d: {  	_ =	swait.ge [sflag:s23], $0x28B0  }
0x32e: {  	[sflag:s23] =	ssyncset.done $0x0  }
0x32f: {  	s28 =	simm.s32 $0x2930;
	[sflag:s23] =	ssyncadd.s32 $0xFFFFD750  }
0x330: {  	v4 =	vld [tilespmem:s28+$0x30]  }
0x331: {  	v5 =	vld [tilespmem:s28+$0xFFFFFFE0]  }
0x332: {  	v6 =	vld [tilespmem:s28+$0xFFFFFFF0]  }
0x333: {  	v7 =	vld [tilespmem:s28+$0x0]  }
0x334: {  	s25 =	simm.s32 $0x7B30;
	v8 =	vld [tilespmem:s28+$0x10]  }
0x335: {  	s26 =	simm.s32 $0xCD30;
	v9 =	vld [tilespmem:s25+$0x30];
	v3 =	vmul.f32 $1.500000000e+01, v4  }
0x336: {  	v10 =	vld [tilespmem:s26+$0x30]  }
0x337: {  	v12 =	vld [tilespmem:s28+$0xFFFFFFD0];
	v11 =	vtrunc.f32 v3  }
0x338: {  	v13 =	vld [tilespmem:s25+$0xFFFFFFD0];
	v11 =	vcvt.f32.s32 v11  }
0x339: {  	v14 =	vld [tilespmem:s26+$0xFFFFFFD0]  }
0x33a: {  	v15 =	vld [tilespmem:s25+$0xFFFFFFE0];
	vm0 =	vlt.s32 v11, $0xE  }
0x33b: {  	v16 =	vld [tilespmem:s26+$0xFFFFFFE0];
	vm1 =	vgt.f32 v4, $0.0e+00;
	v11 =	vnsel vm0, $0xE, v11  }
0x33c: {  	v52 =	vld [tilespmem:s25+$0xFFFFFFF0];
	v51 =	vmul.f32 $1.500000000e+01, v12;
	v11 =	vadd.s32 v1, v11  }
0x33d: {  	v18 =	vld [tilespmem:s26+$0xFFFFFFF0];
	vm0 =	veq.s32 v9, v10  }
0x33e: {  	v19 =	vld [tilespmem:s25+$0x0];
	v17 =	vmul.f32 $1.500000000e+01, v5;
	v9 =	vtrunc.f32 v51;
	vm2 =	vmand vm1, vm0  }
0x33f: {  	v20 =	vld [tilespmem:s26+$0x0];
	v9 =	vcvt.f32.s32 v9  }
0x340: {  	v56 =	vld [tilespmem:s25+$0x10];
	v17 =	vtrunc.f32 v17  }
0x341: {  	v21 =	vmul.f32 $1.500000000e+01, v6;
	v17 =	vcvt.f32.s32 v17;
	vm3 =	vlt.s32 v9, $0xE;
	[tilespmem:v11+s20+$0x0] =	vst.idx.add.f32.msk vm1, v2  }
0x342: {  	vm4 =	vgt.f32 v12, $0.0e+00;
	v53 =	vmul.f32 $1.500000000e+01, v7;
	[tilespmem:v11+s21+$0x0] =	vst.idx.add.f32.msk vm1, v4;
	v4 =	vnsel vm3, $0xE, v9  }
0x343: {  	v57 =	vld [tilespmem:s26+$0x10];
	v54 =	vtrunc.f32 v21;
	vm1 =	vlt.s32 v17, $0xE;
	v4 =	vadd.s32 v1, v4  }
0x344: {  	vm0 =	vgt.f32 v5, $0.0e+00;
	[tilespmem:v11+s22+$0x0] =	vst.idx.add.f32.msk vm2, v2;
	vm2 =	veq.s32 v13, v14;
	v55 =	vnsel vm1, $0xE, v17  }
0x345: {  	v58 =	vld [tilespmem:s25+$0x20];
	v11 =	vcvt.f32.s32 v54;
	v13 =	vadd.s32 v1, v55;
	vm2 =	vmand vm4, vm2  }
0x346: {  	v59 =	vld [tilespmem:s26+$0x20];
	v60 =	vmul.f32 $1.500000000e+01, v8;
	vm3 =	veq.s32 v15, v16  }
0x347: {  	v3 =	vld [tilespmem:s28+$0x20];
	v9 =	vtrunc.f32 v53;
	vm3 =	vmand vm0, vm3;
	vm5 =	vlt.s32 v11, $0xE  }
0x348: {  	vm1 =	vgt.f32 v6, $0.0e+00;
	v9 =	vcvt.f32.s32 v9;
	v11 =	vnsel vm5, $0xE, v11;
	[tilespmem:v4+s20+$0x0] =	vst.idx.add.f32.msk vm4, v2  }
0x349: {  	vm13 =	veq.s32 v52, v18;
	v61 =	vadd.s32 v1, v11;
	[tilespmem:v4+s21+$0x0] =	vst.idx.add.f32.msk vm4, v12  }
0x34a: {  	v62 =	vtrunc.f32 v60;
	vm14 =	vlt.s32 v9, $0xE;
	vm5 =	vmand vm1, vm13;
	[tilespmem:v13+s20+$0x0] =	vst.idx.add.f32.msk vm0, v2  }
0x34b: {  	vm6 =	vgt.f32 v7, $0.0e+00;
	v9 =	vnsel vm14, $0xE, v9;
	v11 =	vcvt.f32.s32 v62;
	[tilespmem:v4+s22+$0x0] =	vst.idx.add.f32.msk vm2, v2  }
0x34c: {  	vm2 =	veq.s32 v19, v20;
	v4 =	vadd.s32 v1, v9;
	[tilespmem:v13+s21+$0x0] =	vst.idx.add.f32.msk vm0, v5  }
0x34d: {  	vm0 =	vlt.s32 v11, $0xE;
	vm2 =	vmand vm6, vm2;
	[tilespmem:v13+s22+$0x0] =	vst.idx.add.f32.msk vm3, v2  }
0x34e: {  	vm3 =	vgt.f32 v8, $0.0e+00;
	v5 =	vnsel vm0, $0xE, v11;
	[tilespmem:v61+s20+$0x0] =	vst.idx.add.f32.msk vm1, v2  }
0x34f: {  	v63 =	vmul.f32 $1.500000000e+01, v3;
	vm0 =	veq.s32 v56, v57;
	v5 =	vadd.s32 v1, v5;
	[tilespmem:v61+s21+$0x0] =	vst.idx.add.f32.msk vm1, v6  }
0x350: {  	vm15 =	vmand vm3, vm0;
	[tilespmem:v61+s22+$0x0] =	vst.idx.add.f32.msk vm5, v2  }
0x351: {  	v6 =	vtrunc.f32 v63;
	[tilespmem:v4+s20+$0x0] =	vst.idx.add.f32.msk vm6, v2  }
0x352: {  	v6 =	vcvt.f32.s32 v6;
	[tilespmem:v4+s21+$0x0] =	vst.idx.add.f32.msk vm6, v7  }
0x353: {  	[tilespmem:v4+s22+$0x0] =	vst.idx.add.f32.msk vm2, v2  }
0x354: {  	vm1 =	vgt.f32 v3, $0.0e+00;
	vm0 =	vlt.s32 v6, $0xE;
	[tilespmem:v5+s20+$0x0] =	vst.idx.add.f32.msk vm3, v2  }
0x355: {  	v4 =	vnsel vm0, $0xE, v6;
	vm0 =	vmmov vm1;
	vm1 =	veq.s32 v58, v59;
	[tilespmem:v5+s21+$0x0] =	vst.idx.add.f32.msk vm3, v8  }
0x356: {  	s29 =	simm.s32 $0x29A0;
	s28 =	simm.s32 $0x0;
	v4 =	vadd.s32 v1, v4;
	vm1 =	vmand vm0, vm1;
	[tilespmem:v5+s22+$0x0] =	vst.idx.add.f32.msk vm15, v2  }
.LBB2_16:
0x357: {  	v9 =	vld [tilespmem:s29+$0x30]  }
0x358: {  	v8 =	vld [tilespmem:s29+$0xFFFFFFE0]  }
0x359: {  	s28 =	sadd.s32 $0x7, s28;
	v7 =	vld [tilespmem:s29+$0xFFFFFFF0]  }
0x35a: {  	p1 =	slt.u32 s28, $0x284;
	v6 =	vld [tilespmem:s29+$0x0]  }
0x35b: {  	v5 =	vld [tilespmem:s29+$0x10]  }
0x35c: {  	s25 =	sadd.s32 $0x70, s25;
	v10 =	vld [tilespmem:s29+$0x20];
	v11 =	vmul.f32 $1.500000000e+01, v9  }
0x35d: {  	s26 =	sadd.s32 $0x70, s26;
	v12 =	vmul.f32 $1.500000000e+01, v8;
	vm5 =	vgt.f32 v8, $0.0e+00;
	v13 =	vld [tilespmem:s25+$0x30]  }
0x35e: {  	v14 =	vmul.f32 $1.500000000e+01, v7;
	vm2 =	vgt.f32 v7, $0.0e+00;
	v15 =	vld [tilespmem:s26+$0x30];
	v11 =	vtrunc.f32 v11  }
0x35f: {  	v16 =	vld [tilespmem:s29+$0xFFFFFFD0];
	v17 =	vmul.f32 $1.500000000e+01, v6;
	vm3 =	vgt.f32 v6, $0.0e+00;
	v11 =	vcvt.f32.s32 v11  }
0x360: {  	v12 =	vtrunc.f32 v12;
	v18 =	vld [tilespmem:s25+$0xFFFFFFD0];
	v19 =	vmul.f32 $1.500000000e+01, v5;
	vm4 =	vgt.f32 v5, $0.0e+00  }
0x361: {  	v14 =	vtrunc.f32 v14;
	v20 =	vld [tilespmem:s26+$0xFFFFFFD0];
	v21 =	vmul.f32 $1.500000000e+01, v10;
	vm6 =	vlt.s32 v11, $0xE  }
0x362: {  	vm8 =	vgt.f32 v9, $0.0e+00;
	v17 =	vtrunc.f32 v17;
	v22 =	vld [tilespmem:s25+$0xFFFFFFE0];
	v11 =	vnsel vm6, $0xE, v11  }
0x363: {  	v19 =	vtrunc.f32 v19;
	v23 =	vld [tilespmem:s26+$0xFFFFFFE0];
	v11 =	vadd.s32 v1, v11;
	vm6 =	veq.s32 v13, v15  }
0x364: {  	v21 =	vtrunc.f32 v21;
	v13 =	vmul.f32 $1.500000000e+01, v16;
	v15 =	vld [tilespmem:s25+$0xFFFFFFF0];
	vm9 =	vmand vm8, vm6  }
0x365: {  	v12 =	vcvt.f32.s32 v12;
	v14 =	vcvt.f32.s32 v14;
	vm6 =	vgt.f32 v16, $0.0e+00;
	v24 =	vld [tilespmem:s26+$0xFFFFFFF0]  }
0x366: {  	v17 =	vcvt.f32.s32 v17;
	v13 =	vtrunc.f32 v13;
	vm7 =	veq.s32 v18, v20;
	v18 =	vld [tilespmem:s25+$0x0]  }
0x367: {  	vm10 =	vlt.s32 v12, $0xE;
	v19 =	vcvt.f32.s32 v19;
	v13 =	vcvt.f32.s32 v13;
	v20 =	vld [tilespmem:s26+$0x0]  }
0x368: {  	vm11 =	vlt.s32 v14, $0xE;
	vm12 =	vlt.s32 v17, $0xE;
	v21 =	vcvt.f32.s32 v21;
	[tilespmem:v11+s20+$0x0] =	vst.idx.add.f32.msk vm8, v2  }
0x369: {  	v12 =	vnsel vm10, $0xE, v12;
	vm10 =	vlt.s32 v19, $0xE;
	vm13 =	vlt.s32 v13, $0xE;
	[tilespmem:v11+s21+$0x0] =	vst.idx.add.f32.msk vm8, v9  }
0x36a: {  	vm8 =	vlt.s32 v21, $0xE;
	v9 =	vnsel vm13, $0xE, v13;
	v13 =	vnsel vm11, $0xE, v14;
	[tilespmem:v11+s22+$0x0] =	vst.idx.add.f32.msk vm9, v2  }
0x36b: {  	v11 =	vnsel vm12, $0xE, v17;
	v17 =	vnsel vm10, $0xE, v19;
	v19 =	vnsel vm8, $0xE, v21;
	v14 =	vld [tilespmem:s25+$0x10]  }
0x36c: {  	vm8 =	veq.s32 v22, v23;
	vm9 =	veq.s32 v15, v24;
	vm10 =	veq.s32 v18, v20;
	v15 =	vld [tilespmem:s26+$0x10]  }
0x36d: {  	v12 =	vadd.s32 v1, v12;
	vm11 =	vgt.f32 v10, $0.0e+00;
	v9 =	vadd.s32 v1, v9;
	v18 =	vld [tilespmem:s25+$0x20]  }
0x36e: {  	v13 =	vadd.s32 v1, v13;
	v11 =	vadd.s32 v1, v11;
	v17 =	vadd.s32 v1, v17;
	v20 =	vld [tilespmem:s26+$0x20]  }
0x36f: {  	vm12 =	vmand vm6, vm7;
	vm8 =	vmand vm5, vm8;
	v19 =	vadd.s32 v1, v19;
	[tilespmem:v4+s20+$0x0] =	vst.idx.add.f32.msk vm0, v2  }
0x370: {  	vm9 =	vmand vm2, vm9;
	vm7 =	vmand vm3, vm10;
	[tilespmem:v4+s21+$0x0] =	vst.idx.add.f32.msk vm0, v3;
	v3 =	vmovc v10;
	vm0 =	vmmov vm11  }
0x371: {  	vm10 =	veq.s32 v14, v15;
	[tilespmem:v4+s22+$0x0] =	vst.idx.add.f32.msk vm1, v2;
	v4 =	vmov v19  }
0x372: {  	[tilespmem:v9+s20+$0x0] =	vst.idx.add.f32.msk vm6, v2;
	vm10 =	vmand vm4, vm10  }
0x373: {  	[tilespmem:v9+s21+$0x0] =	vst.idx.add.f32.msk vm6, v16;
	vm1 =	veq.s32 v18, v20  }
0x374: {  	[tilespmem:v12+s20+$0x0] =	vst.idx.add.f32.msk vm5, v2;
	vm1 =	vmand vm0, vm1  }
0x375: {  	[tilespmem:v9+s22+$0x0] =	vst.idx.add.f32.msk vm12, v2  }
0x376: {  	[tilespmem:v12+s21+$0x0] =	vst.idx.add.f32.msk vm5, v8  }
0x377: {  	[tilespmem:v12+s22+$0x0] =	vst.idx.add.f32.msk vm8, v2  }
0x378: {  	[tilespmem:v13+s20+$0x0] =	vst.idx.add.f32.msk vm2, v2  }
0x379: {  	[tilespmem:v13+s21+$0x0] =	vst.idx.add.f32.msk vm2, v7  }
0x37a: {  	[tilespmem:v13+s22+$0x0] =	vst.idx.add.f32.msk vm9, v2  }
0x37b: {  	[tilespmem:v11+s20+$0x0] =	vst.idx.add.f32.msk vm3, v2  }
.Ltmp7:
0x37c: {  	[tilespmem:v11+s21+$0x0] =	vst.idx.add.f32.msk vm3, v6;
	(pc) =	sbr.rel @p1 .LBB2_16-.Ltmp7, $4  }
0x37d: {  	[tilespmem:v11+s22+$0x0] =	vst.idx.add.f32.msk vm7, v2  }
0x37e: {  	[tilespmem:v17+s20+$0x0] =	vst.idx.add.f32.msk vm4, v2  }
0x37f: {  	[tilespmem:v17+s21+$0x0] =	vst.idx.add.f32.msk vm4, v5  }
0x380: {  	s29 =	sadd.s32 $0x70, s29;
	[tilespmem:v17+s22+$0x0] =	vst.idx.add.f32.msk vm10, v2  }
0x381: {  	_ =	sdelay $0x4  }
0x382: {  	[tilespmem:v4+s20+$0x0] =	vst.idx.add.f32.msk vm0, v2  }
0x383: {  	[tilespmem:v4+s21+$0x0] =	vst.idx.add.f32.msk vm0, v3  }
0x384: {  	[tilespmem:v4+s22+$0x0] =	vst.idx.add.f32.msk vm1, v2  }
0x385: {  	s25 =	rddreg [dreg:$0x1e]  }
0x386: {  	[tilespmem:s16], [sflag:$0x2] =	stream.linear.gather [hbm4b:s25+s1], $0x28B0, $0x38;
	[tilespmem:$0xFD00] =	vst v63  }
0x387: {  	s26 =	rddreg [dreg:$0x1f]  }
0x388: {  	[tilespmem:s17], [sflag:$0x2] =	stream.linear.gather [hbm4b:s26+s1], $0x28B0, $0x38;
	[tilespmem:$0xFD00] =	vst v63  }
0x389: {  	s26 =	sld [smem:$0x7FD];
	_ =	sdelay $0x2  }
0x38a: {  	[tilespmem:s18], [sflag:$0x2] =	stream.linear.gather [hbm4b:s26+s1], $0x28B0, $0x38;
	[tilespmem:$0xFD00] =	vst v63  }
0x38b: {  	_ =	swait.ge [sflag:s19], $0x28B0  }
0x38c: {  	[sflag:s19] =	ssyncset.done $0x0  }
0x38d: {  	[sflag:s19] =	ssyncadd.s32 $0xFFFFD750  }
0x38e: {  	_ =	swait.ge [sflag:s19], $0x28B0  }
0x38f: {  	[sflag:s19] =	ssyncset.done $0x0  }
0x390: {  	[sflag:s19] =	ssyncadd.s32 $0xFFFFD750  }
0x391: {  	_ =	swait.ge [sflag:s19], $0x28B0  }
0x392: {  	[sflag:s19] =	ssyncset.done $0x0  }
0x393: {  	s28 =	simm.s32 $0x30;
	[sflag:s19] =	ssyncadd.s32 $0xFFFFD750  }
0x394: {  	v4 =	vld [tilespmem:s28+$0x30]  }
0x395: {  	v5 =	vld [tilespmem:s28+$0xFFFFFFE0]  }
0x396: {  	v6 =	vld [tilespmem:s28+$0xFFFFFFF0]  }
0x397: {  	v7 =	vld [tilespmem:s28+$0x0]  }
0x398: {  	s25 =	simm.s32 $0x5230;
	v8 =	vld [tilespmem:s28+$0x10]  }
0x399: {  	s26 =	simm.s32 $0xA430;
	v9 =	vld [tilespmem:s25+$0x30];
	v3 =	vmul.f32 $1.500000000e+01, v4  }
0x39a: {  	v10 =	vld [tilespmem:s26+$0x30]  }
0x39b: {  	v12 =	vld [tilespmem:s28+$0xFFFFFFD0];
	v11 =	vtrunc.f32 v3  }
0x39c: {  	v13 =	vld [tilespmem:s25+$0xFFFFFFD0];
	v11 =	vcvt.f32.s32 v11  }
0x39d: {  	v14 =	vld [tilespmem:s26+$0xFFFFFFD0]  }
0x39e: {  	v15 =	vld [tilespmem:s25+$0xFFFFFFE0];
	vm0 =	vlt.s32 v11, $0xE  }
0x39f: {  	v16 =	vld [tilespmem:s26+$0xFFFFFFE0];
	vm1 =	vgt.f32 v4, $0.0e+00;
	v11 =	vnsel vm0, $0xE, v11  }
0x3a0: {  	v52 =	vld [tilespmem:s25+$0xFFFFFFF0];
	v51 =	vmul.f32 $1.500000000e+01, v12;
	v11 =	vadd.s32 v1, v11  }
0x3a1: {  	v18 =	vld [tilespmem:s26+$0xFFFFFFF0];
	vm0 =	veq.s32 v9, v10  }
0x3a2: {  	v19 =	vld [tilespmem:s25+$0x0];
	v17 =	vmul.f32 $1.500000000e+01, v5;
	v9 =	vtrunc.f32 v51;
	vm2 =	vmand vm1, vm0  }
0x3a3: {  	v20 =	vld [tilespmem:s26+$0x0];
	v9 =	vcvt.f32.s32 v9  }
0x3a4: {  	v56 =	vld [tilespmem:s25+$0x10];
	v17 =	vtrunc.f32 v17  }
0x3a5: {  	v21 =	vmul.f32 $1.500000000e+01, v6;
	v17 =	vcvt.f32.s32 v17;
	vm3 =	vlt.s32 v9, $0xE;
	[tilespmem:v11+s20+$0x0] =	vst.idx.add.f32.msk vm1, v2  }
0x3a6: {  	vm4 =	vgt.f32 v12, $0.0e+00;
	v53 =	vmul.f32 $1.500000000e+01, v7;
	[tilespmem:v11+s21+$0x0] =	vst.idx.add.f32.msk vm1, v4;
	v4 =	vnsel vm3, $0xE, v9  }
0x3a7: {  	v57 =	vld [tilespmem:s26+$0x10];
	v54 =	vtrunc.f32 v21;
	vm1 =	vlt.s32 v17, $0xE;
	v4 =	vadd.s32 v1, v4  }
0x3a8: {  	vm0 =	vgt.f32 v5, $0.0e+00;
	[tilespmem:v11+s22+$0x0] =	vst.idx.add.f32.msk vm2, v2;
	vm2 =	veq.s32 v13, v14;
	v55 =	vnsel vm1, $0xE, v17  }
0x3a9: {  	v58 =	vld [tilespmem:s25+$0x20];
	v11 =	vcvt.f32.s32 v54;
	v13 =	vadd.s32 v1, v55;
	vm2 =	vmand vm4, vm2  }
0x3aa: {  	v59 =	vld [tilespmem:s26+$0x20];
	v60 =	vmul.f32 $1.500000000e+01, v8;
	vm3 =	veq.s32 v15, v16  }
0x3ab: {  	v3 =	vld [tilespmem:s28+$0x20];
	v9 =	vtrunc.f32 v53;
	vm3 =	vmand vm0, vm3;
	vm5 =	vlt.s32 v11, $0xE  }
0x3ac: {  	vm1 =	vgt.f32 v6, $0.0e+00;
	v9 =	vcvt.f32.s32 v9;
	v11 =	vnsel vm5, $0xE, v11;
	[tilespmem:v4+s20+$0x0] =	vst.idx.add.f32.msk vm4, v2  }
0x3ad: {  	vm13 =	veq.s32 v52, v18;
	v61 =	vadd.s32 v1, v11;
	[tilespmem:v4+s21+$0x0] =	vst.idx.add.f32.msk vm4, v12  }
0x3ae: {  	v62 =	vtrunc.f32 v60;
	vm14 =	vlt.s32 v9, $0xE;
	vm5 =	vmand vm1, vm13;
	[tilespmem:v13+s20+$0x0] =	vst.idx.add.f32.msk vm0, v2  }
0x3af: {  	vm6 =	vgt.f32 v7, $0.0e+00;
	v9 =	vnsel vm14, $0xE, v9;
	v11 =	vcvt.f32.s32 v62;
	[tilespmem:v4+s22+$0x0] =	vst.idx.add.f32.msk vm2, v2  }
0x3b0: {  	vm2 =	veq.s32 v19, v20;
	v4 =	vadd.s32 v1, v9;
	[tilespmem:v13+s21+$0x0] =	vst.idx.add.f32.msk vm0, v5  }
0x3b1: {  	vm0 =	vlt.s32 v11, $0xE;
	vm2 =	vmand vm6, vm2;
	[tilespmem:v13+s22+$0x0] =	vst.idx.add.f32.msk vm3, v2  }
0x3b2: {  	vm3 =	vgt.f32 v8, $0.0e+00;
	v5 =	vnsel vm0, $0xE, v11;
	[tilespmem:v61+s20+$0x0] =	vst.idx.add.f32.msk vm1, v2  }
0x3b3: {  	v63 =	vmul.f32 $1.500000000e+01, v3;
	vm0 =	veq.s32 v56, v57;
	v5 =	vadd.s32 v1, v5;
	[tilespmem:v61+s21+$0x0] =	vst.idx.add.f32.msk vm1, v6  }
0x3b4: {  	vm15 =	vmand vm3, vm0;
	[tilespmem:v61+s22+$0x0] =	vst.idx.add.f32.msk vm5, v2  }
0x3b5: {  	v6 =	vtrunc.f32 v63;
	[tilespmem:v4+s20+$0x0] =	vst.idx.add.f32.msk vm6, v2  }
0x3b6: {  	v6 =	vcvt.f32.s32 v6;
	[tilespmem:v4+s21+$0x0] =	vst.idx.add.f32.msk vm6, v7  }
0x3b7: {  	[tilespmem:v4+s22+$0x0] =	vst.idx.add.f32.msk vm2, v2  }
0x3b8: {  	vm1 =	vgt.f32 v3, $0.0e+00;
	vm0 =	vlt.s32 v6, $0xE;
	[tilespmem:v5+s20+$0x0] =	vst.idx.add.f32.msk vm3, v2  }
0x3b9: {  	v4 =	vnsel vm0, $0xE, v6;
	vm0 =	vmmov vm1;
	vm1 =	veq.s32 v58, v59;
	[tilespmem:v5+s21+$0x0] =	vst.idx.add.f32.msk vm3, v8  }
0x3ba: {  	s29 =	simm.s32 $0xA0;
	s28 =	simm.s32 $0x0;
	v4 =	vadd.s32 v1, v4;
	vm1 =	vmand vm0, vm1;
	[tilespmem:v5+s22+$0x0] =	vst.idx.add.f32.msk vm15, v2  }
.LBB2_18:
0x3bb: {  	v9 =	vld [tilespmem:s29+$0x30]  }
0x3bc: {  	v8 =	vld [tilespmem:s29+$0xFFFFFFE0]  }
0x3bd: {  	s28 =	sadd.s32 $0x7, s28;
	v7 =	vld [tilespmem:s29+$0xFFFFFFF0]  }
0x3be: {  	p1 =	slt.u32 s28, $0x284;
	v6 =	vld [tilespmem:s29+$0x0]  }
0x3bf: {  	v5 =	vld [tilespmem:s29+$0x10]  }
0x3c0: {  	s25 =	sadd.s32 $0x70, s25;
	v10 =	vld [tilespmem:s29+$0x20];
	v11 =	vmul.f32 $1.500000000e+01, v9  }
0x3c1: {  	s26 =	sadd.s32 $0x70, s26;
	v12 =	vmul.f32 $1.500000000e+01, v8;
	vm5 =	vgt.f32 v8, $0.0e+00;
	v13 =	vld [tilespmem:s25+$0x30]  }
0x3c2: {  	v14 =	vmul.f32 $1.500000000e+01, v7;
	vm2 =	vgt.f32 v7, $0.0e+00;
	v15 =	vld [tilespmem:s26+$0x30];
	v11 =	vtrunc.f32 v11  }
0x3c3: {  	v16 =	vld [tilespmem:s29+$0xFFFFFFD0];
	v17 =	vmul.f32 $1.500000000e+01, v6;
	vm3 =	vgt.f32 v6, $0.0e+00;
	v11 =	vcvt.f32.s32 v11  }
0x3c4: {  	v12 =	vtrunc.f32 v12;
	v18 =	vld [tilespmem:s25+$0xFFFFFFD0];
	v19 =	vmul.f32 $1.500000000e+01, v5;
	vm4 =	vgt.f32 v5, $0.0e+00  }
0x3c5: {  	v14 =	vtrunc.f32 v14;
	v20 =	vld [tilespmem:s26+$0xFFFFFFD0];
	v21 =	vmul.f32 $1.500000000e+01, v10;
	vm6 =	vlt.s32 v11, $0xE  }
0x3c6: {  	vm8 =	vgt.f32 v9, $0.0e+00;
	v17 =	vtrunc.f32 v17;
	v22 =	vld [tilespmem:s25+$0xFFFFFFE0];
	v11 =	vnsel vm6, $0xE, v11  }
0x3c7: {  	v19 =	vtrunc.f32 v19;
	v23 =	vld [tilespmem:s26+$0xFFFFFFE0];
	v11 =	vadd.s32 v1, v11;
	vm6 =	veq.s32 v13, v15  }
0x3c8: {  	v21 =	vtrunc.f32 v21;
	v13 =	vmul.f32 $1.500000000e+01, v16;
	v15 =	vld [tilespmem:s25+$0xFFFFFFF0];
	vm9 =	vmand vm8, vm6  }
0x3c9: {  	v12 =	vcvt.f32.s32 v12;
	v14 =	vcvt.f32.s32 v14;
	vm6 =	vgt.f32 v16, $0.0e+00;
	v24 =	vld [tilespmem:s26+$0xFFFFFFF0]  }
0x3ca: {  	v17 =	vcvt.f32.s32 v17;
	v13 =	vtrunc.f32 v13;
	vm7 =	veq.s32 v18, v20;
	v18 =	vld [tilespmem:s25+$0x0]  }
0x3cb: {  	vm10 =	vlt.s32 v12, $0xE;
	v19 =	vcvt.f32.s32 v19;
	v13 =	vcvt.f32.s32 v13;
	v20 =	vld [tilespmem:s26+$0x0]  }
0x3cc: {  	vm11 =	vlt.s32 v14, $0xE;
	vm12 =	vlt.s32 v17, $0xE;
	v21 =	vcvt.f32.s32 v21;
	[tilespmem:v11+s20+$0x0] =	vst.idx.add.f32.msk vm8, v2  }
0x3cd: {  	v12 =	vnsel vm10, $0xE, v12;
	vm10 =	vlt.s32 v19, $0xE;
	vm13 =	vlt.s32 v13, $0xE;
	[tilespmem:v11+s21+$0x0] =	vst.idx.add.f32.msk vm8, v9  }
0x3ce: {  	vm8 =	vlt.s32 v21, $0xE;
	v9 =	vnsel vm13, $0xE, v13;
	v13 =	vnsel vm11, $0xE, v14;
	[tilespmem:v11+s22+$0x0] =	vst.idx.add.f32.msk vm9, v2  }
0x3cf: {  	v11 =	vnsel vm12, $0xE, v17;
	v17 =	vnsel vm10, $0xE, v19;
	v19 =	vnsel vm8, $0xE, v21;
	v14 =	vld [tilespmem:s25+$0x10]  }
0x3d0: {  	vm8 =	veq.s32 v22, v23;
	vm9 =	veq.s32 v15, v24;
	vm10 =	veq.s32 v18, v20;
	v15 =	vld [tilespmem:s26+$0x10]  }
0x3d1: {  	v12 =	vadd.s32 v1, v12;
	vm11 =	vgt.f32 v10, $0.0e+00;
	v9 =	vadd.s32 v1, v9;
	v18 =	vld [tilespmem:s25+$0x20]  }
0x3d2: {  	v13 =	vadd.s32 v1, v13;
	v11 =	vadd.s32 v1, v11;
	v17 =	vadd.s32 v1, v17;
	v20 =	vld [tilespmem:s26+$0x20]  }
0x3d3: {  	vm12 =	vmand vm6, vm7;
	vm8 =	vmand vm5, vm8;
	v19 =	vadd.s32 v1, v19;
	[tilespmem:v4+s20+$0x0] =	vst.idx.add.f32.msk vm0, v2  }
0x3d4: {  	vm9 =	vmand vm2, vm9;
	vm7 =	vmand vm3, vm10;
	[tilespmem:v4+s21+$0x0] =	vst.idx.add.f32.msk vm0, v3;
	v3 =	vmovc v10;
	vm0 =	vmmov vm11  }
0x3d5: {  	vm10 =	veq.s32 v14, v15;
	[tilespmem:v4+s22+$0x0] =	vst.idx.add.f32.msk vm1, v2;
	v4 =	vmov v19  }
0x3d6: {  	[tilespmem:v9+s20+$0x0] =	vst.idx.add.f32.msk vm6, v2;
	vm10 =	vmand vm4, vm10  }
0x3d7: {  	[tilespmem:v9+s21+$0x0] =	vst.idx.add.f32.msk vm6, v16;
	vm1 =	veq.s32 v18, v20  }
0x3d8: {  	[tilespmem:v12+s20+$0x0] =	vst.idx.add.f32.msk vm5, v2;
	vm1 =	vmand vm0, vm1  }
0x3d9: {  	[tilespmem:v9+s22+$0x0] =	vst.idx.add.f32.msk vm12, v2  }
0x3da: {  	[tilespmem:v12+s21+$0x0] =	vst.idx.add.f32.msk vm5, v8  }
0x3db: {  	[tilespmem:v12+s22+$0x0] =	vst.idx.add.f32.msk vm8, v2  }
0x3dc: {  	[tilespmem:v13+s20+$0x0] =	vst.idx.add.f32.msk vm2, v2  }
0x3dd: {  	[tilespmem:v13+s21+$0x0] =	vst.idx.add.f32.msk vm2, v7  }
0x3de: {  	[tilespmem:v13+s22+$0x0] =	vst.idx.add.f32.msk vm9, v2  }
0x3df: {  	[tilespmem:v11+s20+$0x0] =	vst.idx.add.f32.msk vm3, v2  }
.Ltmp8:
0x3e0: {  	[tilespmem:v11+s21+$0x0] =	vst.idx.add.f32.msk vm3, v6;
	(pc) =	sbr.rel @p1 .LBB2_18-.Ltmp8, $4  }
0x3e1: {  	[tilespmem:v11+s22+$0x0] =	vst.idx.add.f32.msk vm7, v2  }
0x3e2: {  	[tilespmem:v17+s20+$0x0] =	vst.idx.add.f32.msk vm4, v2  }
0x3e3: {  	[tilespmem:v17+s21+$0x0] =	vst.idx.add.f32.msk vm4, v5  }
0x3e4: {  	s29 =	sadd.s32 $0x70, s29;
	[tilespmem:v17+s22+$0x0] =	vst.idx.add.f32.msk vm10, v2  }
0x3e5: {  	_ =	sdelay $0x4  }
0x3e6: {  	[tilespmem:v4+s20+$0x0] =	vst.idx.add.f32.msk vm0, v2  }
0x3e7: {  	[tilespmem:v4+s21+$0x0] =	vst.idx.add.f32.msk vm0, v3  }
0x3e8: {  	[tilespmem:v4+s22+$0x0] =	vst.idx.add.f32.msk vm1, v2  }
0x3e9: {  	[tilespmem:s1], [sflag:$0x1] =	stream.linear.gather [hbm4b:s30+s1], $0x28B0, $0x38;
	[tilespmem:$0xFD00] =	vst v63  }
0x3ea: {  	_ = 	snop  }
0x3eb: {  	[tilespmem:s14], [sflag:$0x1] =	stream.linear.gather [hbm4b:s31+s1], $0x28B0, $0x38;
	[tilespmem:$0xFD00] =	vst v63  }
0x3ec: {  	_ = 	snop  }
0x3ed: {  	[tilespmem:s15], [sflag:$0x1] =	stream.linear.gather [hbm4b:s0+s1], $0x28B0, $0x38;
	[tilespmem:$0xFD00] =	vst v63  }
0x3ee: {  	_ =	swait.ge [sflag:s23], $0x28B0  }
0x3ef: {  	[sflag:s23] =	ssyncset.done $0x0  }
0x3f0: {  	[sflag:s23] =	ssyncadd.s32 $0xFFFFD750  }
0x3f1: {  	_ =	swait.ge [sflag:s23], $0x28B0  }
0x3f2: {  	[sflag:s23] =	ssyncset.done $0x0  }
0x3f3: {  	[sflag:s23] =	ssyncadd.s32 $0xFFFFD750  }
0x3f4: {  	_ =	swait.ge [sflag:s23], $0x28B0  }
0x3f5: {  	[sflag:s23] =	ssyncset.done $0x0  }
0x3f6: {  	s28 =	simm.s32 $0x2930;
	[sflag:s23] =	ssyncadd.s32 $0xFFFFD750  }
0x3f7: {  	v4 =	vld [tilespmem:s28+$0x30]  }
0x3f8: {  	v5 =	vld [tilespmem:s28+$0xFFFFFFE0]  }
0x3f9: {  	v6 =	vld [tilespmem:s28+$0xFFFFFFF0]  }
0x3fa: {  	v7 =	vld [tilespmem:s28+$0x0]  }
0x3fb: {  	s25 =	simm.s32 $0x7B30;
	v8 =	vld [tilespmem:s28+$0x10]  }
0x3fc: {  	s26 =	simm.s32 $0xCD30;
	v9 =	vld [tilespmem:s25+$0x30];
	v3 =	vmul.f32 $1.500000000e+01, v4  }
0x3fd: {  	v10 =	vld [tilespmem:s26+$0x30]  }
0x3fe: {  	v12 =	vld [tilespmem:s28+$0xFFFFFFD0];
	v11 =	vtrunc.f32 v3  }
0x3ff: {  	v13 =	vld [tilespmem:s25+$0xFFFFFFD0];
	v11 =	vcvt.f32.s32 v11  }
0x400: {  	v14 =	vld [tilespmem:s26+$0xFFFFFFD0]  }
0x401: {  	v15 =	vld [tilespmem:s25+$0xFFFFFFE0];
	vm0 =	vlt.s32 v11, $0xE  }
0x402: {  	v16 =	vld [tilespmem:s26+$0xFFFFFFE0];
	vm1 =	vgt.f32 v4, $0.0e+00;
	v11 =	vnsel vm0, $0xE, v11  }
0x403: {  	v52 =	vld [tilespmem:s25+$0xFFFFFFF0];
	v51 =	vmul.f32 $1.500000000e+01, v12;
	v11 =	vadd.s32 v1, v11  }
0x404: {  	v18 =	vld [tilespmem:s26+$0xFFFFFFF0];
	vm0 =	veq.s32 v9, v10  }
0x405: {  	v19 =	vld [tilespmem:s25+$0x0];
	v17 =	vmul.f32 $1.500000000e+01, v5;
	v9 =	vtrunc.f32 v51;
	vm2 =	vmand vm1, vm0  }
0x406: {  	v20 =	vld [tilespmem:s26+$0x0];
	v9 =	vcvt.f32.s32 v9  }
0x407: {  	v56 =	vld [tilespmem:s25+$0x10];
	v17 =	vtrunc.f32 v17  }
0x408: {  	v21 =	vmul.f32 $1.500000000e+01, v6;
	v17 =	vcvt.f32.s32 v17;
	vm3 =	vlt.s32 v9, $0xE;
	[tilespmem:v11+s20+$0x0] =	vst.idx.add.f32.msk vm1, v2  }
0x409: {  	vm4 =	vgt.f32 v12, $0.0e+00;
	v53 =	vmul.f32 $1.500000000e+01, v7;
	[tilespmem:v11+s21+$0x0] =	vst.idx.add.f32.msk vm1, v4;
	v4 =	vnsel vm3, $0xE, v9  }
0x40a: {  	v57 =	vld [tilespmem:s26+$0x10];
	v54 =	vtrunc.f32 v21;
	vm1 =	vlt.s32 v17, $0xE;
	v4 =	vadd.s32 v1, v4  }
0x40b: {  	vm0 =	vgt.f32 v5, $0.0e+00;
	[tilespmem:v11+s22+$0x0] =	vst.idx.add.f32.msk vm2, v2;
	vm2 =	veq.s32 v13, v14;
	v55 =	vnsel vm1, $0xE, v17  }
0x40c: {  	v58 =	vld [tilespmem:s25+$0x20];
	v11 =	vcvt.f32.s32 v54;
	v13 =	vadd.s32 v1, v55;
	vm2 =	vmand vm4, vm2  }
0x40d: {  	v59 =	vld [tilespmem:s26+$0x20];
	v60 =	vmul.f32 $1.500000000e+01, v8;
	vm3 =	veq.s32 v15, v16  }
0x40e: {  	v3 =	vld [tilespmem:s28+$0x20];
	v9 =	vtrunc.f32 v53;
	vm3 =	vmand vm0, vm3;
	vm5 =	vlt.s32 v11, $0xE  }
0x40f: {  	vm1 =	vgt.f32 v6, $0.0e+00;
	v9 =	vcvt.f32.s32 v9;
	v11 =	vnsel vm5, $0xE, v11;
	[tilespmem:v4+s20+$0x0] =	vst.idx.add.f32.msk vm4, v2  }
0x410: {  	vm13 =	veq.s32 v52, v18;
	v61 =	vadd.s32 v1, v11;
	[tilespmem:v4+s21+$0x0] =	vst.idx.add.f32.msk vm4, v12  }
0x411: {  	v62 =	vtrunc.f32 v60;
	vm14 =	vlt.s32 v9, $0xE;
	vm5 =	vmand vm1, vm13;
	[tilespmem:v13+s20+$0x0] =	vst.idx.add.f32.msk vm0, v2  }
0x412: {  	vm6 =	vgt.f32 v7, $0.0e+00;
	v9 =	vnsel vm14, $0xE, v9;
	v11 =	vcvt.f32.s32 v62;
	[tilespmem:v4+s22+$0x0] =	vst.idx.add.f32.msk vm2, v2  }
0x413: {  	vm2 =	veq.s32 v19, v20;
	v4 =	vadd.s32 v1, v9;
	[tilespmem:v13+s21+$0x0] =	vst.idx.add.f32.msk vm0, v5  }
0x414: {  	vm0 =	vlt.s32 v11, $0xE;
	vm2 =	vmand vm6, vm2;
	[tilespmem:v13+s22+$0x0] =	vst.idx.add.f32.msk vm3, v2  }
0x415: {  	vm3 =	vgt.f32 v8, $0.0e+00;
	v5 =	vnsel vm0, $0xE, v11;
	[tilespmem:v61+s20+$0x0] =	vst.idx.add.f32.msk vm1, v2  }
0x416: {  	v63 =	vmul.f32 $1.500000000e+01, v3;
	vm0 =	veq.s32 v56, v57;
	v5 =	vadd.s32 v1, v5;
	[tilespmem:v61+s21+$0x0] =	vst.idx.add.f32.msk vm1, v6  }
0x417: {  	vm15 =	vmand vm3, vm0;
	[tilespmem:v61+s22+$0x0] =	vst.idx.add.f32.msk vm5, v2  }
0x418: {  	v6 =	vtrunc.f32 v63;
	[tilespmem:v4+s20+$0x0] =	vst.idx.add.f32.msk vm6, v2  }
0x419: {  	v6 =	vcvt.f32.s32 v6;
	[tilespmem:v4+s21+$0x0] =	vst.idx.add.f32.msk vm6, v7  }
0x41a: {  	[tilespmem:v4+s22+$0x0] =	vst.idx.add.f32.msk vm2, v2  }
0x41b: {  	vm1 =	vgt.f32 v3, $0.0e+00;
	vm0 =	vlt.s32 v6, $0xE;
	[tilespmem:v5+s20+$0x0] =	vst.idx.add.f32.msk vm3, v2  }
0x41c: {  	v4 =	vnsel vm0, $0xE, v6;
	vm0 =	vmmov vm1;
	vm1 =	veq.s32 v58, v59;
	[tilespmem:v5+s21+$0x0] =	vst.idx.add.f32.msk vm3, v8  }
0x41d: {  	s29 =	simm.s32 $0x29A0;
	s28 =	simm.s32 $0x0;
	v4 =	vadd.s32 v1, v4;
	vm1 =	vmand vm0, vm1;
	[tilespmem:v5+s22+$0x0] =	vst.idx.add.f32.msk vm15, v2  }
.LBB2_20:
0x41e: {  	v9 =	vld [tilespmem:s29+$0x30]  }
0x41f: {  	v8 =	vld [tilespmem:s29+$0xFFFFFFE0]  }
0x420: {  	s28 =	sadd.s32 $0x7, s28;
	v7 =	vld [tilespmem:s29+$0xFFFFFFF0]  }
0x421: {  	p1 =	slt.u32 s28, $0x284;
	v6 =	vld [tilespmem:s29+$0x0]  }
0x422: {  	v5 =	vld [tilespmem:s29+$0x10]  }
0x423: {  	s25 =	sadd.s32 $0x70, s25;
	v10 =	vld [tilespmem:s29+$0x20];
	v11 =	vmul.f32 $1.500000000e+01, v9  }
0x424: {  	s26 =	sadd.s32 $0x70, s26;
	v12 =	vmul.f32 $1.500000000e+01, v8;
	vm5 =	vgt.f32 v8, $0.0e+00;
	v13 =	vld [tilespmem:s25+$0x30]  }
0x425: {  	v14 =	vmul.f32 $1.500000000e+01, v7;
	vm2 =	vgt.f32 v7, $0.0e+00;
	v15 =	vld [tilespmem:s26+$0x30];
	v11 =	vtrunc.f32 v11  }
0x426: {  	v16 =	vld [tilespmem:s29+$0xFFFFFFD0];
	v17 =	vmul.f32 $1.500000000e+01, v6;
	vm3 =	vgt.f32 v6, $0.0e+00;
	v11 =	vcvt.f32.s32 v11  }
0x427: {  	v12 =	vtrunc.f32 v12;
	v18 =	vld [tilespmem:s25+$0xFFFFFFD0];
	v19 =	vmul.f32 $1.500000000e+01, v5;
	vm4 =	vgt.f32 v5, $0.0e+00  }
0x428: {  	v14 =	vtrunc.f32 v14;
	v20 =	vld [tilespmem:s26+$0xFFFFFFD0];
	v21 =	vmul.f32 $1.500000000e+01, v10;
	vm6 =	vlt.s32 v11, $0xE  }
0x429: {  	vm8 =	vgt.f32 v9, $0.0e+00;
	v17 =	vtrunc.f32 v17;
	v22 =	vld [tilespmem:s25+$0xFFFFFFE0];
	v11 =	vnsel vm6, $0xE, v11  }
0x42a: {  	v19 =	vtrunc.f32 v19;
	v23 =	vld [tilespmem:s26+$0xFFFFFFE0];
	v11 =	vadd.s32 v1, v11;
	vm6 =	veq.s32 v13, v15  }
0x42b: {  	v21 =	vtrunc.f32 v21;
	v13 =	vmul.f32 $1.500000000e+01, v16;
	v15 =	vld [tilespmem:s25+$0xFFFFFFF0];
	vm9 =	vmand vm8, vm6  }
0x42c: {  	v12 =	vcvt.f32.s32 v12;
	v14 =	vcvt.f32.s32 v14;
	vm6 =	vgt.f32 v16, $0.0e+00;
	v24 =	vld [tilespmem:s26+$0xFFFFFFF0]  }
0x42d: {  	v17 =	vcvt.f32.s32 v17;
	v13 =	vtrunc.f32 v13;
	vm7 =	veq.s32 v18, v20;
	v18 =	vld [tilespmem:s25+$0x0]  }
0x42e: {  	vm10 =	vlt.s32 v12, $0xE;
	v19 =	vcvt.f32.s32 v19;
	v13 =	vcvt.f32.s32 v13;
	v20 =	vld [tilespmem:s26+$0x0]  }
0x42f: {  	vm11 =	vlt.s32 v14, $0xE;
	vm12 =	vlt.s32 v17, $0xE;
	v21 =	vcvt.f32.s32 v21;
	[tilespmem:v11+s20+$0x0] =	vst.idx.add.f32.msk vm8, v2  }
0x430: {  	v12 =	vnsel vm10, $0xE, v12;
	vm10 =	vlt.s32 v19, $0xE;
	vm13 =	vlt.s32 v13, $0xE;
	[tilespmem:v11+s21+$0x0] =	vst.idx.add.f32.msk vm8, v9  }
0x431: {  	vm8 =	vlt.s32 v21, $0xE;
	v9 =	vnsel vm13, $0xE, v13;
	v13 =	vnsel vm11, $0xE, v14;
	[tilespmem:v11+s22+$0x0] =	vst.idx.add.f32.msk vm9, v2  }
0x432: {  	v11 =	vnsel vm12, $0xE, v17;
	v17 =	vnsel vm10, $0xE, v19;
	v19 =	vnsel vm8, $0xE, v21;
	v14 =	vld [tilespmem:s25+$0x10]  }
0x433: {  	vm8 =	veq.s32 v22, v23;
	vm9 =	veq.s32 v15, v24;
	vm10 =	veq.s32 v18, v20;
	v15 =	vld [tilespmem:s26+$0x10]  }
0x434: {  	v12 =	vadd.s32 v1, v12;
	vm11 =	vgt.f32 v10, $0.0e+00;
	v9 =	vadd.s32 v1, v9;
	v18 =	vld [tilespmem:s25+$0x20]  }
0x435: {  	v13 =	vadd.s32 v1, v13;
	v11 =	vadd.s32 v1, v11;
	v17 =	vadd.s32 v1, v17;
	v20 =	vld [tilespmem:s26+$0x20]  }
0x436: {  	vm12 =	vmand vm6, vm7;
	vm8 =	vmand vm5, vm8;
	v19 =	vadd.s32 v1, v19;
	[tilespmem:v4+s20+$0x0] =	vst.idx.add.f32.msk vm0, v2  }
0x437: {  	vm9 =	vmand vm2, vm9;
	vm7 =	vmand vm3, vm10;
	[tilespmem:v4+s21+$0x0] =	vst.idx.add.f32.msk vm0, v3;
	v3 =	vmovc v10;
	vm0 =	vmmov vm11  }
0x438: {  	vm10 =	veq.s32 v14, v15;
	[tilespmem:v4+s22+$0x0] =	vst.idx.add.f32.msk vm1, v2;
	v4 =	vmov v19  }
0x439: {  	[tilespmem:v9+s20+$0x0] =	vst.idx.add.f32.msk vm6, v2;
	vm10 =	vmand vm4, vm10  }
0x43a: {  	[tilespmem:v9+s21+$0x0] =	vst.idx.add.f32.msk vm6, v16;
	vm1 =	veq.s32 v18, v20  }
0x43b: {  	[tilespmem:v12+s20+$0x0] =	vst.idx.add.f32.msk vm5, v2;
	vm1 =	vmand vm0, vm1  }
0x43c: {  	[tilespmem:v9+s22+$0x0] =	vst.idx.add.f32.msk vm12, v2  }
0x43d: {  	[tilespmem:v12+s21+$0x0] =	vst.idx.add.f32.msk vm5, v8  }
0x43e: {  	[tilespmem:v12+s22+$0x0] =	vst.idx.add.f32.msk vm8, v2  }
0x43f: {  	[tilespmem:v13+s20+$0x0] =	vst.idx.add.f32.msk vm2, v2  }
0x440: {  	[tilespmem:v13+s21+$0x0] =	vst.idx.add.f32.msk vm2, v7  }
0x441: {  	[tilespmem:v13+s22+$0x0] =	vst.idx.add.f32.msk vm9, v2  }
0x442: {  	[tilespmem:v11+s20+$0x0] =	vst.idx.add.f32.msk vm3, v2  }
.Ltmp9:
0x443: {  	[tilespmem:v11+s21+$0x0] =	vst.idx.add.f32.msk vm3, v6;
	(pc) =	sbr.rel @p1 .LBB2_20-.Ltmp9, $4  }
0x444: {  	[tilespmem:v11+s22+$0x0] =	vst.idx.add.f32.msk vm7, v2  }
0x445: {  	[tilespmem:v17+s20+$0x0] =	vst.idx.add.f32.msk vm4, v2  }
0x446: {  	[tilespmem:v17+s21+$0x0] =	vst.idx.add.f32.msk vm4, v5  }
0x447: {  	s29 =	sadd.s32 $0x70, s29;
	[tilespmem:v17+s22+$0x0] =	vst.idx.add.f32.msk vm10, v2  }
0x448: {  	_ =	sdelay $0x4  }
0x449: {  	[tilespmem:v4+s20+$0x0] =	vst.idx.add.f32.msk vm0, v2  }
0x44a: {  	[tilespmem:v4+s21+$0x0] =	vst.idx.add.f32.msk vm0, v3  }
0x44b: {  	[tilespmem:v4+s22+$0x0] =	vst.idx.add.f32.msk vm1, v2  }
0x44c: {  	[tilespmem:s16], [sflag:$0x2] =	stream.linear.gather [hbm4b:s5+s1], $0x28B0, $0x38;
	[tilespmem:$0xFD00] =	vst v63  }
0x44d: {  	_ = 	snop  }
0x44e: {  	[tilespmem:s17], [sflag:$0x2] =	stream.linear.gather [hbm4b:s6+s1], $0x28B0, $0x38;
	[tilespmem:$0xFD00] =	vst v63  }
0x44f: {  	_ = 	snop  }
0x450: {  	[tilespmem:s18], [sflag:$0x2] =	stream.linear.gather [hbm4b:s7+s1], $0x28B0, $0x38;
	[tilespmem:$0xFD00] =	vst v63  }
0x451: {  	_ =	swait.ge [sflag:s19], $0x28B0  }
0x452: {  	[sflag:s19] =	ssyncset.done $0x0  }
0x453: {  	[sflag:s19] =	ssyncadd.s32 $0xFFFFD750  }
0x454: {  	_ =	swait.ge [sflag:s19], $0x28B0  }
0x455: {  	[sflag:s19] =	ssyncset.done $0x0  }
0x456: {  	[sflag:s19] =	ssyncadd.s32 $0xFFFFD750  }
0x457: {  	_ =	swait.ge [sflag:s19], $0x28B0  }
0x458: {  	[sflag:s19] =	ssyncset.done $0x0  }
0x459: {  	s28 =	simm.s32 $0x30;
	[sflag:s19] =	ssyncadd.s32 $0xFFFFD750  }
0x45a: {  	v4 =	vld [tilespmem:s28+$0x30]  }
0x45b: {  	v5 =	vld [tilespmem:s28+$0xFFFFFFE0]  }
0x45c: {  	v6 =	vld [tilespmem:s28+$0xFFFFFFF0]  }
0x45d: {  	v7 =	vld [tilespmem:s28+$0x0]  }
0x45e: {  	s25 =	simm.s32 $0x5230;
	v8 =	vld [tilespmem:s28+$0x10]  }
0x45f: {  	s26 =	simm.s32 $0xA430;
	v9 =	vld [tilespmem:s25+$0x30];
	v3 =	vmul.f32 $1.500000000e+01, v4  }
0x460: {  	v10 =	vld [tilespmem:s26+$0x30]  }
0x461: {  	v12 =	vld [tilespmem:s28+$0xFFFFFFD0];
	v11 =	vtrunc.f32 v3  }
0x462: {  	v13 =	vld [tilespmem:s25+$0xFFFFFFD0];
	v11 =	vcvt.f32.s32 v11  }
0x463: {  	v14 =	vld [tilespmem:s26+$0xFFFFFFD0]  }
0x464: {  	v15 =	vld [tilespmem:s25+$0xFFFFFFE0];
	vm0 =	vlt.s32 v11, $0xE  }
0x465: {  	v16 =	vld [tilespmem:s26+$0xFFFFFFE0];
	vm1 =	vgt.f32 v4, $0.0e+00;
	v11 =	vnsel vm0, $0xE, v11  }
0x466: {  	v52 =	vld [tilespmem:s25+$0xFFFFFFF0];
	v51 =	vmul.f32 $1.500000000e+01, v12;
	v11 =	vadd.s32 v1, v11  }
0x467: {  	v18 =	vld [tilespmem:s26+$0xFFFFFFF0];
	vm0 =	veq.s32 v9, v10  }
0x468: {  	v19 =	vld [tilespmem:s25+$0x0];
	v17 =	vmul.f32 $1.500000000e+01, v5;
	v9 =	vtrunc.f32 v51;
	vm2 =	vmand vm1, vm0  }
0x469: {  	v20 =	vld [tilespmem:s26+$0x0];
	v9 =	vcvt.f32.s32 v9  }
0x46a: {  	v56 =	vld [tilespmem:s25+$0x10];
	v17 =	vtrunc.f32 v17  }
0x46b: {  	v21 =	vmul.f32 $1.500000000e+01, v6;
	v17 =	vcvt.f32.s32 v17;
	vm3 =	vlt.s32 v9, $0xE;
	[tilespmem:v11+s20+$0x0] =	vst.idx.add.f32.msk vm1, v2  }
0x46c: {  	vm4 =	vgt.f32 v12, $0.0e+00;
	v53 =	vmul.f32 $1.500000000e+01, v7;
	[tilespmem:v11+s21+$0x0] =	vst.idx.add.f32.msk vm1, v4;
	v4 =	vnsel vm3, $0xE, v9  }
0x46d: {  	v57 =	vld [tilespmem:s26+$0x10];
	v54 =	vtrunc.f32 v21;
	vm1 =	vlt.s32 v17, $0xE;
	v4 =	vadd.s32 v1, v4  }
0x46e: {  	vm0 =	vgt.f32 v5, $0.0e+00;
	[tilespmem:v11+s22+$0x0] =	vst.idx.add.f32.msk vm2, v2;
	vm2 =	veq.s32 v13, v14;
	v55 =	vnsel vm1, $0xE, v17  }
0x46f: {  	v58 =	vld [tilespmem:s25+$0x20];
	v11 =	vcvt.f32.s32 v54;
	v13 =	vadd.s32 v1, v55;
	vm2 =	vmand vm4, vm2  }
0x470: {  	v59 =	vld [tilespmem:s26+$0x20];
	v60 =	vmul.f32 $1.500000000e+01, v8;
	vm3 =	veq.s32 v15, v16  }
0x471: {  	v3 =	vld [tilespmem:s28+$0x20];
	v9 =	vtrunc.f32 v53;
	vm3 =	vmand vm0, vm3;
	vm5 =	vlt.s32 v11, $0xE  }
0x472: {  	vm1 =	vgt.f32 v6, $0.0e+00;
	v9 =	vcvt.f32.s32 v9;
	v11 =	vnsel vm5, $0xE, v11;
	[tilespmem:v4+s20+$0x0] =	vst.idx.add.f32.msk vm4, v2  }
0x473: {  	vm13 =	veq.s32 v52, v18;
	v61 =	vadd.s32 v1, v11;
	[tilespmem:v4+s21+$0x0] =	vst.idx.add.f32.msk vm4, v12  }
0x474: {  	v62 =	vtrunc.f32 v60;
	vm14 =	vlt.s32 v9, $0xE;
	vm5 =	vmand vm1, vm13;
	[tilespmem:v13+s20+$0x0] =	vst.idx.add.f32.msk vm0, v2  }
0x475: {  	vm6 =	vgt.f32 v7, $0.0e+00;
	v9 =	vnsel vm14, $0xE, v9;
	v11 =	vcvt.f32.s32 v62;
	[tilespmem:v4+s22+$0x0] =	vst.idx.add.f32.msk vm2, v2  }
0x476: {  	vm2 =	veq.s32 v19, v20;
	v4 =	vadd.s32 v1, v9;
	[tilespmem:v13+s21+$0x0] =	vst.idx.add.f32.msk vm0, v5  }
0x477: {  	vm0 =	vlt.s32 v11, $0xE;
	vm2 =	vmand vm6, vm2;
	[tilespmem:v13+s22+$0x0] =	vst.idx.add.f32.msk vm3, v2  }
0x478: {  	vm3 =	vgt.f32 v8, $0.0e+00;
	v5 =	vnsel vm0, $0xE, v11;
	[tilespmem:v61+s20+$0x0] =	vst.idx.add.f32.msk vm1, v2  }
0x479: {  	v63 =	vmul.f32 $1.500000000e+01, v3;
	vm0 =	veq.s32 v56, v57;
	v5 =	vadd.s32 v1, v5;
	[tilespmem:v61+s21+$0x0] =	vst.idx.add.f32.msk vm1, v6  }
0x47a: {  	vm15 =	vmand vm3, vm0;
	[tilespmem:v61+s22+$0x0] =	vst.idx.add.f32.msk vm5, v2  }
0x47b: {  	v6 =	vtrunc.f32 v63;
	[tilespmem:v4+s20+$0x0] =	vst.idx.add.f32.msk vm6, v2  }
0x47c: {  	v6 =	vcvt.f32.s32 v6;
	[tilespmem:v4+s21+$0x0] =	vst.idx.add.f32.msk vm6, v7  }
0x47d: {  	[tilespmem:v4+s22+$0x0] =	vst.idx.add.f32.msk vm2, v2  }
0x47e: {  	vm1 =	vgt.f32 v3, $0.0e+00;
	vm0 =	vlt.s32 v6, $0xE;
	[tilespmem:v5+s20+$0x0] =	vst.idx.add.f32.msk vm3, v2  }
0x47f: {  	v4 =	vnsel vm0, $0xE, v6;
	vm0 =	vmmov vm1;
	vm1 =	veq.s32 v58, v59;
	[tilespmem:v5+s21+$0x0] =	vst.idx.add.f32.msk vm3, v8  }
0x480: {  	s29 =	simm.s32 $0xA0;
	s28 =	simm.s32 $0x0;
	v4 =	vadd.s32 v1, v4;
	vm1 =	vmand vm0, vm1;
	[tilespmem:v5+s22+$0x0] =	vst.idx.add.f32.msk vm15, v2  }
.LBB2_22:
0x481: {  	v9 =	vld [tilespmem:s29+$0x30]  }
0x482: {  	v8 =	vld [tilespmem:s29+$0xFFFFFFE0]  }
0x483: {  	s28 =	sadd.s32 $0x7, s28;
	v7 =	vld [tilespmem:s29+$0xFFFFFFF0]  }
0x484: {  	p1 =	slt.u32 s28, $0x284;
	v6 =	vld [tilespmem:s29+$0x0]  }
0x485: {  	v5 =	vld [tilespmem:s29+$0x10]  }
0x486: {  	s25 =	sadd.s32 $0x70, s25;
	v10 =	vld [tilespmem:s29+$0x20];
	v11 =	vmul.f32 $1.500000000e+01, v9  }
0x487: {  	s26 =	sadd.s32 $0x70, s26;
	v12 =	vmul.f32 $1.500000000e+01, v8;
	vm5 =	vgt.f32 v8, $0.0e+00;
	v13 =	vld [tilespmem:s25+$0x30]  }
0x488: {  	v14 =	vmul.f32 $1.500000000e+01, v7;
	vm2 =	vgt.f32 v7, $0.0e+00;
	v15 =	vld [tilespmem:s26+$0x30];
	v11 =	vtrunc.f32 v11  }
0x489: {  	v16 =	vld [tilespmem:s29+$0xFFFFFFD0];
	v17 =	vmul.f32 $1.500000000e+01, v6;
	vm3 =	vgt.f32 v6, $0.0e+00;
	v11 =	vcvt.f32.s32 v11  }
0x48a: {  	v12 =	vtrunc.f32 v12;
	v18 =	vld [tilespmem:s25+$0xFFFFFFD0];
	v19 =	vmul.f32 $1.500000000e+01, v5;
	vm4 =	vgt.f32 v5, $0.0e+00  }
0x48b: {  	v14 =	vtrunc.f32 v14;
	v20 =	vld [tilespmem:s26+$0xFFFFFFD0];
	v21 =	vmul.f32 $1.500000000e+01, v10;
	vm6 =	vlt.s32 v11, $0xE  }
0x48c: {  	vm8 =	vgt.f32 v9, $0.0e+00;
	v17 =	vtrunc.f32 v17;
	v22 =	vld [tilespmem:s25+$0xFFFFFFE0];
	v11 =	vnsel vm6, $0xE, v11  }
0x48d: {  	v19 =	vtrunc.f32 v19;
	v23 =	vld [tilespmem:s26+$0xFFFFFFE0];
	v11 =	vadd.s32 v1, v11;
	vm6 =	veq.s32 v13, v15  }
0x48e: {  	v21 =	vtrunc.f32 v21;
	v13 =	vmul.f32 $1.500000000e+01, v16;
	v15 =	vld [tilespmem:s25+$0xFFFFFFF0];
	vm9 =	vmand vm8, vm6  }
0x48f: {  	v12 =	vcvt.f32.s32 v12;
	v14 =	vcvt.f32.s32 v14;
	vm6 =	vgt.f32 v16, $0.0e+00;
	v24 =	vld [tilespmem:s26+$0xFFFFFFF0]  }
0x490: {  	v17 =	vcvt.f32.s32 v17;
	v13 =	vtrunc.f32 v13;
	vm7 =	veq.s32 v18, v20;
	v18 =	vld [tilespmem:s25+$0x0]  }
0x491: {  	vm10 =	vlt.s32 v12, $0xE;
	v19 =	vcvt.f32.s32 v19;
	v13 =	vcvt.f32.s32 v13;
	v20 =	vld [tilespmem:s26+$0x0]  }
0x492: {  	vm11 =	vlt.s32 v14, $0xE;
	vm12 =	vlt.s32 v17, $0xE;
	v21 =	vcvt.f32.s32 v21;
	[tilespmem:v11+s20+$0x0] =	vst.idx.add.f32.msk vm8, v2  }
0x493: {  	v12 =	vnsel vm10, $0xE, v12;
	vm10 =	vlt.s32 v19, $0xE;
	vm13 =	vlt.s32 v13, $0xE;
	[tilespmem:v11+s21+$0x0] =	vst.idx.add.f32.msk vm8, v9  }
0x494: {  	vm8 =	vlt.s32 v21, $0xE;
	v9 =	vnsel vm13, $0xE, v13;
	v13 =	vnsel vm11, $0xE, v14;
	[tilespmem:v11+s22+$0x0] =	vst.idx.add.f32.msk vm9, v2  }
0x495: {  	v11 =	vnsel vm12, $0xE, v17;
	v17 =	vnsel vm10, $0xE, v19;
	v19 =	vnsel vm8, $0xE, v21;
	v14 =	vld [tilespmem:s25+$0x10]  }
0x496: {  	vm8 =	veq.s32 v22, v23;
	vm9 =	veq.s32 v15, v24;
	vm10 =	veq.s32 v18, v20;
	v15 =	vld [tilespmem:s26+$0x10]  }
0x497: {  	v12 =	vadd.s32 v1, v12;
	vm11 =	vgt.f32 v10, $0.0e+00;
	v9 =	vadd.s32 v1, v9;
	v18 =	vld [tilespmem:s25+$0x20]  }
0x498: {  	v13 =	vadd.s32 v1, v13;
	v11 =	vadd.s32 v1, v11;
	v17 =	vadd.s32 v1, v17;
	v20 =	vld [tilespmem:s26+$0x20]  }
0x499: {  	vm12 =	vmand vm6, vm7;
	vm8 =	vmand vm5, vm8;
	v19 =	vadd.s32 v1, v19;
	[tilespmem:v4+s20+$0x0] =	vst.idx.add.f32.msk vm0, v2  }
0x49a: {  	vm9 =	vmand vm2, vm9;
	vm7 =	vmand vm3, vm10;
	[tilespmem:v4+s21+$0x0] =	vst.idx.add.f32.msk vm0, v3;
	v3 =	vmovc v10;
	vm0 =	vmmov vm11  }
0x49b: {  	vm10 =	veq.s32 v14, v15;
	[tilespmem:v4+s22+$0x0] =	vst.idx.add.f32.msk vm1, v2;
	v4 =	vmov v19  }
0x49c: {  	[tilespmem:v9+s20+$0x0] =	vst.idx.add.f32.msk vm6, v2;
	vm10 =	vmand vm4, vm10  }
0x49d: {  	[tilespmem:v9+s21+$0x0] =	vst.idx.add.f32.msk vm6, v16;
	vm1 =	veq.s32 v18, v20  }
0x49e: {  	[tilespmem:v12+s20+$0x0] =	vst.idx.add.f32.msk vm5, v2;
	vm1 =	vmand vm0, vm1  }
0x49f: {  	[tilespmem:v9+s22+$0x0] =	vst.idx.add.f32.msk vm12, v2  }
0x4a0: {  	[tilespmem:v12+s21+$0x0] =	vst.idx.add.f32.msk vm5, v8  }
0x4a1: {  	[tilespmem:v12+s22+$0x0] =	vst.idx.add.f32.msk vm8, v2  }
0x4a2: {  	[tilespmem:v13+s20+$0x0] =	vst.idx.add.f32.msk vm2, v2  }
0x4a3: {  	[tilespmem:v13+s21+$0x0] =	vst.idx.add.f32.msk vm2, v7  }
0x4a4: {  	[tilespmem:v13+s22+$0x0] =	vst.idx.add.f32.msk vm9, v2  }
0x4a5: {  	[tilespmem:v11+s20+$0x0] =	vst.idx.add.f32.msk vm3, v2  }
.Ltmp10:
0x4a6: {  	[tilespmem:v11+s21+$0x0] =	vst.idx.add.f32.msk vm3, v6;
	(pc) =	sbr.rel @p1 .LBB2_22-.Ltmp10, $4  }
0x4a7: {  	[tilespmem:v11+s22+$0x0] =	vst.idx.add.f32.msk vm7, v2  }
0x4a8: {  	[tilespmem:v17+s20+$0x0] =	vst.idx.add.f32.msk vm4, v2  }
0x4a9: {  	[tilespmem:v17+s21+$0x0] =	vst.idx.add.f32.msk vm4, v5  }
0x4aa: {  	s29 =	sadd.s32 $0x70, s29;
	[tilespmem:v17+s22+$0x0] =	vst.idx.add.f32.msk vm10, v2  }
0x4ab: {  	_ =	sdelay $0x4  }
0x4ac: {  	[tilespmem:v4+s20+$0x0] =	vst.idx.add.f32.msk vm0, v2  }
0x4ad: {  	[tilespmem:v4+s21+$0x0] =	vst.idx.add.f32.msk vm0, v3  }
0x4ae: {  	[tilespmem:v4+s22+$0x0] =	vst.idx.add.f32.msk vm1, v2  }
0x4af: {  	_ =	swait.ge [sflag:s23], $0x28B0  }
0x4b0: {  	[sflag:s23] =	ssyncset.done $0x0  }
0x4b1: {  	[sflag:s23] =	ssyncadd.s32 $0xFFFFD750  }
0x4b2: {  	_ =	swait.ge [sflag:s23], $0x28B0  }
0x4b3: {  	[sflag:s23] =	ssyncset.done $0x0  }
0x4b4: {  	[sflag:s23] =	ssyncadd.s32 $0xFFFFD750  }
0x4b5: {  	_ =	swait.ge [sflag:s23], $0x28B0  }
0x4b6: {  	[sflag:s23] =	ssyncset.done $0x0  }
0x4b7: {  	s28 =	simm.s32 $0x2930;
	[sflag:s23] =	ssyncadd.s32 $0xFFFFD750  }
0x4b8: {  	v4 =	vld [tilespmem:s28+$0x30]  }
0x4b9: {  	v5 =	vld [tilespmem:s28+$0xFFFFFFE0]  }
0x4ba: {  	v6 =	vld [tilespmem:s28+$0xFFFFFFF0]  }
0x4bb: {  	v7 =	vld [tilespmem:s28+$0x0]  }
0x4bc: {  	s25 =	simm.s32 $0x7B30;
	v8 =	vld [tilespmem:s28+$0x10]  }
0x4bd: {  	s26 =	simm.s32 $0xCD30;
	v9 =	vld [tilespmem:s25+$0x30];
	v3 =	vmul.f32 $1.500000000e+01, v4  }
0x4be: {  	v10 =	vld [tilespmem:s26+$0x30]  }
0x4bf: {  	v12 =	vld [tilespmem:s28+$0xFFFFFFD0];
	v11 =	vtrunc.f32 v3  }
0x4c0: {  	v13 =	vld [tilespmem:s25+$0xFFFFFFD0];
	v11 =	vcvt.f32.s32 v11  }
0x4c1: {  	v14 =	vld [tilespmem:s26+$0xFFFFFFD0]  }
0x4c2: {  	v15 =	vld [tilespmem:s25+$0xFFFFFFE0];
	vm0 =	vlt.s32 v11, $0xE  }
0x4c3: {  	v16 =	vld [tilespmem:s26+$0xFFFFFFE0];
	vm1 =	vgt.f32 v4, $0.0e+00;
	v11 =	vnsel vm0, $0xE, v11  }
0x4c4: {  	v52 =	vld [tilespmem:s25+$0xFFFFFFF0];
	v51 =	vmul.f32 $1.500000000e+01, v12;
	v11 =	vadd.s32 v1, v11  }
0x4c5: {  	v18 =	vld [tilespmem:s26+$0xFFFFFFF0];
	vm0 =	veq.s32 v9, v10  }
0x4c6: {  	v19 =	vld [tilespmem:s25+$0x0];
	v17 =	vmul.f32 $1.500000000e+01, v5;
	v9 =	vtrunc.f32 v51;
	vm2 =	vmand vm1, vm0  }
0x4c7: {  	v20 =	vld [tilespmem:s26+$0x0];
	v9 =	vcvt.f32.s32 v9  }
0x4c8: {  	v56 =	vld [tilespmem:s25+$0x10];
	v17 =	vtrunc.f32 v17  }
0x4c9: {  	v21 =	vmul.f32 $1.500000000e+01, v6;
	v17 =	vcvt.f32.s32 v17;
	vm3 =	vlt.s32 v9, $0xE;
	[tilespmem:v11+s20+$0x0] =	vst.idx.add.f32.msk vm1, v2  }
0x4ca: {  	vm4 =	vgt.f32 v12, $0.0e+00;
	v53 =	vmul.f32 $1.500000000e+01, v7;
	[tilespmem:v11+s21+$0x0] =	vst.idx.add.f32.msk vm1, v4;
	v4 =	vnsel vm3, $0xE, v9  }
0x4cb: {  	v57 =	vld [tilespmem:s26+$0x10];
	v54 =	vtrunc.f32 v21;
	vm1 =	vlt.s32 v17, $0xE;
	v4 =	vadd.s32 v1, v4  }
0x4cc: {  	vm0 =	vgt.f32 v5, $0.0e+00;
	[tilespmem:v11+s22+$0x0] =	vst.idx.add.f32.msk vm2, v2;
	vm2 =	veq.s32 v13, v14;
	v55 =	vnsel vm1, $0xE, v17  }
0x4cd: {  	v58 =	vld [tilespmem:s25+$0x20];
	v11 =	vcvt.f32.s32 v54;
	v13 =	vadd.s32 v1, v55;
	vm2 =	vmand vm4, vm2  }
0x4ce: {  	v59 =	vld [tilespmem:s26+$0x20];
	v60 =	vmul.f32 $1.500000000e+01, v8;
	vm3 =	veq.s32 v15, v16  }
0x4cf: {  	v3 =	vld [tilespmem:s28+$0x20];
	v9 =	vtrunc.f32 v53;
	vm3 =	vmand vm0, vm3;
	vm5 =	vlt.s32 v11, $0xE  }
0x4d0: {  	vm1 =	vgt.f32 v6, $0.0e+00;
	v9 =	vcvt.f32.s32 v9;
	v11 =	vnsel vm5, $0xE, v11;
	[tilespmem:v4+s20+$0x0] =	vst.idx.add.f32.msk vm4, v2  }
0x4d1: {  	vm13 =	veq.s32 v52, v18;
	v61 =	vadd.s32 v1, v11;
	[tilespmem:v4+s21+$0x0] =	vst.idx.add.f32.msk vm4, v12  }
0x4d2: {  	v62 =	vtrunc.f32 v60;
	vm14 =	vlt.s32 v9, $0xE;
	vm5 =	vmand vm1, vm13;
	[tilespmem:v13+s20+$0x0] =	vst.idx.add.f32.msk vm0, v2  }
0x4d3: {  	vm6 =	vgt.f32 v7, $0.0e+00;
	v9 =	vnsel vm14, $0xE, v9;
	v11 =	vcvt.f32.s32 v62;
	[tilespmem:v4+s22+$0x0] =	vst.idx.add.f32.msk vm2, v2  }
0x4d4: {  	vm2 =	veq.s32 v19, v20;
	v4 =	vadd.s32 v1, v9;
	[tilespmem:v13+s21+$0x0] =	vst.idx.add.f32.msk vm0, v5  }
0x4d5: {  	vm0 =	vlt.s32 v11, $0xE;
	vm2 =	vmand vm6, vm2;
	[tilespmem:v13+s22+$0x0] =	vst.idx.add.f32.msk vm3, v2  }
0x4d6: {  	vm3 =	vgt.f32 v8, $0.0e+00;
	v5 =	vnsel vm0, $0xE, v11;
	[tilespmem:v61+s20+$0x0] =	vst.idx.add.f32.msk vm1, v2  }
0x4d7: {  	v63 =	vmul.f32 $1.500000000e+01, v3;
	vm0 =	veq.s32 v56, v57;
	v5 =	vadd.s32 v1, v5;
	[tilespmem:v61+s21+$0x0] =	vst.idx.add.f32.msk vm1, v6  }
0x4d8: {  	vm15 =	vmand vm3, vm0;
	[tilespmem:v61+s22+$0x0] =	vst.idx.add.f32.msk vm5, v2  }
0x4d9: {  	v6 =	vtrunc.f32 v63;
	[tilespmem:v4+s20+$0x0] =	vst.idx.add.f32.msk vm6, v2  }
0x4da: {  	v6 =	vcvt.f32.s32 v6;
	[tilespmem:v4+s21+$0x0] =	vst.idx.add.f32.msk vm6, v7  }
0x4db: {  	[tilespmem:v4+s22+$0x0] =	vst.idx.add.f32.msk vm2, v2  }
0x4dc: {  	vm1 =	vgt.f32 v3, $0.0e+00;
	vm0 =	vlt.s32 v6, $0xE;
	[tilespmem:v5+s20+$0x0] =	vst.idx.add.f32.msk vm3, v2  }
0x4dd: {  	v4 =	vnsel vm0, $0xE, v6;
	vm0 =	vmmov vm1;
	vm1 =	veq.s32 v58, v59;
	[tilespmem:v5+s21+$0x0] =	vst.idx.add.f32.msk vm3, v8  }
0x4de: {  	s29 =	simm.s32 $0x29A0;
	s28 =	simm.s32 $0x0;
	v4 =	vadd.s32 v1, v4;
	vm1 =	vmand vm0, vm1;
	[tilespmem:v5+s22+$0x0] =	vst.idx.add.f32.msk vm15, v2  }
.LBB2_24:
0x4df: {  	v9 =	vld [tilespmem:s29+$0x30]  }
0x4e0: {  	v8 =	vld [tilespmem:s29+$0xFFFFFFE0]  }
0x4e1: {  	s28 =	sadd.s32 $0x7, s28;
	v7 =	vld [tilespmem:s29+$0xFFFFFFF0]  }
0x4e2: {  	p1 =	slt.u32 s28, $0x284;
	v6 =	vld [tilespmem:s29+$0x0]  }
0x4e3: {  	v5 =	vld [tilespmem:s29+$0x10]  }
0x4e4: {  	s25 =	sadd.s32 $0x70, s25;
	v10 =	vld [tilespmem:s29+$0x20];
	v11 =	vmul.f32 $1.500000000e+01, v9  }
0x4e5: {  	s26 =	sadd.s32 $0x70, s26;
	v12 =	vmul.f32 $1.500000000e+01, v8;
	vm5 =	vgt.f32 v8, $0.0e+00;
	v13 =	vld [tilespmem:s25+$0x30]  }
0x4e6: {  	v14 =	vmul.f32 $1.500000000e+01, v7;
	vm2 =	vgt.f32 v7, $0.0e+00;
	v15 =	vld [tilespmem:s26+$0x30];
	v11 =	vtrunc.f32 v11  }
0x4e7: {  	v16 =	vld [tilespmem:s29+$0xFFFFFFD0];
	v17 =	vmul.f32 $1.500000000e+01, v6;
	vm3 =	vgt.f32 v6, $0.0e+00;
	v11 =	vcvt.f32.s32 v11  }
0x4e8: {  	v12 =	vtrunc.f32 v12;
	v18 =	vld [tilespmem:s25+$0xFFFFFFD0];
	v19 =	vmul.f32 $1.500000000e+01, v5;
	vm4 =	vgt.f32 v5, $0.0e+00  }
0x4e9: {  	v14 =	vtrunc.f32 v14;
	v20 =	vld [tilespmem:s26+$0xFFFFFFD0];
	v21 =	vmul.f32 $1.500000000e+01, v10;
	vm6 =	vlt.s32 v11, $0xE  }
0x4ea: {  	vm8 =	vgt.f32 v9, $0.0e+00;
	v17 =	vtrunc.f32 v17;
	v22 =	vld [tilespmem:s25+$0xFFFFFFE0];
	v11 =	vnsel vm6, $0xE, v11  }
0x4eb: {  	v19 =	vtrunc.f32 v19;
	v23 =	vld [tilespmem:s26+$0xFFFFFFE0];
	v11 =	vadd.s32 v1, v11;
	vm6 =	veq.s32 v13, v15  }
0x4ec: {  	v21 =	vtrunc.f32 v21;
	v13 =	vmul.f32 $1.500000000e+01, v16;
	v15 =	vld [tilespmem:s25+$0xFFFFFFF0];
	vm9 =	vmand vm8, vm6  }
0x4ed: {  	v12 =	vcvt.f32.s32 v12;
	v14 =	vcvt.f32.s32 v14;
	vm6 =	vgt.f32 v16, $0.0e+00;
	v24 =	vld [tilespmem:s26+$0xFFFFFFF0]  }
0x4ee: {  	v17 =	vcvt.f32.s32 v17;
	v13 =	vtrunc.f32 v13;
	vm7 =	veq.s32 v18, v20;
	v18 =	vld [tilespmem:s25+$0x0]  }
0x4ef: {  	vm10 =	vlt.s32 v12, $0xE;
	v19 =	vcvt.f32.s32 v19;
	v13 =	vcvt.f32.s32 v13;
	v20 =	vld [tilespmem:s26+$0x0]  }
0x4f0: {  	vm11 =	vlt.s32 v14, $0xE;
	vm12 =	vlt.s32 v17, $0xE;
	v21 =	vcvt.f32.s32 v21;
	[tilespmem:v11+s20+$0x0] =	vst.idx.add.f32.msk vm8, v2  }
0x4f1: {  	v12 =	vnsel vm10, $0xE, v12;
	vm10 =	vlt.s32 v19, $0xE;
	vm13 =	vlt.s32 v13, $0xE;
	[tilespmem:v11+s21+$0x0] =	vst.idx.add.f32.msk vm8, v9  }
0x4f2: {  	vm8 =	vlt.s32 v21, $0xE;
	v9 =	vnsel vm13, $0xE, v13;
	v13 =	vnsel vm11, $0xE, v14;
	[tilespmem:v11+s22+$0x0] =	vst.idx.add.f32.msk vm9, v2  }
0x4f3: {  	v11 =	vnsel vm12, $0xE, v17;
	v17 =	vnsel vm10, $0xE, v19;
	v19 =	vnsel vm8, $0xE, v21;
	v14 =	vld [tilespmem:s25+$0x10]  }
0x4f4: {  	vm8 =	veq.s32 v22, v23;
	vm9 =	veq.s32 v15, v24;
	vm10 =	veq.s32 v18, v20;
	v15 =	vld [tilespmem:s26+$0x10]  }
0x4f5: {  	v12 =	vadd.s32 v1, v12;
	vm11 =	vgt.f32 v10, $0.0e+00;
	v9 =	vadd.s32 v1, v9;
	v18 =	vld [tilespmem:s25+$0x20]  }
0x4f6: {  	v13 =	vadd.s32 v1, v13;
	v11 =	vadd.s32 v1, v11;
	v17 =	vadd.s32 v1, v17;
	v20 =	vld [tilespmem:s26+$0x20]  }
0x4f7: {  	vm12 =	vmand vm6, vm7;
	vm8 =	vmand vm5, vm8;
	v19 =	vadd.s32 v1, v19;
	[tilespmem:v4+s20+$0x0] =	vst.idx.add.f32.msk vm0, v2  }
0x4f8: {  	vm9 =	vmand vm2, vm9;
	vm7 =	vmand vm3, vm10;
	[tilespmem:v4+s21+$0x0] =	vst.idx.add.f32.msk vm0, v3;
	v3 =	vmovc v10;
	vm0 =	vmmov vm11  }
0x4f9: {  	vm10 =	veq.s32 v14, v15;
	[tilespmem:v4+s22+$0x0] =	vst.idx.add.f32.msk vm1, v2;
	v4 =	vmov v19  }
0x4fa: {  	[tilespmem:v9+s20+$0x0] =	vst.idx.add.f32.msk vm6, v2;
	vm10 =	vmand vm4, vm10  }
0x4fb: {  	[tilespmem:v9+s21+$0x0] =	vst.idx.add.f32.msk vm6, v16;
	vm1 =	veq.s32 v18, v20  }
0x4fc: {  	[tilespmem:v12+s20+$0x0] =	vst.idx.add.f32.msk vm5, v2;
	vm1 =	vmand vm0, vm1  }
0x4fd: {  	[tilespmem:v9+s22+$0x0] =	vst.idx.add.f32.msk vm12, v2  }
0x4fe: {  	[tilespmem:v12+s21+$0x0] =	vst.idx.add.f32.msk vm5, v8  }
0x4ff: {  	[tilespmem:v12+s22+$0x0] =	vst.idx.add.f32.msk vm8, v2  }
0x500: {  	[tilespmem:v13+s20+$0x0] =	vst.idx.add.f32.msk vm2, v2  }
0x501: {  	[tilespmem:v13+s21+$0x0] =	vst.idx.add.f32.msk vm2, v7  }
0x502: {  	[tilespmem:v13+s22+$0x0] =	vst.idx.add.f32.msk vm9, v2  }
0x503: {  	[tilespmem:v11+s20+$0x0] =	vst.idx.add.f32.msk vm3, v2  }
.Ltmp11:
0x504: {  	[tilespmem:v11+s21+$0x0] =	vst.idx.add.f32.msk vm3, v6;
	(pc) =	sbr.rel @p1 .LBB2_24-.Ltmp11, $4  }
0x505: {  	[tilespmem:v11+s22+$0x0] =	vst.idx.add.f32.msk vm7, v2  }
0x506: {  	[tilespmem:v17+s20+$0x0] =	vst.idx.add.f32.msk vm4, v2  }
0x507: {  	[tilespmem:v17+s21+$0x0] =	vst.idx.add.f32.msk vm4, v5  }
0x508: {  	s29 =	sadd.s32 $0x70, s29;
	[tilespmem:v17+s22+$0x0] =	vst.idx.add.f32.msk vm10, v2  }
0x509: {  	_ =	sdelay $0x4  }
0x50a: {  	[tilespmem:v4+s20+$0x0] =	vst.idx.add.f32.msk vm0, v2  }
0x50b: {  	[tilespmem:v4+s21+$0x0] =	vst.idx.add.f32.msk vm0, v3  }
0x50c: {  	s25 =	simm.s32 @!p0 $0x0;
	s26 =	simm.s32 @!p0 $0xF980;
	[tilespmem:v4+s22+$0x0] =	vst.idx.add.f32.msk vm1, v2  }
0x50d: {  	[tilespmem:s26], [sflag:$0x1] =	stream.linear.gather @!p0 [hbm4b:s8+s25], $0x10, $0x38;
	[tilespmem:$0xFD00] =	vst v63  }
0x50e: {  	s26 =	simm.s32 @!p0 $0xFA00  }
0x50f: {  	[tilespmem:s26], [sflag:$0x1] =	stream.linear.gather @!p0 [hbm4b:s9+s25], $0x10, $0x38;
	[tilespmem:$0xFD00] =	vst v63  }
0x510: {  	s26 =	simm.s32 @!p0 $0xFA80  }
0x511: {  	[tilespmem:s26], [sflag:$0x1] =	stream.linear.gather @!p0 [hbm4b:s10+s25], $0x10, $0x38;
	[tilespmem:$0xFD00] =	vst v63  }
0x512: {  	s25 =	simm.s32 @!p0 $0x1  }
0x513: {  	_ =	swait.ge @!p0 [sflag:s25], $0x10  }
0x514: {  	[sflag:s25] =	ssyncset.done @!p0 $0x0  }
0x515: {  	[sflag:s25] =	ssyncadd.s32 @!p0 $0xFFFFFFF0  }
0x516: {  	_ =	swait.ge @!p0 [sflag:s25], $0x10  }
0x517: {  	[sflag:s25] =	ssyncset.done @!p0 $0x0  }
0x518: {  	[sflag:s25] =	ssyncadd.s32 @!p0 $0xFFFFFFF0  }
0x519: {  	_ =	swait.ge @!p0 [sflag:s25], $0x10  }
0x51a: {  	[sflag:s25] =	ssyncset.done @!p0 $0x0  }
0x51b: {  	[sflag:s25] =	ssyncadd.s32 @!p0 $0xFFFFFFF0  }
0x51c: {  	v3 =	vld @!p0 [tilespmem:$0xF980];
	_ =	sdelay $0x4  }
0x51d: {  	v4 =	vmul.f32 @!p0 $1.500000000e+01, v3  }
0x51e: {  	v5 =	vld @!p0 [tilespmem:$0xFA00]  }
0x51f: {  	v6 =	vld @!p0 [tilespmem:$0xFA80];
	v4 =	vtrunc.f32 @!p0 v4  }
0x520: {  	v4 =	vcvt.f32.s32 @!p0 v4  }
0x521: {  	v7 =	vlaneseq.u32 @!p0  }
0x522: {  	v7 =	vmul.u32 @!p0 $0x10, v7;
	vm0 =	vlt.s32 @!p0 v4, $0xE  }
0x523: {  	v4 =	vnsel @!p0 vm0, $0xE, v4;
	vm0 =	vgt.f32 @!p0 v3, $0.0e+00  }
0x524: {  	vm1 =	veq.s32 @!p0 v5, v6;
	v4 =	vadd.s32 @!p0 v7, v4  }
0x525: {  	vm1 =	vmand @!p0 vm0, vm1;
	_ =	sdelay $0x2  }
0x526: {  	s25 =	simm.s32 @!p0 $0xF680;
	v5 =	vimm.f32 @!p0 $1.000000000e+00  }
0x527: {  	[tilespmem:v4+s25+$0x0] =	vst.idx.add.f32.msk @!p0 vm0, v5;
	s25 =	simm.s32 @!p0 $0xF780  }
0x528: {  	[tilespmem:v4+s25+$0x0] =	vst.idx.add.f32.msk @!p0 vm0, v3;
	s25 =	simm.s32 @!p0 $0xF880  }
0x529: {  	[tilespmem:v4+s25+$0x0] =	vst.idx.add.f32.msk @!p0 vm1, v5  }
0x52a: {  	v3 =	vld [tilespmem:$0xF680]  }
0x52b: {  	v4 =	vld [tilespmem:$0xF780]  }
0x52c: {  	v5 =	vld [tilespmem:$0xF880]  }
0x52d: {  	v36 =	vld [tilespmem:$0xF690]  }
0x52e: {  	v37 =	vld [tilespmem:$0xF790]  }
0x52f: {  	v8 =	vld [tilespmem:$0xF890]  }
0x530: {  	v9 =	vld [tilespmem:$0xF6A0]  }
0x531: {  	v10 =	vld [tilespmem:$0xF7A0]  }
0x532: {  	v11 =	vld [tilespmem:$0xF8A0]  }
0x533: {  	v12 =	vld [tilespmem:$0xF6B0]  }
0x534: {  	v13 =	vld [tilespmem:$0xF7B0]  }
0x535: {  	v14 =	vld [tilespmem:$0xF8B0]  }
0x536: {  	v15 =	vld [tilespmem:$0xF6C0]  }
0x537: {  	v16 =	vld [tilespmem:$0xF7C0]  }
0x538: {  	v17 =	vld [tilespmem:$0xF8C0]  }
0x539: {  	v18 =	vld [tilespmem:$0xF6D0]  }
0x53a: {  	v19 =	vld [tilespmem:$0xF7D0]  }
0x53b: {  	v20 =	vld [tilespmem:$0xF8D0]  }
0x53c: {  	v21 =	vld [tilespmem:$0xF6E0]  }
0x53d: {  	v22 =	vld [tilespmem:$0xF7E0]  }
0x53e: {  	v23 =	vld [tilespmem:$0xF8E0];
	v3 =	vadd.f32 $0.0e+00, v3  }
0x53f: {  	v24 =	vld [tilespmem:$0xF6F0];
	v4 =	vadd.f32 $0.0e+00, v4  }
0x540: {  	v38 =	vld [tilespmem:$0xF7F0];
	v5 =	vadd.f32 $0.0e+00, v5;
	v3 =	vadd.f32 v36, v3  }
0x541: {  	v39 =	vld [tilespmem:$0xF8F0];
	v4 =	vadd.f32 v37, v4  }
0x542: {  	v40 =	vld [tilespmem:$0xF700];
	v5 =	vadd.f32 v8, v5;
	v3 =	vadd.f32 v9, v3  }
0x543: {  	v41 =	vld [tilespmem:$0xF800];
	v4 =	vadd.f32 v10, v4  }
0x544: {  	v42 =	vld [tilespmem:$0xF900];
	v5 =	vadd.f32 v11, v5;
	v3 =	vadd.f32 v12, v3  }
0x545: {  	v43 =	vld [tilespmem:$0xF710];
	v4 =	vadd.f32 v13, v4  }
0x546: {  	v44 =	vld [tilespmem:$0xF810];
	v5 =	vadd.f32 v14, v5;
	v3 =	vadd.f32 v15, v3  }
0x547: {  	v45 =	vld [tilespmem:$0xF910];
	v4 =	vadd.f32 v16, v4  }
0x548: {  	v46 =	vld [tilespmem:$0xF720];
	v5 =	vadd.f32 v17, v5;
	v3 =	vadd.f32 v18, v3  }
0x549: {  	v47 =	vld [tilespmem:$0xF820];
	v4 =	vadd.f32 v19, v4  }
0x54a: {  	v48 =	vld [tilespmem:$0xF920];
	v5 =	vadd.f32 v20, v5;
	v3 =	vadd.f32 v21, v3  }
0x54b: {  	v49 =	vld [tilespmem:$0xF730];
	v4 =	vadd.f32 v22, v4  }
0x54c: {  	v50 =	vld [tilespmem:$0xF830];
	v5 =	vadd.f32 v23, v5;
	v3 =	vadd.f32 v24, v3  }
0x54d: {  	v51 =	vld [tilespmem:$0xF930];
	v4 =	vadd.f32 v38, v4  }
0x54e: {  	v52 =	vld [tilespmem:$0xF740];
	v5 =	vadd.f32 v39, v5;
	v3 =	vadd.f32 v40, v3  }
0x54f: {  	v53 =	vld [tilespmem:$0xF840];
	v4 =	vadd.f32 v41, v4  }
0x550: {  	v54 =	vld [tilespmem:$0xF940];
	v5 =	vadd.f32 v42, v5;
	v3 =	vadd.f32 v43, v3  }
0x551: {  	v55 =	vld [tilespmem:$0xF750];
	v4 =	vadd.f32 v44, v4  }
0x552: {  	v56 =	vld [tilespmem:$0xF850];
	v5 =	vadd.f32 v45, v5;
	v3 =	vadd.f32 v46, v3  }
0x553: {  	v57 =	vld [tilespmem:$0xF950];
	v4 =	vadd.f32 v47, v4  }
0x554: {  	v58 =	vld [tilespmem:$0xF760];
	v5 =	vadd.f32 v48, v5;
	v3 =	vadd.f32 v49, v3  }
0x555: {  	v59 =	vld [tilespmem:$0xF860];
	v4 =	vadd.f32 v50, v4  }
0x556: {  	v60 =	vld [tilespmem:$0xF960];
	v5 =	vadd.f32 v51, v5;
	v3 =	vadd.f32 v52, v3  }
0x557: {  	v61 =	vld [tilespmem:$0xF770];
	v4 =	vadd.f32 v53, v4  }
0x558: {  	v62 =	vld [tilespmem:$0xF870];
	v5 =	vadd.f32 v54, v5;
	v3 =	vadd.f32 v55, v3  }
0x559: {  	v63 =	vld [tilespmem:$0xF970];
	v4 =	vadd.f32 v56, v4  }
0x55a: {  	v5 =	vadd.f32 v57, v5;
	v3 =	vadd.f32 v58, v3  }
0x55b: {  	v4 =	vadd.f32 v59, v4  }
0x55c: {  	v5 =	vadd.f32 v60, v5;
	v3 =	vadd.f32 v61, v3  }
0x55d: {  	v4 =	vadd.f32 v62, v4  }
0x55e: {  	s24 =	sadd.s32 $0x1, s24;
	v5 =	vadd.f32 v63, v5;
	[tilespmem:$0xFB00] =	vst v3  }
0x55f: {  	p1 =	sne.s32 s24, s12;
	[tilespmem:$0xFB80] =	vst v4  }
.Ltmp12:
0x560: {  	s29 =	simm.s32 $0xFB00;
	[tilespmem:$0xFC00] =	vst v5;
	(pc) =	sbr.rel @p1 .LBB2_1-.Ltmp12, $4  }
0x561: {  	[hbm4b:s11+s1] =	stream.linear.scatter [tilespmem:s29], [sflag:$0x3], $0x180, $0x38;
	[tilespmem:$0xFD00] =	vst v63  }
0x562: {  	_ =	swait.ge [sflag:s13], $0x180  }
0x563: {  	[sflag:s13] =	ssyncset.done $0x0  }
0x564: {  	[sflag:s13] =	ssyncadd.s32 $0xFFFFFE80  }
0x565: {  	_ =	sfence.sel $0x180000  }
0x566: {  	[bflag:$0x0] =	sbarrier.arrive $0xFFFF  }
0x567: {  	_ =	strace $0x90000047  }
0x568: {  	s0 =	stileid.u32;
	[bflag:$0x2] =	sbarrier.arrive $0xFFFF  }
0x569: {  	p0 =	sne.s32 s0, $0x0;
	s0 =	rddreg [dreg:$0x5]  }
0x56a: {  	s0 =	sadd.s32 @!p0 $0x100000, s0  }
0x56b: {  	[sflag:s0] =	ssyncadd.tile.s32 @!p0 $0x1;
	_ =	shalt  }
.Lfunc_end2:
_tile_overlayer_lowered:
.L_overlay_start_2:
0x56c: {  	(tag) =	ssettag $0x2  }
0x56d: {  	s0 =	rddreg [dreg:$0x0];
	s2 =	stileid.u32  }
0x56e: {  	s1 =	rddreg [dreg:$0x1];
	p0 =	sne.s32 s2, $0x0  }
0x56f: {  	s3 =	rddreg [dreg:$0x2];
	[bflag:$0x3] =	sbarrier.arrive $0xFFFF;
	s2 =	simm.s32 @!p0 $0x1C03  }
0x570: {  	[timem:s3], [sflag:s2] =	dma.local @!p0 [hbm:s0], s1  }
0x571: {  	s0 =	simm.s32 @!p0 $0x3  }
0x572: {  	_ =	swait.ge @!p0 [sflag:s0], s1  }
0x573: {  	s1 =	ssub.s32 @!p0 $0x0, s1;
	[sflag:s0] =	ssyncset.done @!p0 $0x0  }
0x574: {  	[sflag:s0] =	ssyncadd.s32 @!p0 s1  }
0x575: {  	[bflag:$0x3] =	sbarrier.arrive $0xFFFF  }
0x576: {  	_ =	shalt  }

</sc_bundles>
